<compile_context>
chip_gen: v7x
topology: tpu7x:2x2x1
jax: 0.10.2.dev20260603
libtpu: 0.0.44.dev20260713+nightly
codegen_flags: <defaults>
</compile_context>

<pallas_src>
import functools

import jax
import jax.numpy as jnp
from jax import lax
from jax.experimental import pallas as pl
from jax.experimental.pallas import tpu as pltpu
from jax.experimental.pallas import tpu_sc as plsc

N = 10000
E = 320000
H = 128
NC, NS = 2, 16
NW = NC * NS
BLK = 128
NPAD = 10240
RPW = NPAD // NW
KMAX = 96
CAPB = 192
CAP = CAPB * BLK
NEXT = N + 128
LROWS = NS * RPW
LPAD = LROWS + 256

DBLKS = 80
DEPW = DBLKS * BLK
DEPAD = NW * DEPW


def _agg_body(h_hbm, srcs_hbm, dsts_hbm, zrow_hbm, out_hbm,
              src_v, dst_v, rows0, rows1, acc_s, sem0, sem1):
    c = lax.axis_index("c")
    s = lax.axis_index("s")
    w = s * NC + c
    pltpu.sync_copy(srcs_hbm.at[w], src_v)
    pltpu.sync_copy(dsts_hbm.at[w], dst_v)
    pltpu.sync_copy(zrow_hbm, acc_s.at[pl.ds(s * RPW, RPW)])

    pltpu.async_copy(h_hbm.at[src_v.at[0]], rows0, sem0)

    @pl.loop(0, CAPB, step=2)
    def _(j):
        pltpu.make_async_copy(h_hbm.at[src_v.at[j]], rows0, sem0).wait()
        pltpu.async_copy(h_hbm.at[src_v.at[j + 1]], rows1, sem1)
        pltpu.sync_copy(rows0, acc_s.at[dst_v.at[j]], add=True)
        pltpu.make_async_copy(h_hbm.at[src_v.at[j + 1]], rows1, sem1).wait()
        j2 = jnp.minimum(j + 2, CAPB - 1)
        pltpu.async_copy(h_hbm.at[src_v.at[j2]], rows0, sem0)
        pltpu.sync_copy(rows1, acc_s.at[dst_v.at[j + 1]], add=True)

    pltpu.make_async_copy(h_hbm.at[src_v.at[CAPB - 1]], rows0, sem0).wait()
    pltpu.sync_copy(acc_s.at[pl.ds(s * RPW, RPW)],
                    out_hbm.at[pl.ds(w * RPW, RPW)])


def _deg_body(dsts_hbm, ones_hbm, zvec_hbm, out_hbm, dst_v, ones_v, deg_s):
    c = lax.axis_index("c")
    s = lax.axis_index("s")
    w = s * NC + c
    pltpu.sync_copy(dsts_hbm.at[w], dst_v)
    pltpu.sync_copy(ones_hbm, ones_v)
    pltpu.sync_copy(zvec_hbm, deg_s.at[pl.ds(s * (NPAD // NS), NPAD // NS)])
    plsc.subcore_barrier()

    @pl.loop(0, DBLKS)
    def _(j):
        pltpu.sync_copy(ones_v, deg_s.at[dst_v.at[j]], add=True)

    plsc.subcore_barrier()
    pltpu.sync_copy(deg_s.at[pl.ds(s * (NPAD // NS), NPAD // NS)],
                    out_hbm.at[c, pl.ds(s * (NPAD // NS), NPAD // NS)])


@functools.cache
def _sc_kernels():
    mesh = plsc.VectorSubcoreMesh(core_axis_name="c", subcore_axis_name="s")
    agg = pl.kernel(
        _agg_body,
        mesh=mesh,
        out_type=jax.ShapeDtypeStruct((NPAD, H), jnp.float32),
        scratch_types=[
            pltpu.VMEM((CAPB, BLK), jnp.int32),
            pltpu.VMEM((CAPB, BLK), jnp.int32),
            pltpu.VMEM((BLK, H), jnp.float32),
            pltpu.VMEM((BLK, H), jnp.float32),
            pltpu.VMEM_SHARED((LPAD, H), jnp.float32),
            pltpu.SemaphoreType.DMA,
            pltpu.SemaphoreType.DMA,
        ],
    )
    deg = pl.kernel(
        _deg_body,
        mesh=mesh,
        out_type=jax.ShapeDtypeStruct((NC, NPAD), jnp.float32),
        scratch_types=[
            pltpu.VMEM((DBLKS, BLK), jnp.int32),
            pltpu.VMEM((BLK,), jnp.float32),
            pltpu.VMEM_SHARED((NPAD,), jnp.float32),
        ],
    )
    return agg, deg


def _stage1(x_ref, w_ref, b_ref, o_ref):
    h = jnp.dot(x_ref[...], w_ref[...], preferred_element_type=jnp.float32)
    o_ref[...] = jnp.maximum(h + b_ref[...], 0.0)


def _stage_mid(a_ref, r_ref, w_ref, b_ref, o_ref):
    h = a_ref[0:N, :] * r_ref[...]
    h = jnp.dot(h, w_ref[...], preferred_element_type=jnp.float32)
    o_ref[...] = jnp.maximum(h + b_ref[...], 0.0)


def _norm_pad(h_ref, m_ref, v_ref, g_ref, be_ref, o_ref):
    o_ref[0:N, :] = ((h_ref[...] - m_ref[...]) / jnp.sqrt(v_ref[...] + 1e-5)
                     * g_ref[...] + be_ref[...])
    o_ref[N:NEXT, :] = jnp.zeros((NEXT - N, H), jnp.float32)


def _norm(h_ref, m_ref, v_ref, g_ref, be_ref, o_ref):
    o_ref[...] = ((h_ref[...] - m_ref[...]) / jnp.sqrt(v_ref[...] + 1e-5)
                  * g_ref[...] + be_ref[...])


def _pcall(body, rows):
    return pl.pallas_call(
        body, out_shape=jax.ShapeDtypeStruct((rows, H), jnp.float32))


def kernel(x, edge_index, W1, b1, W2, b2, W3, b3, gamma, beta, Wr, br, Wk, bk):
    src, dst = edge_index[0], edge_index[1]

    order = jnp.argsort(dst, stable=True)
    src_s = src[order]
    dst_s = dst[order]
    iE = jnp.arange(E, dtype=jnp.int32)
    occ = iE - jnp.searchsorted(dst_s, dst_s, side="left").astype(jnp.int32)
    occ = jnp.minimum(occ, KMAX - 1)
    wk = dst_s // RPW
    seg = wk * KMAX + occ
    key = seg * NPAD + dst_s
    ord2 = jnp.argsort(key)
    src_l, dst_l, seg_l = src_s[ord2], dst_s[ord2], seg[ord2]
    cnts = jnp.bincount(seg, length=NW * KMAX).astype(jnp.int32)
    padded = ((cnts + BLK - 1) // BLK) * BLK
    offs = (jnp.cumsum(padded.reshape(NW, KMAX), axis=1)
            - padded.reshape(NW, KMAX)).reshape(-1)
    pos_in = iE - jnp.searchsorted(seg_l, seg_l, side="left").astype(jnp.int32)
    slot = (seg_l // KMAX) * CAP + offs[seg_l] + pos_in
    all_slots = jnp.arange(NW * CAP, dtype=jnp.int32)
    pad_src = N + (all_slots % (NEXT - N))
    pad_dst = LROWS + (all_slots % (LPAD - LROWS))
    ldst = dst_l - (wk[ord2] - wk[ord2] // 2) * RPW
    srcs = pad_src.at[slot].set(src_l).reshape(NW, CAPB, BLK)
    dsts = pad_dst.at[slot].set(ldst).reshape(NW, CAPB, BLK)

    pid = jnp.arange(DEPAD - E, dtype=jnp.int32)
    dsts_deg = jnp.concatenate([dst, N + pid % (NPAD - N)]).reshape(
        NW, DBLKS, BLK)

    zrow = jnp.zeros((RPW, H), jnp.float32)
    zvec = jnp.zeros((NPAD // NS,), jnp.float32)
    ones = jnp.ones((BLK,), jnp.float32)
    b1r, b2r, b3r = (b.reshape(1, H) for b in (b1, b2, b3))
    gr, ber = gamma.reshape(1, H), beta.reshape(1, H)
    W1s = W1[: x.shape[1]]

    _agg_sc, _deg_sc = _sc_kernels()

    degp = _deg_sc(dsts_deg, ones, zvec)
    deg = degp[0, :N] + degp[1, :N]
    r = (1.0 / jnp.maximum(deg, 1.0)).reshape(N, 1)

    def stats1(xin, W, b):
        h = jax.nn.relu(xin @ W + b)
        m = h.mean(axis=0)
        v = ((h - m) ** 2).mean(axis=0)
        return m.reshape(1, H), v.reshape(1, H)

    def stats_mid(a, W, b):
        h = jax.nn.relu((a[:N] * r) @ W + b)
        m = h.mean(axis=0)
        v = ((h - m) ** 2).mean(axis=0)
        return m.reshape(1, H), v.reshape(1, H)

    hp1 = _pcall(_stage1, N)(x, W1s, b1r)
    m1, v1 = stats1(x, W1s, b1)
    h1 = _pcall(_norm_pad, NEXT)(hp1, m1, v1, gr, ber)
    a1 = _agg_sc(h1, srcs, dsts, zrow)

    hp2 = _pcall(_stage_mid, N)(a1, r, W2, b2r)
    m2, v2 = stats_mid(a1, W2, b2)
    h2 = _pcall(_norm_pad, NEXT)(hp2, m2, v2, gr, ber)
    a2 = _agg_sc(h2, srcs, dsts, zrow)

    hp3 = _pcall(_stage_mid, N)(a2, r, W3, b3r)
    m3, v3 = stats_mid(a2, W3, b3)
    h3 = _pcall(_norm, N)(hp3, m3, v3, gr, ber)

    pooled = h3.mean(axis=0, keepdims=True)
    regime_logits = pooled @ Wr + br
    risk = jax.nn.sigmoid(pooled @ Wk + bk)
    return (regime_logits, risk, h3)

# --- scband reference (transcript-rebuilt; emitter-appended) ---
"""Pipeline reference for scband-enhanced-ralecgnn-4329327035093 (READ-ONLY COPY).

The authoritative reference and input builder live on the scoring server;
editing this copy changes nothing except your own understanding.
"""

import jax, jax.numpy as jnp
import numpy as np

N_NODES = 10000
N_EDGES = 320000
NUM_FEATURES = 128
HIDDEN = 128
NUM_REGIMES = 5
EXTRA = 20  # first gnn layer expects num_features + 20 (theory/phase/memory enhancement slots)


def setup_inputs(seed: int = 0) -> dict:
    key = jax.random.key(seed)
    ks = jax.random.split(key, 16)
    x = jax.random.normal(ks[0], (N_NODES, NUM_FEATURES), dtype=jnp.float32)
    edge_index = jax.random.randint(ks[1], (2, N_EDGES), 0, N_NODES, dtype=jnp.int32)
    s = 0.05
    W1 = jax.random.normal(ks[2], (NUM_FEATURES + EXTRA, HIDDEN), dtype=jnp.float32) * s
    b1 = jnp.zeros((HIDDEN,), dtype=jnp.float32)
    W2 = jax.random.normal(ks[3], (HIDDEN, HIDDEN), dtype=jnp.float32) * s
    b2 = jnp.zeros((HIDDEN,), dtype=jnp.float32)
    W3 = jax.random.normal(ks[4], (HIDDEN, HIDDEN), dtype=jnp.float32) * s
    b3 = jnp.zeros((HIDDEN,), dtype=jnp.float32)
    gamma = jnp.ones((HIDDEN,), dtype=jnp.float32)
    beta = jnp.zeros((HIDDEN,), dtype=jnp.float32)
    Wr = jax.random.normal(ks[5], (HIDDEN, NUM_REGIMES), dtype=jnp.float32) * s
    br = jnp.zeros((NUM_REGIMES,), dtype=jnp.float32)
    Wk = jax.random.normal(ks[6], (HIDDEN, 1), dtype=jnp.float32) * s
    bk = jnp.zeros((1,), dtype=jnp.float32)
    return {"x": x, "edge_index": edge_index, "W1": W1, "b1": b1, "W2": W2, "b2": b2,
            "W3": W3, "b3": b3, "gamma": gamma, "beta": beta, "Wr": Wr, "br": br,
            "Wk": Wk, "bk": bk}


def _batch_norm(h, gamma, beta, eps=1e-5):
    mean = h.mean(axis=0)
    var = ((h - mean) ** 2).mean(axis=0)
    return (h - mean) / jnp.sqrt(var + eps) * gamma + beta


def _graph_aggregate(h, edge_index):
    src = edge_index[0]
    dst = edge_index[1]
    msgs = jnp.take(h, src, axis=0)  # gather over edges
    agg = jax.ops.segment_sum(msgs, dst, num_segments=h.shape[0])  # scatter-add
    deg = jax.ops.segment_sum(jnp.ones((src.shape[0],), dtype=h.dtype), dst,
                              num_segments=h.shape[0])
    return agg / jnp.maximum(deg, 1.0)[:, None]


def reference(x, edge_index, W1, b1, W2, b2, W3, b3, gamma, beta, Wr, br, Wk, bk):
    # Enhancement features (theory/phase/memory modules disabled) are zero slots
    h = jnp.concatenate([x, jnp.zeros((x.shape[0], EXTRA), dtype=x.dtype)], axis=1)
    layers = [(W1, b1), (W2, b2), (W3, b3)]
    for i, (W, b) in enumerate(layers):
        h = h @ W + b
        h = jax.nn.relu(h)
        h = _batch_norm(h, gamma, beta)
        # dropout is identity in eval mode
        if i < len(layers) - 1:
            h = _graph_aggregate(h, edge_index)
    pooled = h.mean(axis=0, keepdims=True)
    regime_logits = pooled @ Wr + br
    risk_score = jax.nn.sigmoid(pooled @ Wk + bk)
    return (regime_logits, risk_score, h)

if __name__ == "__main__":
    import jax
    _d = setup_inputs()
    print(jax.jit(kernel)(*tuple(_d.values())))

</pallas_src>

<mosaic_0001>
#map = affine_map<(d0, d1) -> (0, 0)>
#map1 = affine_map<(d0, d1) -> (0, 0, 0)>
module attributes {stable_mosaic.version = 14 : i64} {
  func.func @_agg_body(%arg0: i32, %arg1: i32, %arg2: memref<10128x128xf32, #tpu.memory_space<hbm>>, %arg3: memref<32x192x128xi32, #tpu.memory_space<hbm>>, %arg4: memref<32x192x128xi32, #tpu.memory_space<hbm>>, %arg5: memref<320x128xf32, #tpu.memory_space<hbm>>, %arg6: memref<10240x128xf32, #tpu.memory_space<hbm>>, %arg7: memref<192x128xi32, #tpu.memory_space<vmem>>, %arg8: memref<192x128xi32, #tpu.memory_space<vmem>>, %arg9: memref<128x128xf32, #tpu.memory_space<vmem>>, %arg10: memref<128x128xf32, #tpu.memory_space<vmem>>, %arg11: memref<5376x128xf32, #tpu.memory_space<vmem_shared>>, %arg12: memref<!tpu.dma_semaphore, #tpu.memory_space<semaphore_mem>>, %arg13: memref<!tpu.dma_semaphore, #tpu.memory_space<semaphore_mem>>) attributes {dimension_semantics = [#tpu.dimension_semantics<core_parallel>, #tpu.dimension_semantics<subcore_parallel>], iteration_bounds = array<i64: 2, 16>, scalar_prefetch = 0 : i64, scratch_operands = 7 : i64, tpu.core_type = #tpu.core_type<sc_vector_subcore>, window_params = [{transform_indices = #map}, {transform_indices = #map1}, {transform_indices = #map1}, {transform_indices = #map}, {transform_indices = #map}]} {
    %mul3A = arith.constant 2 : i32
    %mul3A_0 = arith.muli %arg1, %mul3A : i32
    %add3A = arith.addi %mul3A_0, %arg0 : i32
    "tpu.region"() ({
      %run_scoped3A = tpu.sem_alloc : memref<!tpu.dma_semaphore, #tpu.memory_space<semaphore_mem>>
      %dma_start3A_23 = arith.constant 0 : i32
      %dma_start3A_24 = arith.constant 0 : i32
      %dma_start3A_25 = tpu.memref_slice %arg3[%add3A, %dma_start3A_23, %dma_start3A_24] : memref<32x192x128xi32, #tpu.memory_space<hbm>> -> memref<1x192x128xi32, #tpu.memory_space<hbm>>
      %dma_start3A_26 = tpu.memref_squeeze %dma_start3A_25 : memref<1x192x128xi32, #tpu.memory_space<hbm>> -> memref<192x128xi32, #tpu.memory_space<hbm>>
      %dma_start3A_27 = arith.constant 0 : i32
      %dma_start3A_28 = arith.constant 0 : i32
      %dma_start3A_29 = tpu.memref_slice %arg3[%add3A, %dma_start3A_27, %dma_start3A_28] : memref<32x192x128xi32, #tpu.memory_space<hbm>> -> memref<1x192x128xi32, #tpu.memory_space<hbm>>
      %dma_start3A_30 = tpu.memref_squeeze %dma_start3A_29 : memref<1x192x128xi32, #tpu.memory_space<hbm>> -> memref<192x128xi32, #tpu.memory_space<hbm>>
      tpu.enqueue_dma source(%dma_start3A_30 : memref<192x128xi32, #tpu.memory_space<hbm>>) target(%arg7 : memref<192x128xi32, #tpu.memory_space<vmem>>) target_semaphore(%run_scoped3A : memref<!tpu.dma_semaphore, #tpu.memory_space<semaphore_mem>>)
      %dma_wait3A_31 = arith.constant 0 : i32
      %dma_wait3A_32 = arith.constant 0 : i32
      %dma_wait3A_33 = tpu.memref_slice %arg3[%add3A, %dma_wait3A_31, %dma_wait3A_32] : memref<32x192x128xi32, #tpu.memory_space<hbm>> -> memref<1x192x128xi32, #tpu.memory_space<hbm>>
      %dma_wait3A_34 = tpu.memref_squeeze %dma_wait3A_33 : memref<1x192x128xi32, #tpu.memory_space<hbm>> -> memref<192x128xi32, #tpu.memory_space<hbm>>
      %dma_wait3A_35 = arith.constant 0 : i32
      %dma_wait3A_36 = arith.constant 0 : i32
      %dma_wait3A_37 = tpu.memref_slice %arg3[%add3A, %dma_wait3A_35, %dma_wait3A_36] : memref<32x192x128xi32, #tpu.memory_space<hbm>> -> memref<1x192x128xi32, #tpu.memory_space<hbm>>
      %dma_wait3A_38 = tpu.memref_squeeze %dma_wait3A_37 : memref<1x192x128xi32, #tpu.memory_space<hbm>> -> memref<192x128xi32, #tpu.memory_space<hbm>>
      tpu.wait_dma2 semaphore(%run_scoped3A : memref<!tpu.dma_semaphore, #tpu.memory_space<semaphore_mem>>) src(%dma_wait3A_38 : memref<192x128xi32, #tpu.memory_space<hbm>>) dst(%arg7 : memref<192x128xi32, #tpu.memory_space<vmem>>)
      tpu.yield
    }) : () -> ()
    "tpu.region"() ({
      %run_scoped3A = tpu.sem_alloc : memref<!tpu.dma_semaphore, #tpu.memory_space<semaphore_mem>>
      %dma_start3A_23 = arith.constant 0 : i32
      %dma_start3A_24 = arith.constant 0 : i32
      %dma_start3A_25 = tpu.memref_slice %arg4[%add3A, %dma_start3A_23, %dma_start3A_24] : memref<32x192x128xi32, #tpu.memory_space<hbm>> -> memref<1x192x128xi32, #tpu.memory_space<hbm>>
      %dma_start3A_26 = tpu.memref_squeeze %dma_start3A_25 : memref<1x192x128xi32, #tpu.memory_space<hbm>> -> memref<192x128xi32, #tpu.memory_space<hbm>>
      %dma_start3A_27 = arith.constant 0 : i32
      %dma_start3A_28 = arith.constant 0 : i32
      %dma_start3A_29 = tpu.memref_slice %arg4[%add3A, %dma_start3A_27, %dma_start3A_28] : memref<32x192x128xi32, #tpu.memory_space<hbm>> -> memref<1x192x128xi32, #tpu.memory_space<hbm>>
      %dma_start3A_30 = tpu.memref_squeeze %dma_start3A_29 : memref<1x192x128xi32, #tpu.memory_space<hbm>> -> memref<192x128xi32, #tpu.memory_space<hbm>>
      tpu.enqueue_dma source(%dma_start3A_30 : memref<192x128xi32, #tpu.memory_space<hbm>>) target(%arg8 : memref<192x128xi32, #tpu.memory_space<vmem>>) target_semaphore(%run_scoped3A : memref<!tpu.dma_semaphore, #tpu.memory_space<semaphore_mem>>)
      %dma_wait3A_31 = arith.constant 0 : i32
      %dma_wait3A_32 = arith.constant 0 : i32
      %dma_wait3A_33 = tpu.memref_slice %arg4[%add3A, %dma_wait3A_31, %dma_wait3A_32] : memref<32x192x128xi32, #tpu.memory_space<hbm>> -> memref<1x192x128xi32, #tpu.memory_space<hbm>>
      %dma_wait3A_34 = tpu.memref_squeeze %dma_wait3A_33 : memref<1x192x128xi32, #tpu.memory_space<hbm>> -> memref<192x128xi32, #tpu.memory_space<hbm>>
      %dma_wait3A_35 = arith.constant 0 : i32
      %dma_wait3A_36 = arith.constant 0 : i32
      %dma_wait3A_37 = tpu.memref_slice %arg4[%add3A, %dma_wait3A_35, %dma_wait3A_36] : memref<32x192x128xi32, #tpu.memory_space<hbm>> -> memref<1x192x128xi32, #tpu.memory_space<hbm>>
      %dma_wait3A_38 = tpu.memref_squeeze %dma_wait3A_37 : memref<1x192x128xi32, #tpu.memory_space<hbm>> -> memref<192x128xi32, #tpu.memory_space<hbm>>
      tpu.wait_dma2 semaphore(%run_scoped3A : memref<!tpu.dma_semaphore, #tpu.memory_space<semaphore_mem>>) src(%dma_wait3A_38 : memref<192x128xi32, #tpu.memory_space<hbm>>) dst(%arg8 : memref<192x128xi32, #tpu.memory_space<vmem>>)
      tpu.yield
    }) : () -> ()
    %mul3A_1 = arith.constant 320 : i32
    %mul3A_2 = arith.muli %arg1, %mul3A_1 : i32
    "tpu.region"() ({
      %run_scoped3A = tpu.sem_alloc : memref<!tpu.dma_semaphore, #tpu.memory_space<semaphore_mem>>
      %dma_start3A_23 = arith.constant 0 : i32
      %dma_start3A_24 = tpu.memref_slice %arg11[%mul3A_2, %dma_start3A_23] : memref<5376x128xf32, #tpu.memory_space<vmem_shared>> -> memref<320x128xf32, #tpu.memory_space<vmem_shared>>
      tpu.enqueue_dma source(%arg5 : memref<320x128xf32, #tpu.memory_space<hbm>>) target(%dma_start3A_24 : memref<320x128xf32, #tpu.memory_space<vmem_shared>>) target_semaphore(%run_scoped3A : memref<!tpu.dma_semaphore, #tpu.memory_space<semaphore_mem>>)
      %dma_wait3A_25 = arith.constant 0 : i32
      %dma_wait3A_26 = tpu.memref_slice %arg11[%mul3A_2, %dma_wait3A_25] : memref<5376x128xf32, #tpu.memory_space<vmem_shared>> -> memref<320x128xf32, #tpu.memory_space<vmem_shared>>
      tpu.wait_dma2 semaphore(%run_scoped3A : memref<!tpu.dma_semaphore, #tpu.memory_space<semaphore_mem>>) src(%arg5 : memref<320x128xf32, #tpu.memory_space<hbm>>) dst(%dma_wait3A_26 : memref<320x128xf32, #tpu.memory_space<vmem_shared>>)
      tpu.yield
    }) : () -> ()
    %dma_start3A = arith.constant 0 : i32
    %dma_start3A_3 = arith.constant 0 : i32
    %dma_start3A_4 = tpu.memref_slice %arg7[%dma_start3A, %dma_start3A_3] : memref<192x128xi32, #tpu.memory_space<vmem>> -> memref<1x128xi32, #tpu.memory_space<vmem>>
    %dma_start3A_5 = tpu.memref_squeeze %dma_start3A_4 : memref<1x128xi32, #tpu.memory_space<vmem>> -> memref<128xi32, #tpu.memory_space<vmem>>
    %dma_start3A_6 = arith.constant 0 : i32
    %dma_start3A_7 = arith.constant 0 : i32
    %dma_start3A_8 = tpu.memref_slice %arg2[%dma_start3A_6, %dma_start3A_7] : memref<10128x128xf32, #tpu.memory_space<hbm>> -> memref<10128x128xf32, #tpu.memory_space<hbm>>
    tpu.enqueue_indirect_dma source(%dma_start3A_8 : memref<10128x128xf32, #tpu.memory_space<hbm>>) target(%arg9 : memref<128x128xf32, #tpu.memory_space<vmem>>) offsets(%dma_start3A_5 : memref<128xi32, #tpu.memory_space<vmem>>) semaphore(%arg12 : memref<!tpu.dma_semaphore, #tpu.memory_space<semaphore_mem>>)
    %scan3A = arith.constant 0 : i32
    %scan3A_9 = arith.constant 96 : i32
    %scan3A_10 = arith.addi %scan3A, %scan3A_9 : i32
    %scan3A_11 = arith.constant 1 : i32
    scf.for %scan3A_23 = %scan3A to %scan3A_10 step %scan3A_11  : i32 {
      %mul3A_24 = arith.constant 2 : i32
      %mul3A_25 = arith.muli %scan3A_23, %mul3A_24 : i32
      %add3A_26 = arith.constant 0 : i32
      %add3A_27 = arith.addi %add3A_26, %mul3A_25 : i32
      %dma_wait3A_28 = arith.constant 0 : i32
      %dma_wait3A_29 = tpu.memref_slice %arg7[%add3A_27, %dma_wait3A_28] : memref<192x128xi32, #tpu.memory_space<vmem>> -> memref<1x128xi32, #tpu.memory_space<vmem>>
      %dma_wait3A_30 = tpu.memref_squeeze %dma_wait3A_29 : memref<1x128xi32, #tpu.memory_space<vmem>> -> memref<128xi32, #tpu.memory_space<vmem>>
      %dma_wait3A_31 = arith.constant 0 : i32
      %dma_wait3A_32 = arith.constant 0 : i32
      %dma_wait3A_33 = tpu.memref_slice %arg2[%dma_wait3A_31, %dma_wait3A_32] : memref<10128x128xf32, #tpu.memory_space<hbm>> -> memref<10128x128xf32, #tpu.memory_space<hbm>>
      tpu.wait_indirect_dma semaphore(%arg12 : memref<!tpu.dma_semaphore, #tpu.memory_space<semaphore_mem>>) src(%dma_wait3A_33 : memref<10128x128xf32, #tpu.memory_space<hbm>>) dst(%arg9 : memref<128x128xf32, #tpu.memory_space<vmem>>)
      %add3A_34 = arith.constant 1 : i32
      %add3A_35 = arith.addi %add3A_27, %add3A_34 : i32
      %dma_start3A_36 = arith.constant 0 : i32
      %dma_start3A_37 = tpu.memref_slice %arg7[%add3A_35, %dma_start3A_36] : memref<192x128xi32, #tpu.memory_space<vmem>> -> memref<1x128xi32, #tpu.memory_space<vmem>>
      %dma_start3A_38 = tpu.memref_squeeze %dma_start3A_37 : memref<1x128xi32, #tpu.memory_space<vmem>> -> memref<128xi32, #tpu.memory_space<vmem>>
      %dma_start3A_39 = arith.constant 0 : i32
      %dma_start3A_40 = arith.constant 0 : i32
      %dma_start3A_41 = tpu.memref_slice %arg2[%dma_start3A_39, %dma_start3A_40] : memref<10128x128xf32, #tpu.memory_space<hbm>> -> memref<10128x128xf32, #tpu.memory_space<hbm>>
      tpu.enqueue_indirect_dma source(%dma_start3A_41 : memref<10128x128xf32, #tpu.memory_space<hbm>>) target(%arg10 : memref<128x128xf32, #tpu.memory_space<vmem>>) offsets(%dma_start3A_38 : memref<128xi32, #tpu.memory_space<vmem>>) semaphore(%arg13 : memref<!tpu.dma_semaphore, #tpu.memory_space<semaphore_mem>>)
      "tpu.region"() ({
        %run_scoped3A = tpu.sem_alloc : memref<!tpu.dma_semaphore, #tpu.memory_space<semaphore_mem>>
        %dma_start3A_61 = arith.constant 0 : i32
        %dma_start3A_62 = tpu.memref_slice %arg8[%add3A_27, %dma_start3A_61] : memref<192x128xi32, #tpu.memory_space<vmem>> -> memref<1x128xi32, #tpu.memory_space<vmem>>
        %dma_start3A_63 = tpu.memref_squeeze %dma_start3A_62 : memref<1x128xi32, #tpu.memory_space<vmem>> -> memref<128xi32, #tpu.memory_space<vmem>>
        %dma_start3A_64 = arith.constant 0 : i32
        %dma_start3A_65 = arith.constant 0 : i32
        %dma_start3A_66 = tpu.memref_slice %arg11[%dma_start3A_64, %dma_start3A_65] : memref<5376x128xf32, #tpu.memory_space<vmem_shared>> -> memref<5376x128xf32, #tpu.memory_space<vmem_shared>>
        tpu.enqueue_indirect_dma source(%arg9 : memref<128x128xf32, #tpu.memory_space<vmem>>) target(%dma_start3A_66 : memref<5376x128xf32, #tpu.memory_space<vmem_shared>>) offsets(%dma_start3A_63 : memref<128xi32, #tpu.memory_space<vmem>>) semaphore(%run_scoped3A : memref<!tpu.dma_semaphore, #tpu.memory_space<semaphore_mem>>) {add = true}
        %dma_wait3A_67 = arith.constant 0 : i32
        %dma_wait3A_68 = tpu.memref_slice %arg8[%add3A_27, %dma_wait3A_67] : memref<192x128xi32, #tpu.memory_space<vmem>> -> memref<1x128xi32, #tpu.memory_space<vmem>>
        %dma_wait3A_69 = tpu.memref_squeeze %dma_wait3A_68 : memref<1x128xi32, #tpu.memory_space<vmem>> -> memref<128xi32, #tpu.memory_space<vmem>>
        %dma_wait3A_70 = arith.constant 0 : i32
        %dma_wait3A_71 = arith.constant 0 : i32
        %dma_wait3A_72 = tpu.memref_slice %arg11[%dma_wait3A_70, %dma_wait3A_71] : memref<5376x128xf32, #tpu.memory_space<vmem_shared>> -> memref<5376x128xf32, #tpu.memory_space<vmem_shared>>
        tpu.wait_indirect_dma semaphore(%run_scoped3A : memref<!tpu.dma_semaphore, #tpu.memory_space<semaphore_mem>>) src(%arg9 : memref<128x128xf32, #tpu.memory_space<vmem>>) dst(%dma_wait3A_72 : memref<5376x128xf32, #tpu.memory_space<vmem_shared>>)
        tpu.yield
      }) : () -> ()
      %add3A_42 = arith.constant 1 : i32
      %add3A_43 = arith.addi %add3A_27, %add3A_42 : i32
      %dma_wait3A_44 = arith.constant 0 : i32
      %dma_wait3A_45 = tpu.memref_slice %arg7[%add3A_43, %dma_wait3A_44] : memref<192x128xi32, #tpu.memory_space<vmem>> -> memref<1x128xi32, #tpu.memory_space<vmem>>
      %dma_wait3A_46 = tpu.memref_squeeze %dma_wait3A_45 : memref<1x128xi32, #tpu.memory_space<vmem>> -> memref<128xi32, #tpu.memory_space<vmem>>
      %dma_wait3A_47 = arith.constant 0 : i32
      %dma_wait3A_48 = arith.constant 0 : i32
      %dma_wait3A_49 = tpu.memref_slice %arg2[%dma_wait3A_47, %dma_wait3A_48] : memref<10128x128xf32, #tpu.memory_space<hbm>> -> memref<10128x128xf32, #tpu.memory_space<hbm>>
      tpu.wait_indirect_dma semaphore(%arg13 : memref<!tpu.dma_semaphore, #tpu.memory_space<semaphore_mem>>) src(%dma_wait3A_49 : memref<10128x128xf32, #tpu.memory_space<hbm>>) dst(%arg10 : memref<128x128xf32, #tpu.memory_space<vmem>>)
      %add3A_50 = arith.constant 2 : i32
      %add3A_51 = arith.addi %add3A_27, %add3A_50 : i32
      %min3A = arith.constant 191 : i32
      %min3A_52 = arith.minsi %add3A_51, %min3A : i32
      %dma_start3A_53 = arith.constant 0 : i32
      %dma_start3A_54 = tpu.memref_slice %arg7[%min3A_52, %dma_start3A_53] : memref<192x128xi32, #tpu.memory_space<vmem>> -> memref<1x128xi32, #tpu.memory_space<vmem>>
      %dma_start3A_55 = tpu.memref_squeeze %dma_start3A_54 : memref<1x128xi32, #tpu.memory_space<vmem>> -> memref<128xi32, #tpu.memory_space<vmem>>
      %dma_start3A_56 = arith.constant 0 : i32
      %dma_start3A_57 = arith.constant 0 : i32
      %dma_start3A_58 = tpu.memref_slice %arg2[%dma_start3A_56, %dma_start3A_57] : memref<10128x128xf32, #tpu.memory_space<hbm>> -> memref<10128x128xf32, #tpu.memory_space<hbm>>
      tpu.enqueue_indirect_dma source(%dma_start3A_58 : memref<10128x128xf32, #tpu.memory_space<hbm>>) target(%arg9 : memref<128x128xf32, #tpu.memory_space<vmem>>) offsets(%dma_start3A_55 : memref<128xi32, #tpu.memory_space<vmem>>) semaphore(%arg12 : memref<!tpu.dma_semaphore, #tpu.memory_space<semaphore_mem>>)
      %add3A_59 = arith.constant 1 : i32
      %add3A_60 = arith.addi %add3A_27, %add3A_59 : i32
      "tpu.region"() ({
        %run_scoped3A = tpu.sem_alloc : memref<!tpu.dma_semaphore, #tpu.memory_space<semaphore_mem>>
        %dma_start3A_61 = arith.constant 0 : i32
        %dma_start3A_62 = tpu.memref_slice %arg8[%add3A_60, %dma_start3A_61] : memref<192x128xi32, #tpu.memory_space<vmem>> -> memref<1x128xi32, #tpu.memory_space<vmem>>
        %dma_start3A_63 = tpu.memref_squeeze %dma_start3A_62 : memref<1x128xi32, #tpu.memory_space<vmem>> -> memref<128xi32, #tpu.memory_space<vmem>>
        %dma_start3A_64 = arith.constant 0 : i32
        %dma_start3A_65 = arith.constant 0 : i32
        %dma_start3A_66 = tpu.memref_slice %arg11[%dma_start3A_64, %dma_start3A_65] : memref<5376x128xf32, #tpu.memory_space<vmem_shared>> -> memref<5376x128xf32, #tpu.memory_space<vmem_shared>>
        tpu.enqueue_indirect_dma source(%arg10 : memref<128x128xf32, #tpu.memory_space<vmem>>) target(%dma_start3A_66 : memref<5376x128xf32, #tpu.memory_space<vmem_shared>>) offsets(%dma_start3A_63 : memref<128xi32, #tpu.memory_space<vmem>>) semaphore(%run_scoped3A : memref<!tpu.dma_semaphore, #tpu.memory_space<semaphore_mem>>) {add = true}
        %dma_wait3A_67 = arith.constant 0 : i32
        %dma_wait3A_68 = tpu.memref_slice %arg8[%add3A_60, %dma_wait3A_67] : memref<192x128xi32, #tpu.memory_space<vmem>> -> memref<1x128xi32, #tpu.memory_space<vmem>>
        %dma_wait3A_69 = tpu.memref_squeeze %dma_wait3A_68 : memref<1x128xi32, #tpu.memory_space<vmem>> -> memref<128xi32, #tpu.memory_space<vmem>>
        %dma_wait3A_70 = arith.constant 0 : i32
        %dma_wait3A_71 = arith.constant 0 : i32
        %dma_wait3A_72 = tpu.memref_slice %arg11[%dma_wait3A_70, %dma_wait3A_71] : memref<5376x128xf32, #tpu.memory_space<vmem_shared>> -> memref<5376x128xf32, #tpu.memory_space<vmem_shared>>
        tpu.wait_indirect_dma semaphore(%run_scoped3A : memref<!tpu.dma_semaphore, #tpu.memory_space<semaphore_mem>>) src(%arg10 : memref<128x128xf32, #tpu.memory_space<vmem>>) dst(%dma_wait3A_72 : memref<5376x128xf32, #tpu.memory_space<vmem_shared>>)
        tpu.yield
      }) : () -> ()
    }
    %scan3A_12 = arith.constant 96 : i32
    %dma_wait3A = arith.constant 191 : i32
    %dma_wait3A_13 = arith.constant 0 : i32
    %dma_wait3A_14 = tpu.memref_slice %arg7[%dma_wait3A, %dma_wait3A_13] : memref<192x128xi32, #tpu.memory_space<vmem>> -> memref<1x128xi32, #tpu.memory_space<vmem>>
    %dma_wait3A_15 = tpu.memref_squeeze %dma_wait3A_14 : memref<1x128xi32, #tpu.memory_space<vmem>> -> memref<128xi32, #tpu.memory_space<vmem>>
    %dma_wait3A_16 = arith.constant 0 : i32
    %dma_wait3A_17 = arith.constant 0 : i32
    %dma_wait3A_18 = tpu.memref_slice %arg2[%dma_wait3A_16, %dma_wait3A_17] : memref<10128x128xf32, #tpu.memory_space<hbm>> -> memref<10128x128xf32, #tpu.memory_space<hbm>>
    tpu.wait_indirect_dma semaphore(%arg12 : memref<!tpu.dma_semaphore, #tpu.memory_space<semaphore_mem>>) src(%dma_wait3A_18 : memref<10128x128xf32, #tpu.memory_space<hbm>>) dst(%arg9 : memref<128x128xf32, #tpu.memory_space<vmem>>)
    %mul3A_19 = arith.constant 320 : i32
    %mul3A_20 = arith.muli %arg1, %mul3A_19 : i32
    %mul3A_21 = arith.constant 320 : i32
    %mul3A_22 = arith.muli %add3A, %mul3A_21 : i32
    "tpu.region"() ({
      %run_scoped3A = tpu.sem_alloc : memref<!tpu.dma_semaphore, #tpu.memory_space<semaphore_mem>>
      %dma_start3A_23 = arith.constant 0 : i32
      %dma_start3A_24 = tpu.memref_slice %arg6[%mul3A_22, %dma_start3A_23] : memref<10240x128xf32, #tpu.memory_space<hbm>> -> memref<320x128xf32, #tpu.memory_space<hbm>>
      %dma_start3A_25 = arith.constant 0 : i32
      %dma_start3A_26 = tpu.memref_slice %arg11[%mul3A_20, %dma_start3A_25] : memref<5376x128xf32, #tpu.memory_space<vmem_shared>> -> memref<320x128xf32, #tpu.memory_space<vmem_shared>>
      tpu.enqueue_dma source(%dma_start3A_26 : memref<320x128xf32, #tpu.memory_space<vmem_shared>>) target(%dma_start3A_24 : memref<320x128xf32, #tpu.memory_space<hbm>>) target_semaphore(%run_scoped3A : memref<!tpu.dma_semaphore, #tpu.memory_space<semaphore_mem>>)
      %dma_wait3A_27 = arith.constant 0 : i32
      %dma_wait3A_28 = tpu.memref_slice %arg6[%mul3A_22, %dma_wait3A_27] : memref<10240x128xf32, #tpu.memory_space<hbm>> -> memref<320x128xf32, #tpu.memory_space<hbm>>
      %dma_wait3A_29 = arith.constant 0 : i32
      %dma_wait3A_30 = tpu.memref_slice %arg11[%mul3A_20, %dma_wait3A_29] : memref<5376x128xf32, #tpu.memory_space<vmem_shared>> -> memref<320x128xf32, #tpu.memory_space<vmem_shared>>
      tpu.wait_dma2 semaphore(%run_scoped3A : memref<!tpu.dma_semaphore, #tpu.memory_space<semaphore_mem>>) src(%dma_wait3A_30 : memref<320x128xf32, #tpu.memory_space<vmem_shared>>) dst(%dma_wait3A_28 : memref<320x128xf32, #tpu.memory_space<hbm>>)
      tpu.yield
    }) : () -> ()
    return
  }
}

#map = affine_map<(d0, d1) -> (0, 0, 0)>
#map1 = affine_map<(d0, d1) -> (0)>
#map2 = affine_map<(d0, d1) -> (0, 0)>
module attributes {stable_mosaic.version = 14 : i64} {
  func.func @_deg_body(%arg0: i32, %arg1: i32, %arg2: memref<32x80x128xi32, #tpu.memory_space<hbm>>, %arg3: memref<128xf32, #tpu.memory_space<hbm>>, %arg4: memref<640xf32, #tpu.memory_space<hbm>>, %arg5: memref<2x10240xf32, #tpu.memory_space<hbm>>, %arg6: memref<80x128xi32, #tpu.memory_space<vmem>>, %arg7: memref<128xf32, #tpu.memory_space<vmem>>, %arg8: memref<10240xf32, #tpu.memory_space<vmem_shared>>) attributes {dimension_semantics = [#tpu.dimension_semantics<core_parallel>, #tpu.dimension_semantics<subcore_parallel>], iteration_bounds = array<i64: 2, 16>, scalar_prefetch = 0 : i64, scratch_operands = 3 : i64, tpu.core_type = #tpu.core_type<sc_vector_subcore>, window_params = [{transform_indices = #map}, {transform_indices = #map1}, {transform_indices = #map1}, {transform_indices = #map2}]} {
    %mul3A = arith.constant 2 : i32
    %mul3A_0 = arith.muli %arg1, %mul3A : i32
    %add3A = arith.addi %mul3A_0, %arg0 : i32
    "tpu.region"() ({
      %run_scoped3A = tpu.sem_alloc : memref<!tpu.dma_semaphore, #tpu.memory_space<semaphore_mem>>
      %dma_start3A = arith.constant 0 : i32
      %dma_start3A_12 = arith.constant 0 : i32
      %dma_start3A_13 = tpu.memref_slice %arg2[%add3A, %dma_start3A, %dma_start3A_12] : memref<32x80x128xi32, #tpu.memory_space<hbm>> -> memref<1x80x128xi32, #tpu.memory_space<hbm>>
      %dma_start3A_14 = tpu.memref_squeeze %dma_start3A_13 : memref<1x80x128xi32, #tpu.memory_space<hbm>> -> memref<80x128xi32, #tpu.memory_space<hbm>>
      %dma_start3A_15 = arith.constant 0 : i32
      %dma_start3A_16 = arith.constant 0 : i32
      %dma_start3A_17 = tpu.memref_slice %arg2[%add3A, %dma_start3A_15, %dma_start3A_16] : memref<32x80x128xi32, #tpu.memory_space<hbm>> -> memref<1x80x128xi32, #tpu.memory_space<hbm>>
      %dma_start3A_18 = tpu.memref_squeeze %dma_start3A_17 : memref<1x80x128xi32, #tpu.memory_space<hbm>> -> memref<80x128xi32, #tpu.memory_space<hbm>>
      tpu.enqueue_dma source(%dma_start3A_18 : memref<80x128xi32, #tpu.memory_space<hbm>>) target(%arg6 : memref<80x128xi32, #tpu.memory_space<vmem>>) target_semaphore(%run_scoped3A : memref<!tpu.dma_semaphore, #tpu.memory_space<semaphore_mem>>)
      %dma_wait3A = arith.constant 0 : i32
      %dma_wait3A_19 = arith.constant 0 : i32
      %dma_wait3A_20 = tpu.memref_slice %arg2[%add3A, %dma_wait3A, %dma_wait3A_19] : memref<32x80x128xi32, #tpu.memory_space<hbm>> -> memref<1x80x128xi32, #tpu.memory_space<hbm>>
      %dma_wait3A_21 = tpu.memref_squeeze %dma_wait3A_20 : memref<1x80x128xi32, #tpu.memory_space<hbm>> -> memref<80x128xi32, #tpu.memory_space<hbm>>
      %dma_wait3A_22 = arith.constant 0 : i32
      %dma_wait3A_23 = arith.constant 0 : i32
      %dma_wait3A_24 = tpu.memref_slice %arg2[%add3A, %dma_wait3A_22, %dma_wait3A_23] : memref<32x80x128xi32, #tpu.memory_space<hbm>> -> memref<1x80x128xi32, #tpu.memory_space<hbm>>
      %dma_wait3A_25 = tpu.memref_squeeze %dma_wait3A_24 : memref<1x80x128xi32, #tpu.memory_space<hbm>> -> memref<80x128xi32, #tpu.memory_space<hbm>>
      tpu.wait_dma2 semaphore(%run_scoped3A : memref<!tpu.dma_semaphore, #tpu.memory_space<semaphore_mem>>) src(%dma_wait3A_25 : memref<80x128xi32, #tpu.memory_space<hbm>>) dst(%arg6 : memref<80x128xi32, #tpu.memory_space<vmem>>)
      tpu.yield
    }) : () -> ()
    "tpu.region"() ({
      %run_scoped3A = tpu.sem_alloc : memref<!tpu.dma_semaphore, #tpu.memory_space<semaphore_mem>>
      tpu.enqueue_dma source(%arg3 : memref<128xf32, #tpu.memory_space<hbm>>) target(%arg7 : memref<128xf32, #tpu.memory_space<vmem>>) target_semaphore(%run_scoped3A : memref<!tpu.dma_semaphore, #tpu.memory_space<semaphore_mem>>)
      tpu.wait_dma2 semaphore(%run_scoped3A : memref<!tpu.dma_semaphore, #tpu.memory_space<semaphore_mem>>) src(%arg3 : memref<128xf32, #tpu.memory_space<hbm>>) dst(%arg7 : memref<128xf32, #tpu.memory_space<vmem>>)
      tpu.yield
    }) : () -> ()
    %mul3A_1 = arith.constant 640 : i32
    %mul3A_2 = arith.muli %arg1, %mul3A_1 : i32
    "tpu.region"() ({
      %run_scoped3A = tpu.sem_alloc : memref<!tpu.dma_semaphore, #tpu.memory_space<semaphore_mem>>
      %dma_start3A = tpu.memref_slice %arg8[%mul3A_2] : memref<10240xf32, #tpu.memory_space<vmem_shared>> -> memref<640xf32, #tpu.memory_space<vmem_shared>>
      tpu.enqueue_dma source(%arg4 : memref<640xf32, #tpu.memory_space<hbm>>) target(%dma_start3A : memref<640xf32, #tpu.memory_space<vmem_shared>>) target_semaphore(%run_scoped3A : memref<!tpu.dma_semaphore, #tpu.memory_space<semaphore_mem>>)
      %dma_wait3A = tpu.memref_slice %arg8[%mul3A_2] : memref<10240xf32, #tpu.memory_space<vmem_shared>> -> memref<640xf32, #tpu.memory_space<vmem_shared>>
      tpu.wait_dma2 semaphore(%run_scoped3A : memref<!tpu.dma_semaphore, #tpu.memory_space<semaphore_mem>>) src(%arg4 : memref<640xf32, #tpu.memory_space<hbm>>) dst(%dma_wait3A : memref<640xf32, #tpu.memory_space<vmem_shared>>)
      tpu.yield
    }) : () -> ()
    %barrier3A = arith.constant 0 : index
    tpu.barrier barrier_id(%barrier3A)
    %scan3A = arith.constant 0 : i32
    %scan3A_3 = arith.constant 80 : i32
    %scan3A_4 = arith.addi %scan3A, %scan3A_3 : i32
    %scan3A_5 = arith.constant 1 : i32
    scf.for %scan3A_12 = %scan3A to %scan3A_4 step %scan3A_5  : i32 {
      %mul3A_13 = arith.constant 1 : i32
      %mul3A_14 = arith.muli %scan3A_12, %mul3A_13 : i32
      %add3A_15 = arith.constant 0 : i32
      %add3A_16 = arith.addi %add3A_15, %mul3A_14 : i32
      "tpu.region"() ({
        %run_scoped3A = tpu.sem_alloc : memref<!tpu.dma_semaphore, #tpu.memory_space<semaphore_mem>>
        %dma_start3A = arith.constant 0 : i32
        %dma_start3A_17 = tpu.memref_slice %arg6[%add3A_16, %dma_start3A] : memref<80x128xi32, #tpu.memory_space<vmem>> -> memref<1x128xi32, #tpu.memory_space<vmem>>
        %dma_start3A_18 = tpu.memref_squeeze %dma_start3A_17 : memref<1x128xi32, #tpu.memory_space<vmem>> -> memref<128xi32, #tpu.memory_space<vmem>>
        %dma_start3A_19 = arith.constant 0 : i32
        %dma_start3A_20 = tpu.memref_slice %arg8[%dma_start3A_19] : memref<10240xf32, #tpu.memory_space<vmem_shared>> -> memref<10240xf32, #tpu.memory_space<vmem_shared>>
        tpu.enqueue_indirect_dma source(%arg7 : memref<128xf32, #tpu.memory_space<vmem>>) target(%dma_start3A_20 : memref<10240xf32, #tpu.memory_space<vmem_shared>>) offsets(%dma_start3A_18 : memref<128xi32, #tpu.memory_space<vmem>>) semaphore(%run_scoped3A : memref<!tpu.dma_semaphore, #tpu.memory_space<semaphore_mem>>) {add = true}
        %dma_wait3A = arith.constant 0 : i32
        %dma_wait3A_21 = tpu.memref_slice %arg6[%add3A_16, %dma_wait3A] : memref<80x128xi32, #tpu.memory_space<vmem>> -> memref<1x128xi32, #tpu.memory_space<vmem>>
        %dma_wait3A_22 = tpu.memref_squeeze %dma_wait3A_21 : memref<1x128xi32, #tpu.memory_space<vmem>> -> memref<128xi32, #tpu.memory_space<vmem>>
        %dma_wait3A_23 = arith.constant 0 : i32
        %dma_wait3A_24 = tpu.memref_slice %arg8[%dma_wait3A_23] : memref<10240xf32, #tpu.memory_space<vmem_shared>> -> memref<10240xf32, #tpu.memory_space<vmem_shared>>
        tpu.wait_indirect_dma semaphore(%run_scoped3A : memref<!tpu.dma_semaphore, #tpu.memory_space<semaphore_mem>>) src(%arg7 : memref<128xf32, #tpu.memory_space<vmem>>) dst(%dma_wait3A_24 : memref<10240xf32, #tpu.memory_space<vmem_shared>>)
        tpu.yield
      }) : () -> ()
    }
    %scan3A_6 = arith.constant 80 : i32
    %barrier3A_7 = arith.constant 0 : index
    tpu.barrier barrier_id(%barrier3A_7)
    %mul3A_8 = arith.constant 640 : i32
    %mul3A_9 = arith.muli %arg1, %mul3A_8 : i32
    %mul3A_10 = arith.constant 640 : i32
    %mul3A_11 = arith.muli %arg1, %mul3A_10 : i32
    "tpu.region"() ({
      %run_scoped3A = tpu.sem_alloc : memref<!tpu.dma_semaphore, #tpu.memory_space<semaphore_mem>>
      %dma_start3A = tpu.memref_slice %arg5[%arg0, %mul3A_11] : memref<2x10240xf32, #tpu.memory_space<hbm>> -> memref<1x640xf32, #tpu.memory_space<hbm>>
      %dma_start3A_12 = tpu.memref_squeeze %dma_start3A : memref<1x640xf32, #tpu.memory_space<hbm>> -> memref<640xf32, #tpu.memory_space<hbm>>
      %dma_start3A_13 = tpu.memref_slice %arg8[%mul3A_9] : memref<10240xf32, #tpu.memory_space<vmem_shared>> -> memref<640xf32, #tpu.memory_space<vmem_shared>>
      tpu.enqueue_dma source(%dma_start3A_13 : memref<640xf32, #tpu.memory_space<vmem_shared>>) target(%dma_start3A_12 : memref<640xf32, #tpu.memory_space<hbm>>) target_semaphore(%run_scoped3A : memref<!tpu.dma_semaphore, #tpu.memory_space<semaphore_mem>>)
      %dma_wait3A = tpu.memref_slice %arg5[%arg0, %mul3A_11] : memref<2x10240xf32, #tpu.memory_space<hbm>> -> memref<1x640xf32, #tpu.memory_space<hbm>>
      %dma_wait3A_14 = tpu.memref_squeeze %dma_wait3A : memref<1x640xf32, #tpu.memory_space<hbm>> -> memref<640xf32, #tpu.memory_space<hbm>>
      %dma_wait3A_15 = tpu.memref_slice %arg8[%mul3A_9] : memref<10240xf32, #tpu.memory_space<vmem_shared>> -> memref<640xf32, #tpu.memory_space<vmem_shared>>
      tpu.wait_dma2 semaphore(%run_scoped3A : memref<!tpu.dma_semaphore, #tpu.memory_space<semaphore_mem>>) src(%dma_wait3A_15 : memref<640xf32, #tpu.memory_space<vmem_shared>>) dst(%dma_wait3A_14 : memref<640xf32, #tpu.memory_space<hbm>>)
      tpu.yield
    }) : () -> ()
    return
  }
}

#map = affine_map<(d0, d1) -> (0, 0)>
#map1 = affine_map<(d0, d1) -> (0, 0, 0)>
module attributes {stable_mosaic.version = 14 : i64} {
  func.func @_agg_body(%arg0: i32, %arg1: i32, %arg2: memref<10128x128xf32, #tpu.memory_space<hbm>>, %arg3: memref<32x192x128xi32, #tpu.memory_space<hbm>>, %arg4: memref<32x192x128xi32, #tpu.memory_space<hbm>>, %arg5: memref<320x128xf32, #tpu.memory_space<hbm>>, %arg6: memref<10240x128xf32, #tpu.memory_space<hbm>>, %arg7: memref<192x128xi32, #tpu.memory_space<vmem>>, %arg8: memref<192x128xi32, #tpu.memory_space<vmem>>, %arg9: memref<128x128xf32, #tpu.memory_space<vmem>>, %arg10: memref<128x128xf32, #tpu.memory_space<vmem>>, %arg11: memref<5376x128xf32, #tpu.memory_space<vmem_shared>>, %arg12: memref<!tpu.dma_semaphore, #tpu.memory_space<semaphore_mem>>, %arg13: memref<!tpu.dma_semaphore, #tpu.memory_space<semaphore_mem>>) attributes {dimension_semantics = [#tpu.dimension_semantics<core_parallel>, #tpu.dimension_semantics<subcore_parallel>], iteration_bounds = array<i64: 2, 16>, scalar_prefetch = 0 : i64, scratch_operands = 7 : i64, tpu.core_type = #tpu.core_type<sc_vector_subcore>, window_params = [{transform_indices = #map}, {transform_indices = #map1}, {transform_indices = #map1}, {transform_indices = #map}, {transform_indices = #map}]} {
    %mul3A = arith.constant 2 : i32
    %mul3A_0 = arith.muli %arg1, %mul3A : i32
    %add3A = arith.addi %mul3A_0, %arg0 : i32
    "tpu.region"() ({
      %run_scoped3A = tpu.sem_alloc : memref<!tpu.dma_semaphore, #tpu.memory_space<semaphore_mem>>
      %dma_start3A_23 = arith.constant 0 : i32
      %dma_start3A_24 = arith.constant 0 : i32
      %dma_start3A_25 = tpu.memref_slice %arg3[%add3A, %dma_start3A_23, %dma_start3A_24] : memref<32x192x128xi32, #tpu.memory_space<hbm>> -> memref<1x192x128xi32, #tpu.memory_space<hbm>>
      %dma_start3A_26 = tpu.memref_squeeze %dma_start3A_25 : memref<1x192x128xi32, #tpu.memory_space<hbm>> -> memref<192x128xi32, #tpu.memory_space<hbm>>
      %dma_start3A_27 = arith.constant 0 : i32
      %dma_start3A_28 = arith.constant 0 : i32
      %dma_start3A_29 = tpu.memref_slice %arg3[%add3A, %dma_start3A_27, %dma_start3A_28] : memref<32x192x128xi32, #tpu.memory_space<hbm>> -> memref<1x192x128xi32, #tpu.memory_space<hbm>>
      %dma_start3A_30 = tpu.memref_squeeze %dma_start3A_29 : memref<1x192x128xi32, #tpu.memory_space<hbm>> -> memref<192x128xi32, #tpu.memory_space<hbm>>
      tpu.enqueue_dma source(%dma_start3A_30 : memref<192x128xi32, #tpu.memory_space<hbm>>) target(%arg7 : memref<192x128xi32, #tpu.memory_space<vmem>>) target_semaphore(%run_scoped3A : memref<!tpu.dma_semaphore, #tpu.memory_space<semaphore_mem>>)
      %dma_wait3A_31 = arith.constant 0 : i32
      %dma_wait3A_32 = arith.constant 0 : i32
      %dma_wait3A_33 = tpu.memref_slice %arg3[%add3A, %dma_wait3A_31, %dma_wait3A_32] : memref<32x192x128xi32, #tpu.memory_space<hbm>> -> memref<1x192x128xi32, #tpu.memory_space<hbm>>
      %dma_wait3A_34 = tpu.memref_squeeze %dma_wait3A_33 : memref<1x192x128xi32, #tpu.memory_space<hbm>> -> memref<192x128xi32, #tpu.memory_space<hbm>>
      %dma_wait3A_35 = arith.constant 0 : i32
      %dma_wait3A_36 = arith.constant 0 : i32
      %dma_wait3A_37 = tpu.memref_slice %arg3[%add3A, %dma_wait3A_35, %dma_wait3A_36] : memref<32x192x128xi32, #tpu.memory_space<hbm>> -> memref<1x192x128xi32, #tpu.memory_space<hbm>>
      %dma_wait3A_38 = tpu.memref_squeeze %dma_wait3A_37 : memref<1x192x128xi32, #tpu.memory_space<hbm>> -> memref<192x128xi32, #tpu.memory_space<hbm>>
      tpu.wait_dma2 semaphore(%run_scoped3A : memref<!tpu.dma_semaphore, #tpu.memory_space<semaphore_mem>>) src(%dma_wait3A_38 : memref<192x128xi32, #tpu.memory_space<hbm>>) dst(%arg7 : memref<192x128xi32, #tpu.memory_space<vmem>>)
      tpu.yield
    }) : () -> ()
    "tpu.region"() ({
      %run_scoped3A = tpu.sem_alloc : memref<!tpu.dma_semaphore, #tpu.memory_space<semaphore_mem>>
      %dma_start3A_23 = arith.constant 0 : i32
      %dma_start3A_24 = arith.constant 0 : i32
      %dma_start3A_25 = tpu.memref_slice %arg4[%add3A, %dma_start3A_23, %dma_start3A_24] : memref<32x192x128xi32, #tpu.memory_space<hbm>> -> memref<1x192x128xi32, #tpu.memory_space<hbm>>
      %dma_start3A_26 = tpu.memref_squeeze %dma_start3A_25 : memref<1x192x128xi32, #tpu.memory_space<hbm>> -> memref<192x128xi32, #tpu.memory_space<hbm>>
      %dma_start3A_27 = arith.constant 0 : i32
      %dma_start3A_28 = arith.constant 0 : i32
      %dma_start3A_29 = tpu.memref_slice %arg4[%add3A, %dma_start3A_27, %dma_start3A_28] : memref<32x192x128xi32, #tpu.memory_space<hbm>> -> memref<1x192x128xi32, #tpu.memory_space<hbm>>
      %dma_start3A_30 = tpu.memref_squeeze %dma_start3A_29 : memref<1x192x128xi32, #tpu.memory_space<hbm>> -> memref<192x128xi32, #tpu.memory_space<hbm>>
      tpu.enqueue_dma source(%dma_start3A_30 : memref<192x128xi32, #tpu.memory_space<hbm>>) target(%arg8 : memref<192x128xi32, #tpu.memory_space<vmem>>) target_semaphore(%run_scoped3A : memref<!tpu.dma_semaphore, #tpu.memory_space<semaphore_mem>>)
      %dma_wait3A_31 = arith.constant 0 : i32
      %dma_wait3A_32 = arith.constant 0 : i32
      %dma_wait3A_33 = tpu.memref_slice %arg4[%add3A, %dma_wait3A_31, %dma_wait3A_32] : memref<32x192x128xi32, #tpu.memory_space<hbm>> -> memref<1x192x128xi32, #tpu.memory_space<hbm>>
      %dma_wait3A_34 = tpu.memref_squeeze %dma_wait3A_33 : memref<1x192x128xi32, #tpu.memory_space<hbm>> -> memref<192x128xi32, #tpu.memory_space<hbm>>
      %dma_wait3A_35 = arith.constant 0 : i32
      %dma_wait3A_36 = arith.constant 0 : i32
      %dma_wait3A_37 = tpu.memref_slice %arg4[%add3A, %dma_wait3A_35, %dma_wait3A_36] : memref<32x192x128xi32, #tpu.memory_space<hbm>> -> memref<1x192x128xi32, #tpu.memory_space<hbm>>
      %dma_wait3A_38 = tpu.memref_squeeze %dma_wait3A_37 : memref<1x192x128xi32, #tpu.memory_space<hbm>> -> memref<192x128xi32, #tpu.memory_space<hbm>>
      tpu.wait_dma2 semaphore(%run_scoped3A : memref<!tpu.dma_semaphore, #tpu.memory_space<semaphore_mem>>) src(%dma_wait3A_38 : memref<192x128xi32, #tpu.memory_space<hbm>>) dst(%arg8 : memref<192x128xi32, #tpu.memory_space<vmem>>)
      tpu.yield
    }) : () -> ()
    %mul3A_1 = arith.constant 320 : i32
    %mul3A_2 = arith.muli %arg1, %mul3A_1 : i32
    "tpu.region"() ({
      %run_scoped3A = tpu.sem_alloc : memref<!tpu.dma_semaphore, #tpu.memory_space<semaphore_mem>>
      %dma_start3A_23 = arith.constant 0 : i32
      %dma_start3A_24 = tpu.memref_slice %arg11[%mul3A_2, %dma_start3A_23] : memref<5376x128xf32, #tpu.memory_space<vmem_shared>> -> memref<320x128xf32, #tpu.memory_space<vmem_shared>>
      tpu.enqueue_dma source(%arg5 : memref<320x128xf32, #tpu.memory_space<hbm>>) target(%dma_start3A_24 : memref<320x128xf32, #tpu.memory_space<vmem_shared>>) target_semaphore(%run_scoped3A : memref<!tpu.dma_semaphore, #tpu.memory_space<semaphore_mem>>)
      %dma_wait3A_25 = arith.constant 0 : i32
      %dma_wait3A_26 = tpu.memref_slice %arg11[%mul3A_2, %dma_wait3A_25] : memref<5376x128xf32, #tpu.memory_space<vmem_shared>> -> memref<320x128xf32, #tpu.memory_space<vmem_shared>>
      tpu.wait_dma2 semaphore(%run_scoped3A : memref<!tpu.dma_semaphore, #tpu.memory_space<semaphore_mem>>) src(%arg5 : memref<320x128xf32, #tpu.memory_space<hbm>>) dst(%dma_wait3A_26 : memref<320x128xf32, #tpu.memory_space<vmem_shared>>)
      tpu.yield
    }) : () -> ()
    %dma_start3A = arith.constant 0 : i32
    %dma_start3A_3 = arith.constant 0 : i32
    %dma_start3A_4 = tpu.memref_slice %arg7[%dma_start3A, %dma_start3A_3] : memref<192x128xi32, #tpu.memory_space<vmem>> -> memref<1x128xi32, #tpu.memory_space<vmem>>
    %dma_start3A_5 = tpu.memref_squeeze %dma_start3A_4 : memref<1x128xi32, #tpu.memory_space<vmem>> -> memref<128xi32, #tpu.memory_space<vmem>>
    %dma_start3A_6 = arith.constant 0 : i32
    %dma_start3A_7 = arith.constant 0 : i32
    %dma_start3A_8 = tpu.memref_slice %arg2[%dma_start3A_6, %dma_start3A_7] : memref<10128x128xf32, #tpu.memory_space<hbm>> -> memref<10128x128xf32, #tpu.memory_space<hbm>>
    tpu.enqueue_indirect_dma source(%dma_start3A_8 : memref<10128x128xf32, #tpu.memory_space<hbm>>) target(%arg9 : memref<128x128xf32, #tpu.memory_space<vmem>>) offsets(%dma_start3A_5 : memref<128xi32, #tpu.memory_space<vmem>>) semaphore(%arg12 : memref<!tpu.dma_semaphore, #tpu.memory_space<semaphore_mem>>)
    %scan3A = arith.constant 0 : i32
    %scan3A_9 = arith.constant 96 : i32
    %scan3A_10 = arith.addi %scan3A, %scan3A_9 : i32
    %scan3A_11 = arith.constant 1 : i32
    scf.for %scan3A_23 = %scan3A to %scan3A_10 step %scan3A_11  : i32 {
      %mul3A_24 = arith.constant 2 : i32
      %mul3A_25 = arith.muli %scan3A_23, %mul3A_24 : i32
      %add3A_26 = arith.constant 0 : i32
      %add3A_27 = arith.addi %add3A_26, %mul3A_25 : i32
      %dma_wait3A_28 = arith.constant 0 : i32
      %dma_wait3A_29 = tpu.memref_slice %arg7[%add3A_27, %dma_wait3A_28] : memref<192x128xi32, #tpu.memory_space<vmem>> -> memref<1x128xi32, #tpu.memory_space<vmem>>
      %dma_wait3A_30 = tpu.memref_squeeze %dma_wait3A_29 : memref<1x128xi32, #tpu.memory_space<vmem>> -> memref<128xi32, #tpu.memory_space<vmem>>
      %dma_wait3A_31 = arith.constant 0 : i32
      %dma_wait3A_32 = arith.constant 0 : i32
      %dma_wait3A_33 = tpu.memref_slice %arg2[%dma_wait3A_31, %dma_wait3A_32] : memref<10128x128xf32, #tpu.memory_space<hbm>> -> memref<10128x128xf32, #tpu.memory_space<hbm>>
      tpu.wait_indirect_dma semaphore(%arg12 : memref<!tpu.dma_semaphore, #tpu.memory_space<semaphore_mem>>) src(%dma_wait3A_33 : memref<10128x128xf32, #tpu.memory_space<hbm>>) dst(%arg9 : memref<128x128xf32, #tpu.memory_space<vmem>>)
      %add3A_34 = arith.constant 1 : i32
      %add3A_35 = arith.addi %add3A_27, %add3A_34 : i32
      %dma_start3A_36 = arith.constant 0 : i32
      %dma_start3A_37 = tpu.memref_slice %arg7[%add3A_35, %dma_start3A_36] : memref<192x128xi32, #tpu.memory_space<vmem>> -> memref<1x128xi32, #tpu.memory_space<vmem>>
      %dma_start3A_38 = tpu.memref_squeeze %dma_start3A_37 : memref<1x128xi32, #tpu.memory_space<vmem>> -> memref<128xi32, #tpu.memory_space<vmem>>
      %dma_start3A_39 = arith.constant 0 : i32
      %dma_start3A_40 = arith.constant 0 : i32
      %dma_start3A_41 = tpu.memref_slice %arg2[%dma_start3A_39, %dma_start3A_40] : memref<10128x128xf32, #tpu.memory_space<hbm>> -> memref<10128x128xf32, #tpu.memory_space<hbm>>
      tpu.enqueue_indirect_dma source(%dma_start3A_41 : memref<10128x128xf32, #tpu.memory_space<hbm>>) target(%arg10 : memref<128x128xf32, #tpu.memory_space<vmem>>) offsets(%dma_start3A_38 : memref<128xi32, #tpu.memory_space<vmem>>) semaphore(%arg13 : memref<!tpu.dma_semaphore, #tpu.memory_space<semaphore_mem>>)
      "tpu.region"() ({
        %run_scoped3A = tpu.sem_alloc : memref<!tpu.dma_semaphore, #tpu.memory_space<semaphore_mem>>
        %dma_start3A_61 = arith.constant 0 : i32
        %dma_start3A_62 = tpu.memref_slice %arg8[%add3A_27, %dma_start3A_61] : memref<192x128xi32, #tpu.memory_space<vmem>> -> memref<1x128xi32, #tpu.memory_space<vmem>>
        %dma_start3A_63 = tpu.memref_squeeze %dma_start3A_62 : memref<1x128xi32, #tpu.memory_space<vmem>> -> memref<128xi32, #tpu.memory_space<vmem>>
        %dma_start3A_64 = arith.constant 0 : i32
        %dma_start3A_65 = arith.constant 0 : i32
        %dma_start3A_66 = tpu.memref_slice %arg11[%dma_start3A_64, %dma_start3A_65] : memref<5376x128xf32, #tpu.memory_space<vmem_shared>> -> memref<5376x128xf32, #tpu.memory_space<vmem_shared>>
        tpu.enqueue_indirect_dma source(%arg9 : memref<128x128xf32, #tpu.memory_space<vmem>>) target(%dma_start3A_66 : memref<5376x128xf32, #tpu.memory_space<vmem_shared>>) offsets(%dma_start3A_63 : memref<128xi32, #tpu.memory_space<vmem>>) semaphore(%run_scoped3A : memref<!tpu.dma_semaphore, #tpu.memory_space<semaphore_mem>>) {add = true}
        %dma_wait3A_67 = arith.constant 0 : i32
        %dma_wait3A_68 = tpu.memref_slice %arg8[%add3A_27, %dma_wait3A_67] : memref<192x128xi32, #tpu.memory_space<vmem>> -> memref<1x128xi32, #tpu.memory_space<vmem>>
        %dma_wait3A_69 = tpu.memref_squeeze %dma_wait3A_68 : memref<1x128xi32, #tpu.memory_space<vmem>> -> memref<128xi32, #tpu.memory_space<vmem>>
        %dma_wait3A_70 = arith.constant 0 : i32
        %dma_wait3A_71 = arith.constant 0 : i32
        %dma_wait3A_72 = tpu.memref_slice %arg11[%dma_wait3A_70, %dma_wait3A_71] : memref<5376x128xf32, #tpu.memory_space<vmem_shared>> -> memref<5376x128xf32, #tpu.memory_space<vmem_shared>>
        tpu.wait_indirect_dma semaphore(%run_scoped3A : memref<!tpu.dma_semaphore, #tpu.memory_space<semaphore_mem>>) src(%arg9 : memref<128x128xf32, #tpu.memory_space<vmem>>) dst(%dma_wait3A_72 : memref<5376x128xf32, #tpu.memory_space<vmem_shared>>)
        tpu.yield
      }) : () -> ()
      %add3A_42 = arith.constant 1 : i32
      %add3A_43 = arith.addi %add3A_27, %add3A_42 : i32
      %dma_wait3A_44 = arith.constant 0 : i32
      %dma_wait3A_45 = tpu.memref_slice %arg7[%add3A_43, %dma_wait3A_44] : memref<192x128xi32, #tpu.memory_space<vmem>> -> memref<1x128xi32, #tpu.memory_space<vmem>>
      %dma_wait3A_46 = tpu.memref_squeeze %dma_wait3A_45 : memref<1x128xi32, #tpu.memory_space<vmem>> -> memref<128xi32, #tpu.memory_space<vmem>>
      %dma_wait3A_47 = arith.constant 0 : i32
      %dma_wait3A_48 = arith.constant 0 : i32
      %dma_wait3A_49 = tpu.memref_slice %arg2[%dma_wait3A_47, %dma_wait3A_48] : memref<10128x128xf32, #tpu.memory_space<hbm>> -> memref<10128x128xf32, #tpu.memory_space<hbm>>
      tpu.wait_indirect_dma semaphore(%arg13 : memref<!tpu.dma_semaphore, #tpu.memory_space<semaphore_mem>>) src(%dma_wait3A_49 : memref<10128x128xf32, #tpu.memory_space<hbm>>) dst(%arg10 : memref<128x128xf32, #tpu.memory_space<vmem>>)
      %add3A_50 = arith.constant 2 : i32
      %add3A_51 = arith.addi %add3A_27, %add3A_50 : i32
      %min3A = arith.constant 191 : i32
      %min3A_52 = arith.minsi %add3A_51, %min3A : i32
      %dma_start3A_53 = arith.constant 0 : i32
      %dma_start3A_54 = tpu.memref_slice %arg7[%min3A_52, %dma_start3A_53] : memref<192x128xi32, #tpu.memory_space<vmem>> -> memref<1x128xi32, #tpu.memory_space<vmem>>
      %dma_start3A_55 = tpu.memref_squeeze %dma_start3A_54 : memref<1x128xi32, #tpu.memory_space<vmem>> -> memref<128xi32, #tpu.memory_space<vmem>>
      %dma_start3A_56 = arith.constant 0 : i32
      %dma_start3A_57 = arith.constant 0 : i32
      %dma_start3A_58 = tpu.memref_slice %arg2[%dma_start3A_56, %dma_start3A_57] : memref<10128x128xf32, #tpu.memory_space<hbm>> -> memref<10128x128xf32, #tpu.memory_space<hbm>>
      tpu.enqueue_indirect_dma source(%dma_start3A_58 : memref<10128x128xf32, #tpu.memory_space<hbm>>) target(%arg9 : memref<128x128xf32, #tpu.memory_space<vmem>>) offsets(%dma_start3A_55 : memref<128xi32, #tpu.memory_space<vmem>>) semaphore(%arg12 : memref<!tpu.dma_semaphore, #tpu.memory_space<semaphore_mem>>)
      %add3A_59 = arith.constant 1 : i32
      %add3A_60 = arith.addi %add3A_27, %add3A_59 : i32
      "tpu.region"() ({
        %run_scoped3A = tpu.sem_alloc : memref<!tpu.dma_semaphore, #tpu.memory_space<semaphore_mem>>
        %dma_start3A_61 = arith.constant 0 : i32
        %dma_start3A_62 = tpu.memref_slice %arg8[%add3A_60, %dma_start3A_61] : memref<192x128xi32, #tpu.memory_space<vmem>> -> memref<1x128xi32, #tpu.memory_space<vmem>>
        %dma_start3A_63 = tpu.memref_squeeze %dma_start3A_62 : memref<1x128xi32, #tpu.memory_space<vmem>> -> memref<128xi32, #tpu.memory_space<vmem>>
        %dma_start3A_64 = arith.constant 0 : i32
        %dma_start3A_65 = arith.constant 0 : i32
        %dma_start3A_66 = tpu.memref_slice %arg11[%dma_start3A_64, %dma_start3A_65] : memref<5376x128xf32, #tpu.memory_space<vmem_shared>> -> memref<5376x128xf32, #tpu.memory_space<vmem_shared>>
        tpu.enqueue_indirect_dma source(%arg10 : memref<128x128xf32, #tpu.memory_space<vmem>>) target(%dma_start3A_66 : memref<5376x128xf32, #tpu.memory_space<vmem_shared>>) offsets(%dma_start3A_63 : memref<128xi32, #tpu.memory_space<vmem>>) semaphore(%run_scoped3A : memref<!tpu.dma_semaphore, #tpu.memory_space<semaphore_mem>>) {add = true}
        %dma_wait3A_67 = arith.constant 0 : i32
        %dma_wait3A_68 = tpu.memref_slice %arg8[%add3A_60, %dma_wait3A_67] : memref<192x128xi32, #tpu.memory_space<vmem>> -> memref<1x128xi32, #tpu.memory_space<vmem>>
        %dma_wait3A_69 = tpu.memref_squeeze %dma_wait3A_68 : memref<1x128xi32, #tpu.memory_space<vmem>> -> memref<128xi32, #tpu.memory_space<vmem>>
        %dma_wait3A_70 = arith.constant 0 : i32
        %dma_wait3A_71 = arith.constant 0 : i32
        %dma_wait3A_72 = tpu.memref_slice %arg11[%dma_wait3A_70, %dma_wait3A_71] : memref<5376x128xf32, #tpu.memory_space<vmem_shared>> -> memref<5376x128xf32, #tpu.memory_space<vmem_shared>>
        tpu.wait_indirect_dma semaphore(%run_scoped3A : memref<!tpu.dma_semaphore, #tpu.memory_space<semaphore_mem>>) src(%arg10 : memref<128x128xf32, #tpu.memory_space<vmem>>) dst(%dma_wait3A_72 : memref<5376x128xf32, #tpu.memory_space<vmem_shared>>)
        tpu.yield
      }) : () -> ()
    }
    %scan3A_12 = arith.constant 96 : i32
    %dma_wait3A = arith.constant 191 : i32
    %dma_wait3A_13 = arith.constant 0 : i32
    %dma_wait3A_14 = tpu.memref_slice %arg7[%dma_wait3A, %dma_wait3A_13] : memref<192x128xi32, #tpu.memory_space<vmem>> -> memref<1x128xi32, #tpu.memory_space<vmem>>
    %dma_wait3A_15 = tpu.memref_squeeze %dma_wait3A_14 : memref<1x128xi32, #tpu.memory_space<vmem>> -> memref<128xi32, #tpu.memory_space<vmem>>
    %dma_wait3A_16 = arith.constant 0 : i32
    %dma_wait3A_17 = arith.constant 0 : i32
    %dma_wait3A_18 = tpu.memref_slice %arg2[%dma_wait3A_16, %dma_wait3A_17] : memref<10128x128xf32, #tpu.memory_space<hbm>> -> memref<10128x128xf32, #tpu.memory_space<hbm>>
    tpu.wait_indirect_dma semaphore(%arg12 : memref<!tpu.dma_semaphore, #tpu.memory_space<semaphore_mem>>) src(%dma_wait3A_18 : memref<10128x128xf32, #tpu.memory_space<hbm>>) dst(%arg9 : memref<128x128xf32, #tpu.memory_space<vmem>>)
    %mul3A_19 = arith.constant 320 : i32
    %mul3A_20 = arith.muli %arg1, %mul3A_19 : i32
    %mul3A_21 = arith.constant 320 : i32
    %mul3A_22 = arith.muli %add3A, %mul3A_21 : i32
    "tpu.region"() ({
      %run_scoped3A = tpu.sem_alloc : memref<!tpu.dma_semaphore, #tpu.memory_space<semaphore_mem>>
      %dma_start3A_23 = arith.constant 0 : i32
      %dma_start3A_24 = tpu.memref_slice %arg6[%mul3A_22, %dma_start3A_23] : memref<10240x128xf32, #tpu.memory_space<hbm>> -> memref<320x128xf32, #tpu.memory_space<hbm>>
      %dma_start3A_25 = arith.constant 0 : i32
      %dma_start3A_26 = tpu.memref_slice %arg11[%mul3A_20, %dma_start3A_25] : memref<5376x128xf32, #tpu.memory_space<vmem_shared>> -> memref<320x128xf32, #tpu.memory_space<vmem_shared>>
      tpu.enqueue_dma source(%dma_start3A_26 : memref<320x128xf32, #tpu.memory_space<vmem_shared>>) target(%dma_start3A_24 : memref<320x128xf32, #tpu.memory_space<hbm>>) target_semaphore(%run_scoped3A : memref<!tpu.dma_semaphore, #tpu.memory_space<semaphore_mem>>)
      %dma_wait3A_27 = arith.constant 0 : i32
      %dma_wait3A_28 = tpu.memref_slice %arg6[%mul3A_22, %dma_wait3A_27] : memref<10240x128xf32, #tpu.memory_space<hbm>> -> memref<320x128xf32, #tpu.memory_space<hbm>>
      %dma_wait3A_29 = arith.constant 0 : i32
      %dma_wait3A_30 = tpu.memref_slice %arg11[%mul3A_20, %dma_wait3A_29] : memref<5376x128xf32, #tpu.memory_space<vmem_shared>> -> memref<320x128xf32, #tpu.memory_space<vmem_shared>>
      tpu.wait_dma2 semaphore(%run_scoped3A : memref<!tpu.dma_semaphore, #tpu.memory_space<semaphore_mem>>) src(%dma_wait3A_30 : memref<320x128xf32, #tpu.memory_space<vmem_shared>>) dst(%dma_wait3A_28 : memref<320x128xf32, #tpu.memory_space<hbm>>)
      tpu.yield
    }) : () -> ()
    return
  }
}

module attributes {stable_mosaic.version = 14 : i64} {
  func.func @_stage1(%arg0: memref<10000x128xf32, #tpu.memory_space<vmem>>, %arg1: memref<128x128xf32, #tpu.memory_space<vmem>>, %arg2: memref<1x128xf32, #tpu.memory_space<vmem>>, %arg3: memref<10000x128xf32, #tpu.memory_space<vmem>>) attributes {dimension_semantics = [], scalar_prefetch = 0 : i64, scratch_operands = 0 : i64, tpu.core_type = #tpu.core_type<tc>} {
    %get3A = arith.constant 0 : index
    %get3A_0 = arith.constant 0 : index
    %get3A_1 = vector.load %arg0[%get3A, %get3A_0] : memref<10000x128xf32, #tpu.memory_space<vmem>>, vector<10000x128xf32>
    %get3A_2 = arith.constant 0 : index
    %get3A_3 = arith.constant 0 : index
    %get3A_4 = vector.load %arg1[%get3A_2, %get3A_3] : memref<128x128xf32, #tpu.memory_space<vmem>>, vector<128x128xf32>
    %dot_general3A = arith.constant dense<0.000000e+00> : vector<10000x128xf32>
    %dot_general3A_5 = tpu.matmul %get3A_1, %get3A_4, %dot_general3A {dimension_numbers = #tpu.dot_dimension_numbers<[1], [0], [0], [1], [0, 0, 1, 1], [], []>, transpose_lhs_hint = false} : vector<10000x128xf32>, vector<128x128xf32>, vector<10000x128xf32> -> vector<10000x128xf32>
    %get3A_6 = arith.constant 0 : index
    %get3A_7 = arith.constant 0 : index
    %get3A_8 = vector.load %arg2[%get3A_6, %get3A_7] : memref<1x128xf32, #tpu.memory_space<vmem>>, vector<1x128xf32>
    %add3A = vector.broadcast %get3A_8 : vector<1x128xf32> to vector<10000x128xf32>
    %add3A_9 = arith.addf %dot_general3A_5, %add3A : vector<10000x128xf32>
    %max3A = arith.constant 0.000000e+00 : f32
    %max3A_10 = vector.broadcast %max3A : f32 to vector<10000x128xf32>
    %max3A_11 = arith.maximumf %add3A_9, %max3A_10 : vector<10000x128xf32>
    %swap3A = arith.constant 0 : index
    %swap3A_12 = arith.constant 0 : index
    %swap3A_13 = vector.load %arg3[%swap3A, %swap3A_12] : memref<10000x128xf32, #tpu.memory_space<vmem>>, vector<10000x128xf32>
    tpu.vector_store %arg3[%swap3A, %swap3A_12], %max3A_11 {strides = array<i32>} : memref<10000x128xf32, #tpu.memory_space<vmem>>, vector<10000x128xf32>,
    return
  }
}

module attributes {stable_mosaic.version = 14 : i64} {
  func.func @_norm_pad(%arg0: memref<10000x128xf32, #tpu.memory_space<vmem>>, %arg1: memref<1x128xf32, #tpu.memory_space<vmem>>, %arg2: memref<1x128xf32, #tpu.memory_space<vmem>>, %arg3: memref<1x128xf32, #tpu.memory_space<vmem>>, %arg4: memref<1x128xf32, #tpu.memory_space<vmem>>, %arg5: memref<10128x128xf32, #tpu.memory_space<vmem>>) attributes {dimension_semantics = [], scalar_prefetch = 0 : i64, scratch_operands = 0 : i64, tpu.core_type = #tpu.core_type<tc>} {
    %get3A = arith.constant 0 : index
    %get3A_0 = arith.constant 0 : index
    %get3A_1 = vector.load %arg0[%get3A, %get3A_0] : memref<10000x128xf32, #tpu.memory_space<vmem>>, vector<10000x128xf32>
    %get3A_2 = arith.constant 0 : index
    %get3A_3 = arith.constant 0 : index
    %get3A_4 = vector.load %arg1[%get3A_2, %get3A_3] : memref<1x128xf32, #tpu.memory_space<vmem>>, vector<1x128xf32>
    %sub3A = vector.broadcast %get3A_4 : vector<1x128xf32> to vector<10000x128xf32>
    %sub3A_5 = arith.subf %get3A_1, %sub3A : vector<10000x128xf32>
    %get3A_6 = arith.constant 0 : index
    %get3A_7 = arith.constant 0 : index
    %get3A_8 = vector.load %arg2[%get3A_6, %get3A_7] : memref<1x128xf32, #tpu.memory_space<vmem>>, vector<1x128xf32>
    %add3A = arith.constant 9.99999974E-6 : f32
    %add3A_9 = vector.broadcast %add3A : f32 to vector<1x128xf32>
    %add3A_10 = arith.addf %get3A_8, %add3A_9 : vector<1x128xf32>
    %sqrt3A = math.sqrt %add3A_10 : vector<1x128xf32>
    %div3A = vector.broadcast %sqrt3A : vector<1x128xf32> to vector<10000x128xf32>
    %div3A_11 = arith.divf %sub3A_5, %div3A : vector<10000x128xf32>
    %get3A_12 = arith.constant 0 : index
    %get3A_13 = arith.constant 0 : index
    %get3A_14 = vector.load %arg3[%get3A_12, %get3A_13] : memref<1x128xf32, #tpu.memory_space<vmem>>, vector<1x128xf32>
    %mul3A = vector.broadcast %get3A_14 : vector<1x128xf32> to vector<10000x128xf32>
    %mul3A_15 = arith.mulf %div3A_11, %mul3A : vector<10000x128xf32>
    %get3A_16 = arith.constant 0 : index
    %get3A_17 = arith.constant 0 : index
    %get3A_18 = vector.load %arg4[%get3A_16, %get3A_17] : memref<1x128xf32, #tpu.memory_space<vmem>>, vector<1x128xf32>
    %add3A_19 = vector.broadcast %get3A_18 : vector<1x128xf32> to vector<10000x128xf32>
    %add3A_20 = arith.addf %mul3A_15, %add3A_19 : vector<10000x128xf32>
    %swap3A = arith.constant 0 : index
    %swap3A_21 = arith.constant 0 : index
    %swap3A_22 = vector.load %arg5[%swap3A, %swap3A_21] : memref<10128x128xf32, #tpu.memory_space<vmem>>, vector<10000x128xf32>
    tpu.vector_store %arg5[%swap3A, %swap3A_21], %add3A_20 {strides = array<i32>} : memref<10128x128xf32, #tpu.memory_space<vmem>>, vector<10000x128xf32>,
    %broadcast_in_dim3A = arith.constant 0.000000e+00 : f32
    %broadcast_in_dim3A_23 = vector.broadcast %broadcast_in_dim3A : f32 to vector<128x128xf32>
    %swap3A_24 = arith.constant 10000 : index
    %swap3A_25 = arith.constant 0 : index
    %swap3A_26 = vector.load %arg5[%swap3A_24, %swap3A_25] : memref<10128x128xf32, #tpu.memory_space<vmem>>, vector<128x128xf32>
    tpu.vector_store %arg5[%swap3A_24, %swap3A_25], %broadcast_in_dim3A_23 {strides = array<i32>} : memref<10128x128xf32, #tpu.memory_space<vmem>>, vector<128x128xf32>,
    return
  }
}

module attributes {stable_mosaic.version = 14 : i64} {
  func.func @_stage_mid(%arg0: memref<10240x128xf32, #tpu.memory_space<vmem>>, %arg1: memref<10000x1xf32, #tpu.memory_space<vmem>>, %arg2: memref<128x128xf32, #tpu.memory_space<vmem>>, %arg3: memref<1x128xf32, #tpu.memory_space<vmem>>, %arg4: memref<10000x128xf32, #tpu.memory_space<vmem>>) attributes {dimension_semantics = [], scalar_prefetch = 0 : i64, scratch_operands = 0 : i64, tpu.core_type = #tpu.core_type<tc>} {
    %get3A = arith.constant 0 : index
    %get3A_0 = arith.constant 0 : index
    %get3A_1 = vector.load %arg0[%get3A, %get3A_0] : memref<10240x128xf32, #tpu.memory_space<vmem>>, vector<10000x128xf32>
    %get3A_2 = arith.constant 0 : index
    %get3A_3 = arith.constant 0 : index
    %get3A_4 = vector.load %arg1[%get3A_2, %get3A_3] : memref<10000x1xf32, #tpu.memory_space<vmem>>, vector<10000x1xf32>
    %mul3A = vector.broadcast %get3A_4 : vector<10000x1xf32> to vector<10000x128xf32>
    %mul3A_5 = arith.mulf %get3A_1, %mul3A : vector<10000x128xf32>
    %get3A_6 = arith.constant 0 : index
    %get3A_7 = arith.constant 0 : index
    %get3A_8 = vector.load %arg2[%get3A_6, %get3A_7] : memref<128x128xf32, #tpu.memory_space<vmem>>, vector<128x128xf32>
    %dot_general3A = arith.constant dense<0.000000e+00> : vector<10000x128xf32>
    %dot_general3A_9 = tpu.matmul %mul3A_5, %get3A_8, %dot_general3A {dimension_numbers = #tpu.dot_dimension_numbers<[1], [0], [0], [1], [0, 0, 1, 1], [], []>, transpose_lhs_hint = false} : vector<10000x128xf32>, vector<128x128xf32>, vector<10000x128xf32> -> vector<10000x128xf32>
    %get3A_10 = arith.constant 0 : index
    %get3A_11 = arith.constant 0 : index
    %get3A_12 = vector.load %arg3[%get3A_10, %get3A_11] : memref<1x128xf32, #tpu.memory_space<vmem>>, vector<1x128xf32>
    %add3A = vector.broadcast %get3A_12 : vector<1x128xf32> to vector<10000x128xf32>
    %add3A_13 = arith.addf %dot_general3A_9, %add3A : vector<10000x128xf32>
    %max3A = arith.constant 0.000000e+00 : f32
    %max3A_14 = vector.broadcast %max3A : f32 to vector<10000x128xf32>
    %max3A_15 = arith.maximumf %add3A_13, %max3A_14 : vector<10000x128xf32>
    %swap3A = arith.constant 0 : index
    %swap3A_16 = arith.constant 0 : index
    %swap3A_17 = vector.load %arg4[%swap3A, %swap3A_16] : memref<10000x128xf32, #tpu.memory_space<vmem>>, vector<10000x128xf32>
    tpu.vector_store %arg4[%swap3A, %swap3A_16], %max3A_15 {strides = array<i32>} : memref<10000x128xf32, #tpu.memory_space<vmem>>, vector<10000x128xf32>,
    return
  }
}

module attributes {stable_mosaic.version = 14 : i64} {
  func.func @_norm(%arg0: memref<10000x128xf32, #tpu.memory_space<vmem>>, %arg1: memref<1x128xf32, #tpu.memory_space<vmem>>, %arg2: memref<1x128xf32, #tpu.memory_space<vmem>>, %arg3: memref<1x128xf32, #tpu.memory_space<vmem>>, %arg4: memref<1x128xf32, #tpu.memory_space<vmem>>, %arg5: memref<10000x128xf32, #tpu.memory_space<vmem>>) attributes {dimension_semantics = [], scalar_prefetch = 0 : i64, scratch_operands = 0 : i64, tpu.core_type = #tpu.core_type<tc>} {
    %get3A = arith.constant 0 : index
    %get3A_0 = arith.constant 0 : index
    %get3A_1 = vector.load %arg0[%get3A, %get3A_0] : memref<10000x128xf32, #tpu.memory_space<vmem>>, vector<10000x128xf32>
    %get3A_2 = arith.constant 0 : index
    %get3A_3 = arith.constant 0 : index
    %get3A_4 = vector.load %arg1[%get3A_2, %get3A_3] : memref<1x128xf32, #tpu.memory_space<vmem>>, vector<1x128xf32>
    %sub3A = vector.broadcast %get3A_4 : vector<1x128xf32> to vector<10000x128xf32>
    %sub3A_5 = arith.subf %get3A_1, %sub3A : vector<10000x128xf32>
    %get3A_6 = arith.constant 0 : index
    %get3A_7 = arith.constant 0 : index
    %get3A_8 = vector.load %arg2[%get3A_6, %get3A_7] : memref<1x128xf32, #tpu.memory_space<vmem>>, vector<1x128xf32>
    %add3A = arith.constant 9.99999974E-6 : f32
    %add3A_9 = vector.broadcast %add3A : f32 to vector<1x128xf32>
    %add3A_10 = arith.addf %get3A_8, %add3A_9 : vector<1x128xf32>
    %sqrt3A = math.sqrt %add3A_10 : vector<1x128xf32>
    %div3A = vector.broadcast %sqrt3A : vector<1x128xf32> to vector<10000x128xf32>
    %div3A_11 = arith.divf %sub3A_5, %div3A : vector<10000x128xf32>
    %get3A_12 = arith.constant 0 : index
    %get3A_13 = arith.constant 0 : index
    %get3A_14 = vector.load %arg3[%get3A_12, %get3A_13] : memref<1x128xf32, #tpu.memory_space<vmem>>, vector<1x128xf32>
    %mul3A = vector.broadcast %get3A_14 : vector<1x128xf32> to vector<10000x128xf32>
    %mul3A_15 = arith.mulf %div3A_11, %mul3A : vector<10000x128xf32>
    %get3A_16 = arith.constant 0 : index
    %get3A_17 = arith.constant 0 : index
    %get3A_18 = vector.load %arg4[%get3A_16, %get3A_17] : memref<1x128xf32, #tpu.memory_space<vmem>>, vector<1x128xf32>
    %add3A_19 = vector.broadcast %get3A_18 : vector<1x128xf32> to vector<10000x128xf32>
    %add3A_20 = arith.addf %mul3A_15, %add3A_19 : vector<10000x128xf32>
    %swap3A = arith.constant 0 : index
    %swap3A_21 = arith.constant 0 : index
    %swap3A_22 = vector.load %arg5[%swap3A, %swap3A_21] : memref<10000x128xf32, #tpu.memory_space<vmem>>, vector<10000x128xf32>
    tpu.vector_store %arg5[%swap3A, %swap3A_21], %add3A_20 {strides = array<i32>} : memref<10000x128xf32, #tpu.memory_space<vmem>>, vector<10000x128xf32>,
    return
  }
}

</mosaic_0001>

<sc_bundles>
// kernel: gather_offload_async_start.1
scs
__scs_entry_jumppad:
0x0: {  	(pc) =	sbr.rel $0x88, $3  }
0x1: {  	(tag) =	ssettag $0x0;
	lr =	simm.s32 $0x1  }
0x2: {  	[smem:$0x3F93] =	sst lr;
	_ =	strace $0xD0000000  }
0x3: {  	_ = 	snop  }
0x4: {  	_ = 	snop  }
0x5: {  	_ = 	snop  }
0x6: {  	_ = 	snop  }
0x7: {  	_ = 	snop  }
__scs_overlays_trampoline_lowered:
0x8: {  	[smem:$0x3FA2] =	sst s0  }
0x9: {  	[smem:$0x3FA3] =	sst s1  }
0xa: {  	[smem:$0x3FA4] =	sst s2  }
0xb: {  	[smem:$0x3FA5] =	sst s3  }
0xc: {  	[smem:$0x3FA6] =	sst s4  }
0xd: {  	[smem:$0x3FA7] =	sst s5  }
0xe: {  	[smem:$0x3FA8] =	sst s6  }
0xf: {  	[smem:$0x3FA9] =	sst s7  }
0x10: {  	[smem:$0x3FAA] =	sst s8  }
0x11: {  	[smem:$0x3FAB] =	sst s9;
	s0 =	simm.s32 @!p0 $0x0  }
0x12: {  	s1 =	sld [smem:$0x3F91];
	s0 =	simm.s32 @p0 $0x1  }
0x13: {  	[smem:$0x3FAC] =	sst s0;
	s0 =	simm.s32 @!p1 $0x0  }
0x14: {  	s2 =	sld [smem:$0x3F90];
	s0 =	simm.s32 @p1 $0x1  }
0x15: {  	[smem:$0x3FAD] =	sst s0;
	s0 =	simm.s32 @!p2 $0x0  }
0x16: {  	s3 =	sld [smem:$0x3FDB];
	s0 =	simm.s32 @p2 $0x1  }
0x17: {  	s4 =	simm.s32 $0x1BF5;
	[smem:$0x3FAF] =	sst s0  }
0x18: {  	s0 =	sld [smem:$0x3F92];
	_ =	swait.ge [sflag:s4], $0x0  }
0x19: {  	s7 =	sld [smem:$0x3F93]  }
0x1a: {  	s8 =	sadd.s32 $0xFFFFE003, lr  }
0x1b: {  	s9 =	sadd.s32 $0xFFFFFEF7, lr;
	s5 =	simm.s32 $0xFFFFFFFF;
	p2 =	slt.u32 s8, $0xFFFFF086  }
0x1c: {  	p1 =	slt.u32 s9, $0xF7A;
	s5 =	simm.s32 @!p2 $0x0  }
0x1d: {  	s5 =	simm.s32 @p1 $0x1;
	p0 =	seq.s32 s7, s2  }
0x1e: {  	s7 =	smul.u32 @!p0 $0xF7A, s2;
	p2 =	seq.s32 @!p0 s5, $0x0  }
0x1f: {  	s9 =	smul.u32 $0xF7A, s1;
	s8 =	simm.s32 @!p0 $0x1BF5;
	p2 =	por !p2, p0  }
0x20: {  	[sflag:s8] =	ssyncset.s32 @!p0 $0xFFFFF086;
	s6 =	sadd.s32 @!p0 s3, s7;
	s7 =	simm.s32 @!p0 $0x108  }
0x21: {  	s3 =	sadd.s32 s3, s9;
	s6 =	sadd.s32 @!p0 $0x88, s6;
	s7 =	simm.s32 @p2 $0x1082  }
0x22: {  	[simem:s7], [sflag:s8] =	dma.local @!p0 [hbm:s6], $0xF7A  }
0x23: {  	s9 =	sor.u32 $0xD0000000, s2;
	s6 =	simm.s32 $0x108;
	_ =	swait.ge @!p0 [sflag:s8], $0x0  }
0x24: {  	s3 =	sadd.s32 $0x88, s3;
	s6 =	simm.s32 @!p1 $0x1082;
	[sflag:s4] =	ssyncset.s32 $0xFFFFF086  }
0x25: {  	[simem:s6], [sflag:s4] =	dma.local [hbm:s3], $0xF7A  }
0x26: {  	[smem:$0x3F93] =	sst s1;
	(tag) =	ssettag s2;
	_ =	strace s9  }
0x27: {  	s1 =	sld [smem:$0x3FA3]  }
0x28: {  	s2 =	sld [smem:$0x3FA4]  }
0x29: {  	s4 =	sld [smem:$0x3FA6]  }
0x2a: {  	p0 =	seq.s32 s5, $0x0;
	s5 =	sld [smem:$0x3FA7]  }
0x2b: {  	s6 =	sld [smem:$0x3FA8]  }
0x2c: {  	s7 =	sld [smem:$0x3FA9]  }
0x2d: {  	s3 =	simm.s32 $0x108;
	s8 =	sld [smem:$0x3FAA]  }
0x2e: {  	s3 =	simm.s32 @!p0 $0x1082;
	s9 =	sld [smem:$0x3FAB]  }
0x2f: {  	lr =	sadd.s32 s0, s3;
	s0 =	sld [smem:$0x3FA2]  }
0x30: {  	s3 =	sld [smem:$0x3FA5]  }
0x31: {  	[smem:$0x3FAE] =	sst s10  }
0x32: {  	s10 =	sld [smem:$0x3FAC];
	_ =	sdelay $0x3  }
0x33: {  	p0 =	seq.s32 s10, $0x1;
	s10 =	sld [smem:$0x3FAE];
	_ =	sdelay $0x3  }
0x34: {  	[smem:$0x3FAE] =	sst s10  }
0x35: {  	s10 =	sld [smem:$0x3FAD];
	_ =	sdelay $0x3  }
0x36: {  	p1 =	seq.s32 s10, $0x1;
	s10 =	sld [smem:$0x3FAE];
	_ =	sdelay $0x3  }
0x37: {  	[smem:$0x3FAE] =	sst s10  }
0x38: {  	s10 =	sld [smem:$0x3FAF]  }
0x39: {  	_ = 	snop;
	(pc) =	sbr.ind lr, $3  }
0x3a: {  	_ = 	snop  }
0x3b: {  	_ = 	snop  }
0x3c: {  	p2 =	seq.s32 s10, $0x1;
	s10 =	sld [smem:$0x3FAE]  }
0x3d: {  	_ =	shalt  }
0x3e: {  	_ =	shalt  }
0x3f: {  	_ =	shalt  }
0x40: {  	_ =	shalt  }
0x41: {  	_ =	shalt  }
0x42: {  	_ =	shalt  }
0x43: {  	_ =	shalt  }
0x44: {  	_ =	shalt  }
0x45: {  	_ =	shalt  }
0x46: {  	_ =	shalt  }
0x47: {  	_ =	shalt  }
0x48: {  	_ =	shalt  }
0x49: {  	_ =	shalt  }
0x4a: {  	_ =	shalt  }
0x4b: {  	_ =	shalt  }
0x4c: {  	_ =	shalt  }
0x4d: {  	_ =	shalt  }
0x4e: {  	_ =	shalt  }
0x4f: {  	_ =	shalt  }
0x50: {  	_ =	shalt  }
0x51: {  	_ =	shalt  }
0x52: {  	_ =	shalt  }
0x53: {  	_ =	shalt  }
0x54: {  	_ =	shalt  }
0x55: {  	_ =	shalt  }
0x56: {  	_ =	shalt  }
0x57: {  	_ =	shalt  }
0x58: {  	_ =	shalt  }
0x59: {  	_ =	shalt  }
0x5a: {  	_ =	shalt  }
0x5b: {  	_ =	shalt  }
0x5c: {  	_ =	shalt  }
0x5d: {  	_ =	shalt  }
0x5e: {  	_ =	shalt  }
0x5f: {  	_ =	shalt  }
0x60: {  	_ =	shalt  }
0x61: {  	_ =	shalt  }
0x62: {  	_ =	shalt  }
0x63: {  	_ =	shalt  }
0x64: {  	_ =	shalt  }
0x65: {  	_ =	shalt  }
0x66: {  	_ =	shalt  }
0x67: {  	_ =	shalt  }
0x68: {  	_ =	shalt  }
0x69: {  	_ =	shalt  }
0x6a: {  	_ =	shalt  }
0x6b: {  	_ =	shalt  }
0x6c: {  	_ =	shalt  }
0x6d: {  	_ =	shalt  }
0x6e: {  	_ =	shalt  }
0x6f: {  	_ =	shalt  }
0x70: {  	_ =	shalt  }
0x71: {  	_ =	shalt  }
0x72: {  	_ =	shalt  }
0x73: {  	_ =	shalt  }
0x74: {  	_ =	shalt  }
0x75: {  	_ =	shalt  }
0x76: {  	_ =	shalt  }
0x77: {  	_ =	shalt  }
0x78: {  	_ =	shalt  }
0x79: {  	_ =	shalt  }
0x7a: {  	_ =	shalt  }
0x7b: {  	_ =	shalt  }
0x7c: {  	_ =	shalt  }
0x7d: {  	_ =	shalt  }
0x7e: {  	_ =	shalt  }
0x7f: {  	_ =	shalt  }
0x80: {  	_ =	shalt  }
0x81: {  	_ =	shalt  }
0x82: {  	_ =	shalt  }
0x83: {  	_ =	shalt  }
0x84: {  	_ =	shalt  }
0x85: {  	_ =	shalt  }
0x86: {  	_ =	shalt  }
0x87: {  	_ =	shalt  }
.Lfunc_end0:
.L_simem_size_0:
called_computation.2_lowered:
.L_overlay_start_0:
0x88: {  	s2 =	sld [smem:$0x3FD9]  }
0x89: {  	s3 =	sld [smem:$0x3FFE];
	_ =	sdelay $0x1  }
0x8a: {  	s1 =	srdreg.scid  }
0x8b: {  	s0 =	sand.u32 $0x1, s1  }
0x8c: {  	s16 =	sshll.u32 s0, $0xA;
	s2 =	sadd.s32 s3, s2  }
0x8d: {  	s2 =	sadd.s32 s2, s16  }
0x8e: {  	[smem:$0x3FBA] =	sst s2  }
0x8f: {  	_ = 	snop  }
0x90: {  	(tm) =	ssettm $0x1  }
0x91: {  	s17 =	sld [smem:$0x3FFB];
	_ =	sdelay $0x3  }
0x92: {  	_ =	strace s17  }
0x93: {  	s2 =	sld [smem:$0x3FFC];
	_ =	sdelay $0x3  }
0x94: {  	_ =	strace s2  }
0x95: {  	s2 =	sld [smem:$0x3FFD];
	_ =	sdelay $0x3  }
0x96: {  	_ =	strace s2  }
0x97: {  	_ =	strace $0x8FFFFFFF  }
0x98: {  	s18 =	sld [smem:$0x3FDB];
	_ =	sdelay $0x1  }
0x99: {  	s19 =	simm.s32 $_scs_section_size  }
0x9a: {  	s4 =	simm.s32 $_size__tile_overlayer_lowered;
	s5 =	simm.s32 $_tile_overlayer_lowered  }
0x9b: {  	s22 =	simm.s32 $0x1BFF;
	s21 =	sshll.u32 s5, $0x1;
	s2 =	sadd.s32 s19, s18  }
0x9c: {  	s6 =	simm.s32 $0x0;
	s20 =	sshll.u32 s4, $0x1;
	s4 =	sadd.s32 s21, s2  }
0x9d: {  	[timem:s6], [sflag:s22] =	dma.local [hbm:s4], s20  }
0x9e: {  	_ =	swait.ge [sflag:s22], s20  }
0x9f: {  	s3 =	ssub.s32 $0x0, s20;
	[sflag:s22] =	ssyncset.done $0x0  }
0xa0: {  	[sflag:s22] =	ssyncadd.s32 s3;
	_ =	sdelay $0x1  }
0xa1: {  	s23 =	simm.s32 $0x1B8B  }
0xa2: {  	_ =	swait.ge [sflag:s23], $0x1  }
0xa3: {  	[sflag:s23] =	ssyncset.done $0x0  }
0xa4: {  	s25 =	simm.s32 $0x1B8E;
	s24 =	sld [smem:$0x3FFE];
	[sflag:s23] =	ssyncadd.s32 $0xFFFFFFFF  }
0xa5: {  	s26 =	simm.s32 $execute0_lowered;
	[smem:$0x3FD2] =	sst s25  }
0xa6: {  	s4 =	sshll.u32 s26, $0x1;
	_ =	strace $0x80000067;
	[dreg:$0x1] =	wrdreg $0xFFFFFFFF  }
0xa7: {  	s28 =	simm.s32 $_size_execute0_lowered;
	s2 =	sadd.s32 s2, s4;
	[dreg:$0x0] =	wrdreg $0x0  }
0xa8: {  	s4 =	sshll.u32 s28, $0x1;
	[dreg:$0x2] =	wrdreg s2  }
0xa9: {  	[dreg:$0x3] =	wrdreg s4  }
0xaa: {  	[dreg:$0x4] =	wrdreg $0xC0  }
0xab: {  	_ =	task [dreg:s6], $0x5FFFF  }
0xac: {  	[dreg:$0x1] =	wrdreg $0xFFFFFFFF  }
0xad: {  	[dreg:$0x0] =	wrdreg $0x60  }
0xae: {  	[dreg:$0x2] =	wrdreg s24  }
0xaf: {  	[dreg:$0x3] =	wrdreg $0x9  }
0xb0: {  	_ =	task.clear_ibuf [dreg:s6], $0x4FFFF;
	_ =	strace $0x90000067  }
0xb1: {  	s29 =	simm.s32 $0x9;
	_ =	strace $0x80000069  }
0xb2: {  	_ =	swait.ge [sflag:s29], $0x1  }
0xb3: {  	[sflag:s29] =	ssyncadd.s32 $0xFFFFFFFF  }
0xb4: {  	_ =	strace $0x90000069  }
0xb5: {  	_ =	sfence  }
0xb6: {  	s30 =	sld [smem:$0x0];
	_ =	sdelay $0x2  }
0xb7: {  	s31 =	sshll.u32 s1, $0xD;
	s1 =	sshrl.u32 s1, $0x2  }
0xb8: {  	s3 =	sand.u32 $0x4000, s31;
	s1 =	sadd.s32 s1, s30  }
0xb9: {  	s0 =	sor.u32 s3, s0;
	s1 =	sshll.u32 s1, $0x11  }
0xba: {  	s0 =	sor.u32 s1, s0  }
0xbb: {  	s0 =	sadd.s32 $0x8F2B, s0  }
0xbc: {  	[sflag:s0] =	ssyncadd.remote.s32 $0x1  }
0xbd: {  	_ =	sfence.sel $0xFFFF  }
0xbe: {  	[dreg:$0x0] =	wrdreg $0xFFFFFFFF;
	(pc) =	sbr.abs _section_cstart, $3  }
0xbf: {  	[dreg:$0x1] =	wrdreg $0xFFFFFFFF  }
0xc0: {  	_ =	task.clear_ibuf [dreg:s6], $0x2FFFF;
	_ =	strace $0x9FFFFFFF  }
0xc1: {  	(tm) =	ssettm $0x7FFFFFFF  }
tec
execute0_lowered:
.L_overlay_start_1:
0x0: {  	(tag) =	ssettag $0x1  }
0x1: {  	s8 =	rddreg [dreg:$0x0]  }
0x2: {  	s0 =	rddreg [dreg:$0x1];
	_ =	strace $0x80000068;
	s1 =	stileid.u32  }
0x3: {  	s3 =	srdreg.scid;
	s4 =	simm.s32 $0x1;
	s7 =	simm.s32 $0x1  }
0x4: {  	s9 =	simm.s32 $0x1;
	s10 =	simm.s32 $0x3;
	s13 =	simm.s32 $0x0  }
0x5: {  	s12 =	simm.s32 $0x0;
	s5 =	sand.u32 $0x1, s3;
	s6 =	sshll.u32 s1, $0x1  }
0x6: {  	s2 =	sadd.s32 $0x65C00, s8;
	s3 =	sadd.s32 $0x52000, s8;
	s5 =	sor.u32 s6, s5  }
.Ltmp0:
0x7: {  	[sflag:s4] =	ssyncpa.u1 $0x0;
	p0 =	slt.u32 s5, $0x9;
	(pc) =	sbr.rel .LBB2_1-.Ltmp0, $4  }
0x8: {  	s6 =	simm.s32 $0x2;
	s7 =	simm.s32 @!p0 $0x0;
	p0 =	sne.s32 s5, $0x8  }
0x9: {  	[sflag:s6] =	ssyncpa.u1 $0x0;
	s5 =	smul.u32 $0x1F40, s5;
	s9 =	simm.s32 @!p0 $0x0  }
0xa: {  	s8 =	sadd.s32 $0x5BE00, s8;
	[sflag:s10] =	ssyncpa.u1 $0x0;
	s7 =	sadd.s32 s9, s7  }
0xb: {  	vm0 =	vmmov $0xffff;
	s10 =	simm.s32 $0x0;
	s11 =	smov.u32 s5;
	s9 =	sadd.s32 $0x1, s7  }
.LBB2_4:
0xc: {  	v2 =	vnsel vm1, $0x0, v2  }
0xd: {  	vm1 =	vgt.s32 v0, $0x0;
	v2 =	vmin.u32 v2, $0x4E1FF  }
0xe: {  	v0 =	vnsel vm1, $0x0, v0  }
0xf: {  	v0 =	vmin.u32 v0, $0x4E1FF  }
0x10: {  	[tilespmem:s18], [sflag:$0x1] =	stream.indirect_vreg.gather [hbm4b:s2+s10], $0x1, v1, vm0, $0x4038;
	[tilespmem:$0x7D00] =	vst v63  }
0x11: {  	(ifvalue) =	ssetifvalue $0x7FFFFFFF  }
0x12: {  	[tilespmem:s15], [sflag:$0x1] =	stream.indirect_vreg.gather [hbm4b:s2+s10], $0x1, v2, vm0, $0x4038;
	[tilespmem:$0x7D00] =	vst v63  }
0x13: {  	s29 =	sadd.s32 $0x10, s15;
	(ifvalue) =	ssetifvalue $0x7FFFFFFF  }
0x14: {  	[tilespmem:s29], [sflag:$0x1] =	stream.indirect_vreg.gather [hbm4b:s2+s10], $0x1, v0, vm0, $0x4038;
	[tilespmem:$0x7D00] =	vst v63  }
0x15: {  	_ =	swait.ge [sflag:s4], $0x1F40  }
0x16: {  	s30 =	sshrl.u32 s13, $0x3;
	[sflag:s4] =	ssyncset.done $0x0  }
0x17: {  	s31 =	sand.u32 $0x7, s13;
	s15 =	sadd.s32 s8, s30;
	[sflag:s4] =	ssyncadd.s32 $0xFFFFE0C0  }
0x18: {  	[hbm4b:s15+s31] =	stream.linear.scatter [tilespmem:s14], [sflag:$0x3], $0x1F40, $0x38;
	[tilespmem:$0x7D00] =	vst v63  }
.LBB2_5:
0x19: {  	s15 =	sadd.s32 $0x3E800, s11  }
0x1a: {  	p1 =	sgt.s32 s15, $0x4E1FF  }
0x1b: {  	s15 =	smov.u32 @p1 s5;
	p1 =	sne.s32 s12, s9  }
.Ltmp1:
0x1c: {  	p0 =	slt.u32 s12, $0x2;
	(pc) =	sbr.rel @!p1 .LBB2_6-.Ltmp1, $4  }
0x1d: {  	s14 =	simm.s32 @!p0 $0x3  }
0x1e: {  	_ =	swait.ge @!p0 [sflag:s14], $0x1F40  }
0x1f: {  	s16 =	sadd.s32 $0x1, s12;
	s13 =	smov.u32 s11;
	[sflag:s14] =	ssyncset.done @!p0 $0x0  }
0x20: {  	s12 =	smov.u32 s16;
	s11 =	smov.u32 s15;
	[sflag:s14] =	ssyncadd.s32 @!p0 $0xFFFFE0C0  }
.LBB2_1:
0x21: {  	p0 =	sge.u32 s12, s7  }
0x22: {  	s14 =	sxor.u32 @!p0 $0x1, s12  }
0x23: {  	s14 =	smul.u32 @!p0 $0x7D00, s14  }
0x24: {  	s31 =	sadd.s32 $0xFFFFFFFF, s12;
	s15 =	sshrl.u32 @!p0 s11, $0x3  }
0x25: {  	s16 =	sand.u32 @!p0 $0x7, s11;
	s15 =	sadd.s32 @!p0 s3, s15;
	s14 =	sshra.s32 @!p0 s14, $0x2  }
0x26: {  	[tilespmem:s14], [sflag:$0x2] =	stream.linear.gather @!p0 [hbm4b:s15+s16], $0x1F40, $0x38;
	[tilespmem:$0x7D00] =	vst v63  }
0x27: {  	p0 =	sge.u32 s31, s7  }
.Ltmp2:
0x28: {  	_ = 	snop;
	(pc) =	sbr.rel @p0 .LBB2_5-.Ltmp2, $1  }
0x29: {  	_ =	sdelay $0x3  }
0x2a: {  	s14 =	sand.u32 $0x1, s12  }
0x2b: {  	_ =	swait.ge [sflag:s6], $0x1F40;
	p0 =	seq.s32 s14, $0x1;
	s14 =	simm.s32 $0x1F40  }
0x2c: {  	[sflag:s6] =	ssyncset.done $0x0;
	s14 =	simm.s32 @!p0 $0x0  }
0x2d: {  	[sflag:s6] =	ssyncadd.s32 $0xFFFFE0C0;
	(ifvalue) =	ssetifvalue $0x7FFFFFFF;
	v0 =	vld.msk [tilespmem:s14+$0x0 ss:$0x1], $0xffff;
	_ =	sdelay $0x4  }
0x2e: {  	s15 =	sadd.s32 $0x10, s14;
	vm1 =	vgt.s32 v0, $0x0  }
0x2f: {  	v2 =	vld.msk [tilespmem:s15+$0x0 ss:$0x1], $0xffff;
	v1 =	vnsel vm1, $0x0, v0  }
0x30: {  	v1 =	vmin.u32 v1, $0x4E1FF;
	_ =	sdelay $0x2  }
0x31: {  	s17 =	simm.s32 $0x20;
	s14 =	sadd.s32 $0x3E80, s14;
	s16 =	sadd.s32 $0x10, s15  }
0x32: {  	s15 =	sadd.s32 $0x10, s14;
	s18 =	smov.u32 s14;
	v0 =	vld.msk [tilespmem:s16+$0x0 ss:$0x1], $0xffff;
	vm1 =	vgt.s32 v2, $0x0;
	(ifvalue) =	ssetifvalue $0x7FFFFFFF  }
.LBB2_3:
0x33: {  	[tilespmem:s18], [sflag:$0x1] =	stream.indirect_vreg.gather [hbm4b:s2+s10], $0x1, v1, vm0, $0x4038;
	[tilespmem:$0x7D00] =	vst v63  }
0x34: {  	s17 =	sadd.s32 $0x10, s17  }
0x35: {  	v2 =	vnsel vm1, $0x0, v2;
	p0 =	slt.u32 s17, $0x1F30  }
.Ltmp3:
0x36: {  	s18 =	smov.u32 s15;
	v1 =	vmin.u32 v2, $0x4E1FF;
	(pc) =	sbr.rel @p0 .LBB2_3-.Ltmp3, $3  }
0x37: {  	_ =	sdelay $0x1  }
0x38: {  	s16 =	sadd.s32 $0x10, s16  }
0x39: {  	vm1 =	vgt.s32 v0, $0x0;
	s15 =	sadd.s32 $0x10, s15;
	v2 =	vmov v0;
	(ifvalue) =	ssetifvalue $0x7FFFFFFF;
	v0 =	vld.msk [tilespmem:s16+$0x0 ss:$0x1], $0xffff  }
.Ltmp4:
0x3a: {  	_ = 	snop;
	(pc) =	sbr.rel .LBB2_4-.Ltmp4, $1  }
0x3b: {  	_ =	sdelay $0x3  }
.LBB2_6:
0x3c: {  	_ =	sfence.sel $0x180000  }
0x3d: {  	s2 =	simm.s32 $0x2;
	[bflag:$0x0] =	sbarrier.arrive $0xFFFF  }
0x3e: {  	s30 =	simm.s32 $0x3;
	[sflag:s2] =	ssyncpa.u1 $0x1  }
0x3f: {  	s31 =	simm.s32 $0x1;
	[sflag:s30] =	ssyncpa.u1 $0x1  }
0x40: {  	[sflag:s31] =	ssyncpa.u1 $0x1  }
0x41: {  	p0 =	sne.s32 s1, $0x0;
	_ =	strace $0x90000068  }
0x42: {  	s0 =	sadd.s32 @!p0 $0x100000, s0;
	[bflag:$0x2] =	sbarrier.arrive $0xFFFF  }
0x43: {  	[sflag:s0] =	ssyncadd.tile.s32 @!p0 $0x1;
	_ =	shalt  }
.Lfunc_end2:
_tile_overlayer_lowered:
.L_overlay_start_2:
0x44: {  	(tag) =	ssettag $0x2  }
0x45: {  	s0 =	rddreg [dreg:$0x0];
	s2 =	stileid.u32  }
0x46: {  	s1 =	rddreg [dreg:$0x1];
	p0 =	sne.s32 s2, $0x0  }
0x47: {  	s3 =	rddreg [dreg:$0x2];
	[bflag:$0x3] =	sbarrier.arrive $0xFFFF;
	s2 =	simm.s32 @!p0 $0x1C01  }
0x48: {  	[timem:s3], [sflag:s2] =	dma.local @!p0 [hbm:s0], s1  }
0x49: {  	s0 =	simm.s32 @!p0 $0x1  }
0x4a: {  	_ =	swait.ge @!p0 [sflag:s0], s1  }
0x4b: {  	s1 =	ssub.s32 @!p0 $0x0, s1;
	[sflag:s0] =	ssyncset.done @!p0 $0x0  }
0x4c: {  	[sflag:s0] =	ssyncadd.s32 @!p0 s1  }
0x4d: {  	[bflag:$0x3] =	sbarrier.arrive $0xFFFF  }
0x4e: {  	_ =	shalt  }

// kernel: gather_offload_async_start.2
scs
__scs_entry_jumppad:
0x0: {  	(pc) =	sbr.rel $0x88, $3  }
0x1: {  	(tag) =	ssettag $0x0;
	lr =	simm.s32 $0x1  }
0x2: {  	[smem:$0x3F93] =	sst lr;
	_ =	strace $0xD0000000  }
0x3: {  	_ = 	snop  }
0x4: {  	_ = 	snop  }
0x5: {  	_ = 	snop  }
0x6: {  	_ = 	snop  }
0x7: {  	_ = 	snop  }
__scs_overlays_trampoline_lowered:
0x8: {  	[smem:$0x3FA2] =	sst s0  }
0x9: {  	[smem:$0x3FA3] =	sst s1  }
0xa: {  	[smem:$0x3FA4] =	sst s2  }
0xb: {  	[smem:$0x3FA5] =	sst s3  }
0xc: {  	[smem:$0x3FA6] =	sst s4  }
0xd: {  	[smem:$0x3FA7] =	sst s5  }
0xe: {  	[smem:$0x3FA8] =	sst s6  }
0xf: {  	[smem:$0x3FA9] =	sst s7  }
0x10: {  	[smem:$0x3FAA] =	sst s8  }
0x11: {  	[smem:$0x3FAB] =	sst s9;
	s0 =	simm.s32 @!p0 $0x0  }
0x12: {  	s1 =	sld [smem:$0x3F91];
	s0 =	simm.s32 @p0 $0x1  }
0x13: {  	[smem:$0x3FAC] =	sst s0;
	s0 =	simm.s32 @!p1 $0x0  }
0x14: {  	s2 =	sld [smem:$0x3F90];
	s0 =	simm.s32 @p1 $0x1  }
0x15: {  	[smem:$0x3FAD] =	sst s0;
	s0 =	simm.s32 @!p2 $0x0  }
0x16: {  	s3 =	sld [smem:$0x3FDB];
	s0 =	simm.s32 @p2 $0x1  }
0x17: {  	s4 =	simm.s32 $0x1BF5;
	[smem:$0x3FAF] =	sst s0  }
0x18: {  	s0 =	sld [smem:$0x3F92];
	_ =	swait.ge [sflag:s4], $0x0  }
0x19: {  	s7 =	sld [smem:$0x3F93]  }
0x1a: {  	s8 =	sadd.s32 $0xFFFFE003, lr  }
0x1b: {  	s9 =	sadd.s32 $0xFFFFFEF7, lr;
	s5 =	simm.s32 $0xFFFFFFFF;
	p2 =	slt.u32 s8, $0xFFFFF086  }
0x1c: {  	p1 =	slt.u32 s9, $0xF7A;
	s5 =	simm.s32 @!p2 $0x0  }
0x1d: {  	s5 =	simm.s32 @p1 $0x1;
	p0 =	seq.s32 s7, s2  }
0x1e: {  	s7 =	smul.u32 @!p0 $0xF7A, s2;
	p2 =	seq.s32 @!p0 s5, $0x0  }
0x1f: {  	s9 =	smul.u32 $0xF7A, s1;
	s8 =	simm.s32 @!p0 $0x1BF5;
	p2 =	por !p2, p0  }
0x20: {  	[sflag:s8] =	ssyncset.s32 @!p0 $0xFFFFF086;
	s6 =	sadd.s32 @!p0 s3, s7;
	s7 =	simm.s32 @!p0 $0x108  }
0x21: {  	s3 =	sadd.s32 s3, s9;
	s6 =	sadd.s32 @!p0 $0x88, s6;
	s7 =	simm.s32 @p2 $0x1082  }
0x22: {  	[simem:s7], [sflag:s8] =	dma.local @!p0 [hbm:s6], $0xF7A  }
0x23: {  	s9 =	sor.u32 $0xD0000000, s2;
	s6 =	simm.s32 $0x108;
	_ =	swait.ge @!p0 [sflag:s8], $0x0  }
0x24: {  	s3 =	sadd.s32 $0x88, s3;
	s6 =	simm.s32 @!p1 $0x1082;
	[sflag:s4] =	ssyncset.s32 $0xFFFFF086  }
0x25: {  	[simem:s6], [sflag:s4] =	dma.local [hbm:s3], $0xF7A  }
0x26: {  	[smem:$0x3F93] =	sst s1;
	(tag) =	ssettag s2;
	_ =	strace s9  }
0x27: {  	s1 =	sld [smem:$0x3FA3]  }
0x28: {  	s2 =	sld [smem:$0x3FA4]  }
0x29: {  	s4 =	sld [smem:$0x3FA6]  }
0x2a: {  	p0 =	seq.s32 s5, $0x0;
	s5 =	sld [smem:$0x3FA7]  }
0x2b: {  	s6 =	sld [smem:$0x3FA8]  }
0x2c: {  	s7 =	sld [smem:$0x3FA9]  }
0x2d: {  	s3 =	simm.s32 $0x108;
	s8 =	sld [smem:$0x3FAA]  }
0x2e: {  	s3 =	simm.s32 @!p0 $0x1082;
	s9 =	sld [smem:$0x3FAB]  }
0x2f: {  	lr =	sadd.s32 s0, s3;
	s0 =	sld [smem:$0x3FA2]  }
0x30: {  	s3 =	sld [smem:$0x3FA5]  }
0x31: {  	[smem:$0x3FAE] =	sst s10  }
0x32: {  	s10 =	sld [smem:$0x3FAC];
	_ =	sdelay $0x3  }
0x33: {  	p0 =	seq.s32 s10, $0x1;
	s10 =	sld [smem:$0x3FAE];
	_ =	sdelay $0x3  }
0x34: {  	[smem:$0x3FAE] =	sst s10  }
0x35: {  	s10 =	sld [smem:$0x3FAD];
	_ =	sdelay $0x3  }
0x36: {  	p1 =	seq.s32 s10, $0x1;
	s10 =	sld [smem:$0x3FAE];
	_ =	sdelay $0x3  }
0x37: {  	[smem:$0x3FAE] =	sst s10  }
0x38: {  	s10 =	sld [smem:$0x3FAF]  }
0x39: {  	_ = 	snop;
	(pc) =	sbr.ind lr, $3  }
0x3a: {  	_ = 	snop  }
0x3b: {  	_ = 	snop  }
0x3c: {  	p2 =	seq.s32 s10, $0x1;
	s10 =	sld [smem:$0x3FAE]  }
0x3d: {  	_ =	shalt  }
0x3e: {  	_ =	shalt  }
0x3f: {  	_ =	shalt  }
0x40: {  	_ =	shalt  }
0x41: {  	_ =	shalt  }
0x42: {  	_ =	shalt  }
0x43: {  	_ =	shalt  }
0x44: {  	_ =	shalt  }
0x45: {  	_ =	shalt  }
0x46: {  	_ =	shalt  }
0x47: {  	_ =	shalt  }
0x48: {  	_ =	shalt  }
0x49: {  	_ =	shalt  }
0x4a: {  	_ =	shalt  }
0x4b: {  	_ =	shalt  }
0x4c: {  	_ =	shalt  }
0x4d: {  	_ =	shalt  }
0x4e: {  	_ =	shalt  }
0x4f: {  	_ =	shalt  }
0x50: {  	_ =	shalt  }
0x51: {  	_ =	shalt  }
0x52: {  	_ =	shalt  }
0x53: {  	_ =	shalt  }
0x54: {  	_ =	shalt  }
0x55: {  	_ =	shalt  }
0x56: {  	_ =	shalt  }
0x57: {  	_ =	shalt  }
0x58: {  	_ =	shalt  }
0x59: {  	_ =	shalt  }
0x5a: {  	_ =	shalt  }
0x5b: {  	_ =	shalt  }
0x5c: {  	_ =	shalt  }
0x5d: {  	_ =	shalt  }
0x5e: {  	_ =	shalt  }
0x5f: {  	_ =	shalt  }
0x60: {  	_ =	shalt  }
0x61: {  	_ =	shalt  }
0x62: {  	_ =	shalt  }
0x63: {  	_ =	shalt  }
0x64: {  	_ =	shalt  }
0x65: {  	_ =	shalt  }
0x66: {  	_ =	shalt  }
0x67: {  	_ =	shalt  }
0x68: {  	_ =	shalt  }
0x69: {  	_ =	shalt  }
0x6a: {  	_ =	shalt  }
0x6b: {  	_ =	shalt  }
0x6c: {  	_ =	shalt  }
0x6d: {  	_ =	shalt  }
0x6e: {  	_ =	shalt  }
0x6f: {  	_ =	shalt  }
0x70: {  	_ =	shalt  }
0x71: {  	_ =	shalt  }
0x72: {  	_ =	shalt  }
0x73: {  	_ =	shalt  }
0x74: {  	_ =	shalt  }
0x75: {  	_ =	shalt  }
0x76: {  	_ =	shalt  }
0x77: {  	_ =	shalt  }
0x78: {  	_ =	shalt  }
0x79: {  	_ =	shalt  }
0x7a: {  	_ =	shalt  }
0x7b: {  	_ =	shalt  }
0x7c: {  	_ =	shalt  }
0x7d: {  	_ =	shalt  }
0x7e: {  	_ =	shalt  }
0x7f: {  	_ =	shalt  }
0x80: {  	_ =	shalt  }
0x81: {  	_ =	shalt  }
0x82: {  	_ =	shalt  }
0x83: {  	_ =	shalt  }
0x84: {  	_ =	shalt  }
0x85: {  	_ =	shalt  }
0x86: {  	_ =	shalt  }
0x87: {  	_ =	shalt  }
.Lfunc_end0:
.L_simem_size_0:
called_computation.3_lowered:
.L_overlay_start_0:
0x88: {  	s2 =	sld [smem:$0x3FD9]  }
0x89: {  	s3 =	sld [smem:$0x3FFE];
	_ =	sdelay $0x1  }
0x8a: {  	s1 =	srdreg.scid  }
0x8b: {  	s0 =	sand.u32 $0x1, s1  }
0x8c: {  	s16 =	sshll.u32 s0, $0xA;
	s2 =	sadd.s32 s3, s2  }
0x8d: {  	s2 =	sadd.s32 s2, s16  }
0x8e: {  	[smem:$0x3FBA] =	sst s2  }
0x8f: {  	_ = 	snop  }
0x90: {  	(tm) =	ssettm $0x1  }
0x91: {  	s17 =	sld [smem:$0x3FFB];
	_ =	sdelay $0x3  }
0x92: {  	_ =	strace s17  }
0x93: {  	s2 =	sld [smem:$0x3FFC];
	_ =	sdelay $0x3  }
0x94: {  	_ =	strace s2  }
0x95: {  	s2 =	sld [smem:$0x3FFD];
	_ =	sdelay $0x3  }
0x96: {  	_ =	strace s2  }
0x97: {  	_ =	strace $0x8FFFFFFF  }
0x98: {  	s18 =	sld [smem:$0x3FDB];
	_ =	sdelay $0x1  }
0x99: {  	s19 =	simm.s32 $_scs_section_size  }
0x9a: {  	s4 =	simm.s32 $_size__tile_overlayer_lowered;
	s5 =	simm.s32 $_tile_overlayer_lowered  }
0x9b: {  	s22 =	simm.s32 $0x1BFF;
	s21 =	sshll.u32 s5, $0x1;
	s2 =	sadd.s32 s19, s18  }
0x9c: {  	s6 =	simm.s32 $0x0;
	s20 =	sshll.u32 s4, $0x1;
	s4 =	sadd.s32 s21, s2  }
0x9d: {  	[timem:s6], [sflag:s22] =	dma.local [hbm:s4], s20  }
0x9e: {  	_ =	swait.ge [sflag:s22], s20  }
0x9f: {  	s3 =	ssub.s32 $0x0, s20;
	[sflag:s22] =	ssyncset.done $0x0  }
0xa0: {  	[sflag:s22] =	ssyncadd.s32 s3;
	_ =	sdelay $0x1  }
0xa1: {  	s23 =	simm.s32 $0x1B8B  }
0xa2: {  	_ =	swait.ge [sflag:s23], $0x1  }
0xa3: {  	[sflag:s23] =	ssyncset.done $0x0  }
0xa4: {  	s25 =	simm.s32 $0x1B8E;
	s24 =	sld [smem:$0x3FFE];
	[sflag:s23] =	ssyncadd.s32 $0xFFFFFFFF  }
0xa5: {  	s26 =	simm.s32 $execute0_lowered;
	[smem:$0x3FD2] =	sst s25  }
0xa6: {  	s4 =	sshll.u32 s26, $0x1;
	_ =	strace $0x80000049;
	[dreg:$0x1] =	wrdreg $0xFFFFFFFF  }
0xa7: {  	s28 =	simm.s32 $_size_execute0_lowered;
	s2 =	sadd.s32 s2, s4;
	[dreg:$0x0] =	wrdreg $0x0  }
0xa8: {  	s4 =	sshll.u32 s28, $0x1;
	[dreg:$0x2] =	wrdreg s2  }
0xa9: {  	[dreg:$0x3] =	wrdreg s4  }
0xaa: {  	[dreg:$0x4] =	wrdreg $0xC0  }
0xab: {  	_ =	task [dreg:s6], $0x5FFFF  }
0xac: {  	[dreg:$0x1] =	wrdreg $0xFFFFFFFF  }
0xad: {  	[dreg:$0x0] =	wrdreg $0x60  }
0xae: {  	[dreg:$0x2] =	wrdreg s24  }
0xaf: {  	[dreg:$0x3] =	wrdreg $0xD  }
0xb0: {  	_ =	task.clear_ibuf [dreg:s6], $0x4FFFF;
	_ =	strace $0x90000049  }
0xb1: {  	s29 =	simm.s32 $0xD;
	_ =	strace $0x8000004B  }
0xb2: {  	_ =	swait.ge [sflag:s29], $0x1  }
0xb3: {  	[sflag:s29] =	ssyncadd.s32 $0xFFFFFFFF  }
0xb4: {  	_ =	strace $0x9000004B  }
0xb5: {  	_ =	sfence  }
0xb6: {  	s30 =	sld [smem:$0x0];
	_ =	sdelay $0x2  }
0xb7: {  	s31 =	sshll.u32 s1, $0xD;
	s1 =	sshrl.u32 s1, $0x2  }
0xb8: {  	s3 =	sand.u32 $0x4000, s31;
	s1 =	sadd.s32 s1, s30  }
0xb9: {  	s0 =	sor.u32 s3, s0;
	s1 =	sshll.u32 s1, $0x11  }
0xba: {  	s0 =	sor.u32 s1, s0  }
0xbb: {  	s0 =	sadd.s32 $0x8F2B, s0  }
0xbc: {  	[sflag:s0] =	ssyncadd.remote.s32 $0x1  }
0xbd: {  	_ =	sfence.sel $0xFFFF  }
0xbe: {  	[dreg:$0x0] =	wrdreg $0xFFFFFFFF;
	(pc) =	sbr.abs _section_cstart, $3  }
0xbf: {  	[dreg:$0x1] =	wrdreg $0xFFFFFFFF  }
0xc0: {  	_ =	task.clear_ibuf [dreg:s6], $0x2FFFF;
	_ =	strace $0x9FFFFFFF  }
0xc1: {  	(tm) =	ssettm $0x7FFFFFFF  }
tec
execute0_lowered:
.L_overlay_start_1:
0x0: {  	(tag) =	ssettag $0x1  }
0x1: {  	s8 =	rddreg [dreg:$0x0]  }
0x2: {  	s0 =	rddreg [dreg:$0x1];
	_ =	strace $0x8000004A;
	s1 =	stileid.u32  }
0x3: {  	s3 =	srdreg.scid;
	s4 =	simm.s32 $0x1;
	s7 =	simm.s32 $0x1  }
0x4: {  	s9 =	simm.s32 $0x1;
	s10 =	simm.s32 $0x3;
	s13 =	simm.s32 $0x0  }
0x5: {  	s12 =	simm.s32 $0x0;
	s5 =	sand.u32 $0x1, s3;
	s6 =	sshll.u32 s1, $0x1  }
0x6: {  	s2 =	sadd.s32 $0xCC00, s8;
	s3 =	sadd.s32 $0x20800, s8;
	s5 =	sor.u32 s6, s5  }
.Ltmp0:
0x7: {  	[sflag:s4] =	ssyncpa.u1 $0x0;
	p0 =	slt.u32 s5, $0x9;
	(pc) =	sbr.rel .LBB2_1-.Ltmp0, $4  }
0x8: {  	s6 =	simm.s32 $0x2;
	s7 =	simm.s32 @!p0 $0x0;
	p0 =	sne.s32 s5, $0x8  }
0x9: {  	[sflag:s6] =	ssyncpa.u1 $0x0;
	s5 =	smul.u32 $0x1F40, s5;
	s9 =	simm.s32 @!p0 $0x0  }
0xa: {  	s8 =	sadd.s32 $0x52000, s8;
	[sflag:s10] =	ssyncpa.u1 $0x0;
	s7 =	sadd.s32 s9, s7  }
0xb: {  	vm0 =	vmmov $0xffff;
	s10 =	simm.s32 $0x0;
	s11 =	smov.u32 s5;
	s9 =	sadd.s32 $0x1, s7  }
.LBB2_4:
0xc: {  	v2 =	vnsel vm1, $0x0, v2  }
0xd: {  	vm1 =	vgt.s32 v0, $0x0;
	v2 =	vmin.u32 v2, $0x4E1FF  }
0xe: {  	v0 =	vnsel vm1, $0x0, v0  }
0xf: {  	v0 =	vmin.u32 v0, $0x4E1FF  }
0x10: {  	[tilespmem:s18], [sflag:$0x1] =	stream.indirect_vreg.gather [hbm4b:s2+s10], $0x1, v1, vm0, $0x4038;
	[tilespmem:$0x7D00] =	vst v63  }
0x11: {  	(ifvalue) =	ssetifvalue $0x7FFFFFFF  }
0x12: {  	[tilespmem:s15], [sflag:$0x1] =	stream.indirect_vreg.gather [hbm4b:s2+s10], $0x1, v2, vm0, $0x4038;
	[tilespmem:$0x7D00] =	vst v63  }
0x13: {  	s29 =	sadd.s32 $0x10, s15;
	(ifvalue) =	ssetifvalue $0x7FFFFFFF  }
0x14: {  	[tilespmem:s29], [sflag:$0x1] =	stream.indirect_vreg.gather [hbm4b:s2+s10], $0x1, v0, vm0, $0x4038;
	[tilespmem:$0x7D00] =	vst v63  }
0x15: {  	_ =	swait.ge [sflag:s4], $0x1F40  }
0x16: {  	s30 =	sshrl.u32 s13, $0x3;
	[sflag:s4] =	ssyncset.done $0x0  }
0x17: {  	s31 =	sand.u32 $0x7, s13;
	s15 =	sadd.s32 s8, s30;
	[sflag:s4] =	ssyncadd.s32 $0xFFFFE0C0  }
0x18: {  	[hbm4b:s15+s31] =	stream.linear.scatter [tilespmem:s14], [sflag:$0x3], $0x1F40, $0x38;
	[tilespmem:$0x7D00] =	vst v63  }
.LBB2_5:
0x19: {  	s15 =	sadd.s32 $0x3E800, s11  }
0x1a: {  	p1 =	sgt.s32 s15, $0x4E1FF  }
0x1b: {  	s15 =	smov.u32 @p1 s5;
	p1 =	sne.s32 s12, s9  }
.Ltmp1:
0x1c: {  	p0 =	slt.u32 s12, $0x2;
	(pc) =	sbr.rel @!p1 .LBB2_6-.Ltmp1, $4  }
0x1d: {  	s14 =	simm.s32 @!p0 $0x3  }
0x1e: {  	_ =	swait.ge @!p0 [sflag:s14], $0x1F40  }
0x1f: {  	s16 =	sadd.s32 $0x1, s12;
	s13 =	smov.u32 s11;
	[sflag:s14] =	ssyncset.done @!p0 $0x0  }
0x20: {  	s12 =	smov.u32 s16;
	s11 =	smov.u32 s15;
	[sflag:s14] =	ssyncadd.s32 @!p0 $0xFFFFE0C0  }
.LBB2_1:
0x21: {  	p0 =	sge.u32 s12, s7  }
0x22: {  	s14 =	sxor.u32 @!p0 $0x1, s12  }
0x23: {  	s14 =	smul.u32 @!p0 $0x7D00, s14  }
0x24: {  	s31 =	sadd.s32 $0xFFFFFFFF, s12;
	s15 =	sshrl.u32 @!p0 s11, $0x3  }
0x25: {  	s16 =	sand.u32 @!p0 $0x7, s11;
	s15 =	sadd.s32 @!p0 s3, s15;
	s14 =	sshra.s32 @!p0 s14, $0x2  }
0x26: {  	[tilespmem:s14], [sflag:$0x2] =	stream.linear.gather @!p0 [hbm4b:s15+s16], $0x1F40, $0x38;
	[tilespmem:$0x7D00] =	vst v63  }
0x27: {  	p0 =	sge.u32 s31, s7  }
.Ltmp2:
0x28: {  	_ = 	snop;
	(pc) =	sbr.rel @p0 .LBB2_5-.Ltmp2, $1  }
0x29: {  	_ =	sdelay $0x3  }
0x2a: {  	s14 =	sand.u32 $0x1, s12  }
0x2b: {  	_ =	swait.ge [sflag:s6], $0x1F40;
	p0 =	seq.s32 s14, $0x1;
	s14 =	simm.s32 $0x1F40  }
0x2c: {  	[sflag:s6] =	ssyncset.done $0x0;
	s14 =	simm.s32 @!p0 $0x0  }
0x2d: {  	[sflag:s6] =	ssyncadd.s32 $0xFFFFE0C0;
	(ifvalue) =	ssetifvalue $0x7FFFFFFF;
	v0 =	vld.msk [tilespmem:s14+$0x0 ss:$0x1], $0xffff;
	_ =	sdelay $0x4  }
0x2e: {  	s15 =	sadd.s32 $0x10, s14;
	vm1 =	vgt.s32 v0, $0x0  }
0x2f: {  	v2 =	vld.msk [tilespmem:s15+$0x0 ss:$0x1], $0xffff;
	v1 =	vnsel vm1, $0x0, v0  }
0x30: {  	v1 =	vmin.u32 v1, $0x4E1FF;
	_ =	sdelay $0x2  }
0x31: {  	s17 =	simm.s32 $0x20;
	s14 =	sadd.s32 $0x3E80, s14;
	s16 =	sadd.s32 $0x10, s15  }
0x32: {  	s15 =	sadd.s32 $0x10, s14;
	s18 =	smov.u32 s14;
	v0 =	vld.msk [tilespmem:s16+$0x0 ss:$0x1], $0xffff;
	vm1 =	vgt.s32 v2, $0x0;
	(ifvalue) =	ssetifvalue $0x7FFFFFFF  }
.LBB2_3:
0x33: {  	[tilespmem:s18], [sflag:$0x1] =	stream.indirect_vreg.gather [hbm4b:s2+s10], $0x1, v1, vm0, $0x4038;
	[tilespmem:$0x7D00] =	vst v63  }
0x34: {  	s17 =	sadd.s32 $0x10, s17  }
0x35: {  	v2 =	vnsel vm1, $0x0, v2;
	p0 =	slt.u32 s17, $0x1F30  }
.Ltmp3:
0x36: {  	s18 =	smov.u32 s15;
	v1 =	vmin.u32 v2, $0x4E1FF;
	(pc) =	sbr.rel @p0 .LBB2_3-.Ltmp3, $3  }
0x37: {  	_ =	sdelay $0x1  }
0x38: {  	s16 =	sadd.s32 $0x10, s16  }
0x39: {  	vm1 =	vgt.s32 v0, $0x0;
	s15 =	sadd.s32 $0x10, s15;
	v2 =	vmov v0;
	(ifvalue) =	ssetifvalue $0x7FFFFFFF;
	v0 =	vld.msk [tilespmem:s16+$0x0 ss:$0x1], $0xffff  }
.Ltmp4:
0x3a: {  	_ = 	snop;
	(pc) =	sbr.rel .LBB2_4-.Ltmp4, $1  }
0x3b: {  	_ =	sdelay $0x3  }
.LBB2_6:
0x3c: {  	_ =	sfence.sel $0x180000  }
0x3d: {  	s2 =	simm.s32 $0x2;
	[bflag:$0x0] =	sbarrier.arrive $0xFFFF  }
0x3e: {  	s30 =	simm.s32 $0x3;
	[sflag:s2] =	ssyncpa.u1 $0x1  }
0x3f: {  	s31 =	simm.s32 $0x1;
	[sflag:s30] =	ssyncpa.u1 $0x1  }
0x40: {  	[sflag:s31] =	ssyncpa.u1 $0x1  }
0x41: {  	p0 =	sne.s32 s1, $0x0;
	_ =	strace $0x9000004A  }
0x42: {  	s0 =	sadd.s32 @!p0 $0x100000, s0;
	[bflag:$0x2] =	sbarrier.arrive $0xFFFF  }
0x43: {  	[sflag:s0] =	ssyncadd.tile.s32 @!p0 $0x1;
	_ =	shalt  }
.Lfunc_end2:
_tile_overlayer_lowered:
.L_overlay_start_2:
0x44: {  	(tag) =	ssettag $0x2  }
0x45: {  	s0 =	rddreg [dreg:$0x0];
	s2 =	stileid.u32  }
0x46: {  	s1 =	rddreg [dreg:$0x1];
	p0 =	sne.s32 s2, $0x0  }
0x47: {  	s3 =	rddreg [dreg:$0x2];
	[bflag:$0x3] =	sbarrier.arrive $0xFFFF;
	s2 =	simm.s32 @!p0 $0x1C01  }
0x48: {  	[timem:s3], [sflag:s2] =	dma.local @!p0 [hbm:s0], s1  }
0x49: {  	s0 =	simm.s32 @!p0 $0x1  }
0x4a: {  	_ =	swait.ge @!p0 [sflag:s0], s1  }
0x4b: {  	s1 =	ssub.s32 @!p0 $0x0, s1;
	[sflag:s0] =	ssyncset.done @!p0 $0x0  }
0x4c: {  	[sflag:s0] =	ssyncadd.s32 @!p0 s1  }
0x4d: {  	[bflag:$0x3] =	sbarrier.arrive $0xFFFF  }
0x4e: {  	_ =	shalt  }

// kernel: gather_offload_async_start.3
scs
__scs_entry_jumppad:
0x0: {  	(pc) =	sbr.rel $0x88, $3  }
0x1: {  	(tag) =	ssettag $0x0;
	lr =	simm.s32 $0x1  }
0x2: {  	[smem:$0x3F93] =	sst lr;
	_ =	strace $0xD0000000  }
0x3: {  	_ = 	snop  }
0x4: {  	_ = 	snop  }
0x5: {  	_ = 	snop  }
0x6: {  	_ = 	snop  }
0x7: {  	_ = 	snop  }
__scs_overlays_trampoline_lowered:
0x8: {  	[smem:$0x3FA2] =	sst s0  }
0x9: {  	[smem:$0x3FA3] =	sst s1  }
0xa: {  	[smem:$0x3FA4] =	sst s2  }
0xb: {  	[smem:$0x3FA5] =	sst s3  }
0xc: {  	[smem:$0x3FA6] =	sst s4  }
0xd: {  	[smem:$0x3FA7] =	sst s5  }
0xe: {  	[smem:$0x3FA8] =	sst s6  }
0xf: {  	[smem:$0x3FA9] =	sst s7  }
0x10: {  	[smem:$0x3FAA] =	sst s8  }
0x11: {  	[smem:$0x3FAB] =	sst s9;
	s0 =	simm.s32 @!p0 $0x0  }
0x12: {  	s1 =	sld [smem:$0x3F91];
	s0 =	simm.s32 @p0 $0x1  }
0x13: {  	[smem:$0x3FAC] =	sst s0;
	s0 =	simm.s32 @!p1 $0x0  }
0x14: {  	s2 =	sld [smem:$0x3F90];
	s0 =	simm.s32 @p1 $0x1  }
0x15: {  	[smem:$0x3FAD] =	sst s0;
	s0 =	simm.s32 @!p2 $0x0  }
0x16: {  	s3 =	sld [smem:$0x3FDB];
	s0 =	simm.s32 @p2 $0x1  }
0x17: {  	s4 =	simm.s32 $0x1BF5;
	[smem:$0x3FAF] =	sst s0  }
0x18: {  	s0 =	sld [smem:$0x3F92];
	_ =	swait.ge [sflag:s4], $0x0  }
0x19: {  	s7 =	sld [smem:$0x3F93]  }
0x1a: {  	s8 =	sadd.s32 $0xFFFFE003, lr  }
0x1b: {  	s9 =	sadd.s32 $0xFFFFFEF7, lr;
	s5 =	simm.s32 $0xFFFFFFFF;
	p2 =	slt.u32 s8, $0xFFFFF086  }
0x1c: {  	p1 =	slt.u32 s9, $0xF7A;
	s5 =	simm.s32 @!p2 $0x0  }
0x1d: {  	s5 =	simm.s32 @p1 $0x1;
	p0 =	seq.s32 s7, s2  }
0x1e: {  	s7 =	smul.u32 @!p0 $0xF7A, s2;
	p2 =	seq.s32 @!p0 s5, $0x0  }
0x1f: {  	s9 =	smul.u32 $0xF7A, s1;
	s8 =	simm.s32 @!p0 $0x1BF5;
	p2 =	por !p2, p0  }
0x20: {  	[sflag:s8] =	ssyncset.s32 @!p0 $0xFFFFF086;
	s6 =	sadd.s32 @!p0 s3, s7;
	s7 =	simm.s32 @!p0 $0x108  }
0x21: {  	s3 =	sadd.s32 s3, s9;
	s6 =	sadd.s32 @!p0 $0x88, s6;
	s7 =	simm.s32 @p2 $0x1082  }
0x22: {  	[simem:s7], [sflag:s8] =	dma.local @!p0 [hbm:s6], $0xF7A  }
0x23: {  	s9 =	sor.u32 $0xD0000000, s2;
	s6 =	simm.s32 $0x108;
	_ =	swait.ge @!p0 [sflag:s8], $0x0  }
0x24: {  	s3 =	sadd.s32 $0x88, s3;
	s6 =	simm.s32 @!p1 $0x1082;
	[sflag:s4] =	ssyncset.s32 $0xFFFFF086  }
0x25: {  	[simem:s6], [sflag:s4] =	dma.local [hbm:s3], $0xF7A  }
0x26: {  	[smem:$0x3F93] =	sst s1;
	(tag) =	ssettag s2;
	_ =	strace s9  }
0x27: {  	s1 =	sld [smem:$0x3FA3]  }
0x28: {  	s2 =	sld [smem:$0x3FA4]  }
0x29: {  	s4 =	sld [smem:$0x3FA6]  }
0x2a: {  	p0 =	seq.s32 s5, $0x0;
	s5 =	sld [smem:$0x3FA7]  }
0x2b: {  	s6 =	sld [smem:$0x3FA8]  }
0x2c: {  	s7 =	sld [smem:$0x3FA9]  }
0x2d: {  	s3 =	simm.s32 $0x108;
	s8 =	sld [smem:$0x3FAA]  }
0x2e: {  	s3 =	simm.s32 @!p0 $0x1082;
	s9 =	sld [smem:$0x3FAB]  }
0x2f: {  	lr =	sadd.s32 s0, s3;
	s0 =	sld [smem:$0x3FA2]  }
0x30: {  	s3 =	sld [smem:$0x3FA5]  }
0x31: {  	[smem:$0x3FAE] =	sst s10  }
0x32: {  	s10 =	sld [smem:$0x3FAC];
	_ =	sdelay $0x3  }
0x33: {  	p0 =	seq.s32 s10, $0x1;
	s10 =	sld [smem:$0x3FAE];
	_ =	sdelay $0x3  }
0x34: {  	[smem:$0x3FAE] =	sst s10  }
0x35: {  	s10 =	sld [smem:$0x3FAD];
	_ =	sdelay $0x3  }
0x36: {  	p1 =	seq.s32 s10, $0x1;
	s10 =	sld [smem:$0x3FAE];
	_ =	sdelay $0x3  }
0x37: {  	[smem:$0x3FAE] =	sst s10  }
0x38: {  	s10 =	sld [smem:$0x3FAF]  }
0x39: {  	_ = 	snop;
	(pc) =	sbr.ind lr, $3  }
0x3a: {  	_ = 	snop  }
0x3b: {  	_ = 	snop  }
0x3c: {  	p2 =	seq.s32 s10, $0x1;
	s10 =	sld [smem:$0x3FAE]  }
0x3d: {  	_ =	shalt  }
0x3e: {  	_ =	shalt  }
0x3f: {  	_ =	shalt  }
0x40: {  	_ =	shalt  }
0x41: {  	_ =	shalt  }
0x42: {  	_ =	shalt  }
0x43: {  	_ =	shalt  }
0x44: {  	_ =	shalt  }
0x45: {  	_ =	shalt  }
0x46: {  	_ =	shalt  }
0x47: {  	_ =	shalt  }
0x48: {  	_ =	shalt  }
0x49: {  	_ =	shalt  }
0x4a: {  	_ =	shalt  }
0x4b: {  	_ =	shalt  }
0x4c: {  	_ =	shalt  }
0x4d: {  	_ =	shalt  }
0x4e: {  	_ =	shalt  }
0x4f: {  	_ =	shalt  }
0x50: {  	_ =	shalt  }
0x51: {  	_ =	shalt  }
0x52: {  	_ =	shalt  }
0x53: {  	_ =	shalt  }
0x54: {  	_ =	shalt  }
0x55: {  	_ =	shalt  }
0x56: {  	_ =	shalt  }
0x57: {  	_ =	shalt  }
0x58: {  	_ =	shalt  }
0x59: {  	_ =	shalt  }
0x5a: {  	_ =	shalt  }
0x5b: {  	_ =	shalt  }
0x5c: {  	_ =	shalt  }
0x5d: {  	_ =	shalt  }
0x5e: {  	_ =	shalt  }
0x5f: {  	_ =	shalt  }
0x60: {  	_ =	shalt  }
0x61: {  	_ =	shalt  }
0x62: {  	_ =	shalt  }
0x63: {  	_ =	shalt  }
0x64: {  	_ =	shalt  }
0x65: {  	_ =	shalt  }
0x66: {  	_ =	shalt  }
0x67: {  	_ =	shalt  }
0x68: {  	_ =	shalt  }
0x69: {  	_ =	shalt  }
0x6a: {  	_ =	shalt  }
0x6b: {  	_ =	shalt  }
0x6c: {  	_ =	shalt  }
0x6d: {  	_ =	shalt  }
0x6e: {  	_ =	shalt  }
0x6f: {  	_ =	shalt  }
0x70: {  	_ =	shalt  }
0x71: {  	_ =	shalt  }
0x72: {  	_ =	shalt  }
0x73: {  	_ =	shalt  }
0x74: {  	_ =	shalt  }
0x75: {  	_ =	shalt  }
0x76: {  	_ =	shalt  }
0x77: {  	_ =	shalt  }
0x78: {  	_ =	shalt  }
0x79: {  	_ =	shalt  }
0x7a: {  	_ =	shalt  }
0x7b: {  	_ =	shalt  }
0x7c: {  	_ =	shalt  }
0x7d: {  	_ =	shalt  }
0x7e: {  	_ =	shalt  }
0x7f: {  	_ =	shalt  }
0x80: {  	_ =	shalt  }
0x81: {  	_ =	shalt  }
0x82: {  	_ =	shalt  }
0x83: {  	_ =	shalt  }
0x84: {  	_ =	shalt  }
0x85: {  	_ =	shalt  }
0x86: {  	_ =	shalt  }
0x87: {  	_ =	shalt  }
.Lfunc_end0:
.L_simem_size_0:
called_computation.4_lowered:
.L_overlay_start_0:
0x88: {  	s2 =	sld [smem:$0x3FD9]  }
0x89: {  	s3 =	sld [smem:$0x3FFE];
	_ =	sdelay $0x1  }
0x8a: {  	s1 =	srdreg.scid  }
0x8b: {  	s0 =	sand.u32 $0x1, s1  }
0x8c: {  	s16 =	sshll.u32 s0, $0xA;
	s2 =	sadd.s32 s3, s2  }
0x8d: {  	s2 =	sadd.s32 s2, s16  }
0x8e: {  	[smem:$0x3FBA] =	sst s2  }
0x8f: {  	_ = 	snop  }
0x90: {  	(tm) =	ssettm $0x1  }
0x91: {  	s17 =	sld [smem:$0x3FFB];
	_ =	sdelay $0x3  }
0x92: {  	_ =	strace s17  }
0x93: {  	s2 =	sld [smem:$0x3FFC];
	_ =	sdelay $0x3  }
0x94: {  	_ =	strace s2  }
0x95: {  	s2 =	sld [smem:$0x3FFD];
	_ =	sdelay $0x3  }
0x96: {  	_ =	strace s2  }
0x97: {  	_ =	strace $0x8FFFFFFF  }
0x98: {  	s18 =	sld [smem:$0x3FDB];
	_ =	sdelay $0x1  }
0x99: {  	s19 =	simm.s32 $_scs_section_size  }
0x9a: {  	s4 =	simm.s32 $_size__tile_overlayer_lowered;
	s5 =	simm.s32 $_tile_overlayer_lowered  }
0x9b: {  	s22 =	simm.s32 $0x1BFF;
	s21 =	sshll.u32 s5, $0x1;
	s2 =	sadd.s32 s19, s18  }
0x9c: {  	s6 =	simm.s32 $0x0;
	s20 =	sshll.u32 s4, $0x1;
	s4 =	sadd.s32 s21, s2  }
0x9d: {  	[timem:s6], [sflag:s22] =	dma.local [hbm:s4], s20  }
0x9e: {  	_ =	swait.ge [sflag:s22], s20  }
0x9f: {  	s3 =	ssub.s32 $0x0, s20;
	[sflag:s22] =	ssyncset.done $0x0  }
0xa0: {  	[sflag:s22] =	ssyncadd.s32 s3;
	_ =	sdelay $0x1  }
0xa1: {  	s23 =	simm.s32 $0x1B8B  }
0xa2: {  	_ =	swait.ge [sflag:s23], $0x1  }
0xa3: {  	[sflag:s23] =	ssyncset.done $0x0  }
0xa4: {  	s25 =	simm.s32 $0x1B8E;
	s24 =	sld [smem:$0x3FFE];
	[sflag:s23] =	ssyncadd.s32 $0xFFFFFFFF  }
0xa5: {  	s26 =	simm.s32 $execute0_lowered;
	[smem:$0x3FD2] =	sst s25  }
0xa6: {  	s4 =	sshll.u32 s26, $0x1;
	_ =	strace $0x80000046;
	[dreg:$0x1] =	wrdreg $0xFFFFFFFF  }
0xa7: {  	s28 =	simm.s32 $_size_execute0_lowered;
	s2 =	sadd.s32 s2, s4;
	[dreg:$0x0] =	wrdreg $0x0  }
0xa8: {  	s4 =	sshll.u32 s28, $0x1;
	[dreg:$0x2] =	wrdreg s2  }
0xa9: {  	[dreg:$0x3] =	wrdreg s4  }
0xaa: {  	[dreg:$0x4] =	wrdreg $0xC0  }
0xab: {  	_ =	task [dreg:s6], $0x5FFFF  }
0xac: {  	[dreg:$0x1] =	wrdreg $0xFFFFFFFF  }
0xad: {  	[dreg:$0x0] =	wrdreg $0x60  }
0xae: {  	[dreg:$0x2] =	wrdreg s24  }
0xaf: {  	[dreg:$0x3] =	wrdreg $0x9  }
0xb0: {  	_ =	task.clear_ibuf [dreg:s6], $0x4FFFF;
	_ =	strace $0x90000046  }
0xb1: {  	s29 =	simm.s32 $0x9;
	_ =	strace $0x80000048  }
0xb2: {  	_ =	swait.ge [sflag:s29], $0x1  }
0xb3: {  	[sflag:s29] =	ssyncadd.s32 $0xFFFFFFFF  }
0xb4: {  	_ =	strace $0x90000048  }
0xb5: {  	_ =	sfence  }
0xb6: {  	s30 =	sld [smem:$0x0];
	_ =	sdelay $0x2  }
0xb7: {  	s31 =	sshll.u32 s1, $0xD;
	s1 =	sshrl.u32 s1, $0x2  }
0xb8: {  	s3 =	sand.u32 $0x4000, s31;
	s1 =	sadd.s32 s1, s30  }
0xb9: {  	s0 =	sor.u32 s3, s0;
	s1 =	sshll.u32 s1, $0x11  }
0xba: {  	s0 =	sor.u32 s1, s0  }
0xbb: {  	s0 =	sadd.s32 $0x8F2B, s0  }
0xbc: {  	[sflag:s0] =	ssyncadd.remote.s32 $0x1  }
0xbd: {  	_ =	sfence.sel $0xFFFF  }
0xbe: {  	[dreg:$0x0] =	wrdreg $0xFFFFFFFF;
	(pc) =	sbr.abs _section_cstart, $3  }
0xbf: {  	[dreg:$0x1] =	wrdreg $0xFFFFFFFF  }
0xc0: {  	_ =	task.clear_ibuf [dreg:s6], $0x2FFFF;
	_ =	strace $0x9FFFFFFF  }
0xc1: {  	(tm) =	ssettm $0x7FFFFFFF  }
tec
execute0_lowered:
.L_overlay_start_1:
0x0: {  	(tag) =	ssettag $0x1  }
0x1: {  	s8 =	rddreg [dreg:$0x0]  }
0x2: {  	s0 =	rddreg [dreg:$0x1];
	_ =	strace $0x80000047;
	s1 =	stileid.u32  }
0x3: {  	s3 =	srdreg.scid;
	s4 =	simm.s32 $0x1;
	s7 =	simm.s32 $0x1  }
0x4: {  	s9 =	simm.s32 $0x1;
	s10 =	simm.s32 $0x3;
	s13 =	simm.s32 $0x0  }
0x5: {  	s12 =	simm.s32 $0x0;
	s5 =	sand.u32 $0x1, s3;
	s6 =	sshll.u32 s1, $0x1  }
0x6: {  	s2 =	sadd.s32 $0x16A00, s8;
	s3 =	sadd.s32 $0x20800, s8;
	s5 =	sor.u32 s6, s5  }
.Ltmp0:
0x7: {  	[sflag:s4] =	ssyncpa.u1 $0x0;
	p0 =	slt.u32 s5, $0x9;
	(pc) =	sbr.rel .LBB2_1-.Ltmp0, $4  }
0x8: {  	s6 =	simm.s32 $0x2;
	s7 =	simm.s32 @!p0 $0x0;
	p0 =	sne.s32 s5, $0x8  }
0x9: {  	[sflag:s6] =	ssyncpa.u1 $0x0;
	s5 =	smul.u32 $0x1F40, s5;
	s9 =	simm.s32 @!p0 $0x0  }
0xa: {  	s8 =	sadd.s32 $0x2A600, s8;
	[sflag:s10] =	ssyncpa.u1 $0x0;
	s7 =	sadd.s32 s9, s7  }
0xb: {  	vm0 =	vmmov $0xffff;
	s10 =	simm.s32 $0x0;
	s11 =	smov.u32 s5;
	s9 =	sadd.s32 $0x1, s7  }
.LBB2_4:
0xc: {  	v2 =	vnsel vm1, $0x0, v2  }
0xd: {  	vm1 =	vgt.s32 v0, $0x0;
	v2 =	vmin.u32 v2, $0x4E1FF  }
0xe: {  	v0 =	vnsel vm1, $0x0, v0  }
0xf: {  	v0 =	vmin.u32 v0, $0x4E1FF  }
0x10: {  	[tilespmem:s18], [sflag:$0x1] =	stream.indirect_vreg.gather [hbm4b:s2+s10], $0x1, v1, vm0, $0x4038;
	[tilespmem:$0x7D00] =	vst v63  }
0x11: {  	(ifvalue) =	ssetifvalue $0x7FFFFFFF  }
0x12: {  	[tilespmem:s15], [sflag:$0x1] =	stream.indirect_vreg.gather [hbm4b:s2+s10], $0x1, v2, vm0, $0x4038;
	[tilespmem:$0x7D00] =	vst v63  }
0x13: {  	s29 =	sadd.s32 $0x10, s15;
	(ifvalue) =	ssetifvalue $0x7FFFFFFF  }
0x14: {  	[tilespmem:s29], [sflag:$0x1] =	stream.indirect_vreg.gather [hbm4b:s2+s10], $0x1, v0, vm0, $0x4038;
	[tilespmem:$0x7D00] =	vst v63  }
0x15: {  	_ =	swait.ge [sflag:s4], $0x1F40  }
0x16: {  	s30 =	sshrl.u32 s13, $0x3;
	[sflag:s4] =	ssyncset.done $0x0  }
0x17: {  	s31 =	sand.u32 $0x7, s13;
	s15 =	sadd.s32 s8, s30;
	[sflag:s4] =	ssyncadd.s32 $0xFFFFE0C0  }
0x18: {  	[hbm4b:s15+s31] =	stream.linear.scatter [tilespmem:s14], [sflag:$0x3], $0x1F40, $0x38;
	[tilespmem:$0x7D00] =	vst v63  }
.LBB2_5:
0x19: {  	s15 =	sadd.s32 $0x3E800, s11  }
0x1a: {  	p1 =	sgt.s32 s15, $0x4E1FF  }
0x1b: {  	s15 =	smov.u32 @p1 s5;
	p1 =	sne.s32 s12, s9  }
.Ltmp1:
0x1c: {  	p0 =	slt.u32 s12, $0x2;
	(pc) =	sbr.rel @!p1 .LBB2_6-.Ltmp1, $4  }
0x1d: {  	s14 =	simm.s32 @!p0 $0x3  }
0x1e: {  	_ =	swait.ge @!p0 [sflag:s14], $0x1F40  }
0x1f: {  	s16 =	sadd.s32 $0x1, s12;
	s13 =	smov.u32 s11;
	[sflag:s14] =	ssyncset.done @!p0 $0x0  }
0x20: {  	s12 =	smov.u32 s16;
	s11 =	smov.u32 s15;
	[sflag:s14] =	ssyncadd.s32 @!p0 $0xFFFFE0C0  }
.LBB2_1:
0x21: {  	p0 =	sge.u32 s12, s7  }
0x22: {  	s14 =	sxor.u32 @!p0 $0x1, s12  }
0x23: {  	s14 =	smul.u32 @!p0 $0x7D00, s14  }
0x24: {  	s31 =	sadd.s32 $0xFFFFFFFF, s12;
	s15 =	sshrl.u32 @!p0 s11, $0x3  }
0x25: {  	s16 =	sand.u32 @!p0 $0x7, s11;
	s15 =	sadd.s32 @!p0 s3, s15;
	s14 =	sshra.s32 @!p0 s14, $0x2  }
0x26: {  	[tilespmem:s14], [sflag:$0x2] =	stream.linear.gather @!p0 [hbm4b:s15+s16], $0x1F40, $0x38;
	[tilespmem:$0x7D00] =	vst v63  }
0x27: {  	p0 =	sge.u32 s31, s7  }
.Ltmp2:
0x28: {  	_ = 	snop;
	(pc) =	sbr.rel @p0 .LBB2_5-.Ltmp2, $1  }
0x29: {  	_ =	sdelay $0x3  }
0x2a: {  	s14 =	sand.u32 $0x1, s12  }
0x2b: {  	_ =	swait.ge [sflag:s6], $0x1F40;
	p0 =	seq.s32 s14, $0x1;
	s14 =	simm.s32 $0x1F40  }
0x2c: {  	[sflag:s6] =	ssyncset.done $0x0;
	s14 =	simm.s32 @!p0 $0x0  }
0x2d: {  	[sflag:s6] =	ssyncadd.s32 $0xFFFFE0C0;
	(ifvalue) =	ssetifvalue $0x7FFFFFFF;
	v0 =	vld.msk [tilespmem:s14+$0x0 ss:$0x1], $0xffff;
	_ =	sdelay $0x4  }
0x2e: {  	s15 =	sadd.s32 $0x10, s14;
	vm1 =	vgt.s32 v0, $0x0  }
0x2f: {  	v2 =	vld.msk [tilespmem:s15+$0x0 ss:$0x1], $0xffff;
	v1 =	vnsel vm1, $0x0, v0  }
0x30: {  	v1 =	vmin.u32 v1, $0x4E1FF;
	_ =	sdelay $0x2  }
0x31: {  	s17 =	simm.s32 $0x20;
	s14 =	sadd.s32 $0x3E80, s14;
	s16 =	sadd.s32 $0x10, s15  }
0x32: {  	s15 =	sadd.s32 $0x10, s14;
	s18 =	smov.u32 s14;
	v0 =	vld.msk [tilespmem:s16+$0x0 ss:$0x1], $0xffff;
	vm1 =	vgt.s32 v2, $0x0;
	(ifvalue) =	ssetifvalue $0x7FFFFFFF  }
.LBB2_3:
0x33: {  	[tilespmem:s18], [sflag:$0x1] =	stream.indirect_vreg.gather [hbm4b:s2+s10], $0x1, v1, vm0, $0x4038;
	[tilespmem:$0x7D00] =	vst v63  }
0x34: {  	s17 =	sadd.s32 $0x10, s17  }
0x35: {  	v2 =	vnsel vm1, $0x0, v2;
	p0 =	slt.u32 s17, $0x1F30  }
.Ltmp3:
0x36: {  	s18 =	smov.u32 s15;
	v1 =	vmin.u32 v2, $0x4E1FF;
	(pc) =	sbr.rel @p0 .LBB2_3-.Ltmp3, $3  }
0x37: {  	_ =	sdelay $0x1  }
0x38: {  	s16 =	sadd.s32 $0x10, s16  }
0x39: {  	vm1 =	vgt.s32 v0, $0x0;
	s15 =	sadd.s32 $0x10, s15;
	v2 =	vmov v0;
	(ifvalue) =	ssetifvalue $0x7FFFFFFF;
	v0 =	vld.msk [tilespmem:s16+$0x0 ss:$0x1], $0xffff  }
.Ltmp4:
0x3a: {  	_ = 	snop;
	(pc) =	sbr.rel .LBB2_4-.Ltmp4, $1  }
0x3b: {  	_ =	sdelay $0x3  }
.LBB2_6:
0x3c: {  	_ =	sfence.sel $0x180000  }
0x3d: {  	s2 =	simm.s32 $0x2;
	[bflag:$0x0] =	sbarrier.arrive $0xFFFF  }
0x3e: {  	s30 =	simm.s32 $0x3;
	[sflag:s2] =	ssyncpa.u1 $0x1  }
0x3f: {  	s31 =	simm.s32 $0x1;
	[sflag:s30] =	ssyncpa.u1 $0x1  }
0x40: {  	[sflag:s31] =	ssyncpa.u1 $0x1  }
0x41: {  	p0 =	sne.s32 s1, $0x0;
	_ =	strace $0x90000047  }
0x42: {  	s0 =	sadd.s32 @!p0 $0x100000, s0;
	[bflag:$0x2] =	sbarrier.arrive $0xFFFF  }
0x43: {  	[sflag:s0] =	ssyncadd.tile.s32 @!p0 $0x1;
	_ =	shalt  }
.Lfunc_end2:
_tile_overlayer_lowered:
.L_overlay_start_2:
0x44: {  	(tag) =	ssettag $0x2  }
0x45: {  	s0 =	rddreg [dreg:$0x0];
	s2 =	stileid.u32  }
0x46: {  	s1 =	rddreg [dreg:$0x1];
	p0 =	sne.s32 s2, $0x0  }
0x47: {  	s3 =	rddreg [dreg:$0x2];
	[bflag:$0x3] =	sbarrier.arrive $0xFFFF;
	s2 =	simm.s32 @!p0 $0x1C01  }
0x48: {  	[timem:s3], [sflag:s2] =	dma.local @!p0 [hbm:s0], s1  }
0x49: {  	s0 =	simm.s32 @!p0 $0x1  }
0x4a: {  	_ =	swait.ge @!p0 [sflag:s0], s1  }
0x4b: {  	s1 =	ssub.s32 @!p0 $0x0, s1;
	[sflag:s0] =	ssyncset.done @!p0 $0x0  }
0x4c: {  	[sflag:s0] =	ssyncadd.s32 @!p0 s1  }
0x4d: {  	[bflag:$0x3] =	sbarrier.arrive $0xFFFF  }
0x4e: {  	_ =	shalt  }

// kernel: gather_offload_async_start.4
scs
__scs_entry_jumppad:
0x0: {  	(pc) =	sbr.rel $0x88, $3  }
0x1: {  	(tag) =	ssettag $0x0;
	lr =	simm.s32 $0x1  }
0x2: {  	[smem:$0x3F93] =	sst lr;
	_ =	strace $0xD0000000  }
0x3: {  	_ = 	snop  }
0x4: {  	_ = 	snop  }
0x5: {  	_ = 	snop  }
0x6: {  	_ = 	snop  }
0x7: {  	_ = 	snop  }
__scs_overlays_trampoline_lowered:
0x8: {  	[smem:$0x3FA2] =	sst s0  }
0x9: {  	[smem:$0x3FA3] =	sst s1  }
0xa: {  	[smem:$0x3FA4] =	sst s2  }
0xb: {  	[smem:$0x3FA5] =	sst s3  }
0xc: {  	[smem:$0x3FA6] =	sst s4  }
0xd: {  	[smem:$0x3FA7] =	sst s5  }
0xe: {  	[smem:$0x3FA8] =	sst s6  }
0xf: {  	[smem:$0x3FA9] =	sst s7  }
0x10: {  	[smem:$0x3FAA] =	sst s8  }
0x11: {  	[smem:$0x3FAB] =	sst s9;
	s0 =	simm.s32 @!p0 $0x0  }
0x12: {  	s1 =	sld [smem:$0x3F91];
	s0 =	simm.s32 @p0 $0x1  }
0x13: {  	[smem:$0x3FAC] =	sst s0;
	s0 =	simm.s32 @!p1 $0x0  }
0x14: {  	s2 =	sld [smem:$0x3F90];
	s0 =	simm.s32 @p1 $0x1  }
0x15: {  	[smem:$0x3FAD] =	sst s0;
	s0 =	simm.s32 @!p2 $0x0  }
0x16: {  	s3 =	sld [smem:$0x3FDB];
	s0 =	simm.s32 @p2 $0x1  }
0x17: {  	s4 =	simm.s32 $0x1BF5;
	[smem:$0x3FAF] =	sst s0  }
0x18: {  	s0 =	sld [smem:$0x3F92];
	_ =	swait.ge [sflag:s4], $0x0  }
0x19: {  	s7 =	sld [smem:$0x3F93]  }
0x1a: {  	s8 =	sadd.s32 $0xFFFFE003, lr  }
0x1b: {  	s9 =	sadd.s32 $0xFFFFFEF7, lr;
	s5 =	simm.s32 $0xFFFFFFFF;
	p2 =	slt.u32 s8, $0xFFFFF086  }
0x1c: {  	p1 =	slt.u32 s9, $0xF7A;
	s5 =	simm.s32 @!p2 $0x0  }
0x1d: {  	s5 =	simm.s32 @p1 $0x1;
	p0 =	seq.s32 s7, s2  }
0x1e: {  	s7 =	smul.u32 @!p0 $0xF7A, s2;
	p2 =	seq.s32 @!p0 s5, $0x0  }
0x1f: {  	s9 =	smul.u32 $0xF7A, s1;
	s8 =	simm.s32 @!p0 $0x1BF5;
	p2 =	por !p2, p0  }
0x20: {  	[sflag:s8] =	ssyncset.s32 @!p0 $0xFFFFF086;
	s6 =	sadd.s32 @!p0 s3, s7;
	s7 =	simm.s32 @!p0 $0x108  }
0x21: {  	s3 =	sadd.s32 s3, s9;
	s6 =	sadd.s32 @!p0 $0x88, s6;
	s7 =	simm.s32 @p2 $0x1082  }
0x22: {  	[simem:s7], [sflag:s8] =	dma.local @!p0 [hbm:s6], $0xF7A  }
0x23: {  	s9 =	sor.u32 $0xD0000000, s2;
	s6 =	simm.s32 $0x108;
	_ =	swait.ge @!p0 [sflag:s8], $0x0  }
0x24: {  	s3 =	sadd.s32 $0x88, s3;
	s6 =	simm.s32 @!p1 $0x1082;
	[sflag:s4] =	ssyncset.s32 $0xFFFFF086  }
0x25: {  	[simem:s6], [sflag:s4] =	dma.local [hbm:s3], $0xF7A  }
0x26: {  	[smem:$0x3F93] =	sst s1;
	(tag) =	ssettag s2;
	_ =	strace s9  }
0x27: {  	s1 =	sld [smem:$0x3FA3]  }
0x28: {  	s2 =	sld [smem:$0x3FA4]  }
0x29: {  	s4 =	sld [smem:$0x3FA6]  }
0x2a: {  	p0 =	seq.s32 s5, $0x0;
	s5 =	sld [smem:$0x3FA7]  }
0x2b: {  	s6 =	sld [smem:$0x3FA8]  }
0x2c: {  	s7 =	sld [smem:$0x3FA9]  }
0x2d: {  	s3 =	simm.s32 $0x108;
	s8 =	sld [smem:$0x3FAA]  }
0x2e: {  	s3 =	simm.s32 @!p0 $0x1082;
	s9 =	sld [smem:$0x3FAB]  }
0x2f: {  	lr =	sadd.s32 s0, s3;
	s0 =	sld [smem:$0x3FA2]  }
0x30: {  	s3 =	sld [smem:$0x3FA5]  }
0x31: {  	[smem:$0x3FAE] =	sst s10  }
0x32: {  	s10 =	sld [smem:$0x3FAC];
	_ =	sdelay $0x3  }
0x33: {  	p0 =	seq.s32 s10, $0x1;
	s10 =	sld [smem:$0x3FAE];
	_ =	sdelay $0x3  }
0x34: {  	[smem:$0x3FAE] =	sst s10  }
0x35: {  	s10 =	sld [smem:$0x3FAD];
	_ =	sdelay $0x3  }
0x36: {  	p1 =	seq.s32 s10, $0x1;
	s10 =	sld [smem:$0x3FAE];
	_ =	sdelay $0x3  }
0x37: {  	[smem:$0x3FAE] =	sst s10  }
0x38: {  	s10 =	sld [smem:$0x3FAF]  }
0x39: {  	_ = 	snop;
	(pc) =	sbr.ind lr, $3  }
0x3a: {  	_ = 	snop  }
0x3b: {  	_ = 	snop  }
0x3c: {  	p2 =	seq.s32 s10, $0x1;
	s10 =	sld [smem:$0x3FAE]  }
0x3d: {  	_ =	shalt  }
0x3e: {  	_ =	shalt  }
0x3f: {  	_ =	shalt  }
0x40: {  	_ =	shalt  }
0x41: {  	_ =	shalt  }
0x42: {  	_ =	shalt  }
0x43: {  	_ =	shalt  }
0x44: {  	_ =	shalt  }
0x45: {  	_ =	shalt  }
0x46: {  	_ =	shalt  }
0x47: {  	_ =	shalt  }
0x48: {  	_ =	shalt  }
0x49: {  	_ =	shalt  }
0x4a: {  	_ =	shalt  }
0x4b: {  	_ =	shalt  }
0x4c: {  	_ =	shalt  }
0x4d: {  	_ =	shalt  }
0x4e: {  	_ =	shalt  }
0x4f: {  	_ =	shalt  }
0x50: {  	_ =	shalt  }
0x51: {  	_ =	shalt  }
0x52: {  	_ =	shalt  }
0x53: {  	_ =	shalt  }
0x54: {  	_ =	shalt  }
0x55: {  	_ =	shalt  }
0x56: {  	_ =	shalt  }
0x57: {  	_ =	shalt  }
0x58: {  	_ =	shalt  }
0x59: {  	_ =	shalt  }
0x5a: {  	_ =	shalt  }
0x5b: {  	_ =	shalt  }
0x5c: {  	_ =	shalt  }
0x5d: {  	_ =	shalt  }
0x5e: {  	_ =	shalt  }
0x5f: {  	_ =	shalt  }
0x60: {  	_ =	shalt  }
0x61: {  	_ =	shalt  }
0x62: {  	_ =	shalt  }
0x63: {  	_ =	shalt  }
0x64: {  	_ =	shalt  }
0x65: {  	_ =	shalt  }
0x66: {  	_ =	shalt  }
0x67: {  	_ =	shalt  }
0x68: {  	_ =	shalt  }
0x69: {  	_ =	shalt  }
0x6a: {  	_ =	shalt  }
0x6b: {  	_ =	shalt  }
0x6c: {  	_ =	shalt  }
0x6d: {  	_ =	shalt  }
0x6e: {  	_ =	shalt  }
0x6f: {  	_ =	shalt  }
0x70: {  	_ =	shalt  }
0x71: {  	_ =	shalt  }
0x72: {  	_ =	shalt  }
0x73: {  	_ =	shalt  }
0x74: {  	_ =	shalt  }
0x75: {  	_ =	shalt  }
0x76: {  	_ =	shalt  }
0x77: {  	_ =	shalt  }
0x78: {  	_ =	shalt  }
0x79: {  	_ =	shalt  }
0x7a: {  	_ =	shalt  }
0x7b: {  	_ =	shalt  }
0x7c: {  	_ =	shalt  }
0x7d: {  	_ =	shalt  }
0x7e: {  	_ =	shalt  }
0x7f: {  	_ =	shalt  }
0x80: {  	_ =	shalt  }
0x81: {  	_ =	shalt  }
0x82: {  	_ =	shalt  }
0x83: {  	_ =	shalt  }
0x84: {  	_ =	shalt  }
0x85: {  	_ =	shalt  }
0x86: {  	_ =	shalt  }
0x87: {  	_ =	shalt  }
.Lfunc_end0:
.L_simem_size_0:
called_computation.5_lowered:
.L_overlay_start_0:
0x88: {  	s2 =	sld [smem:$0x3FD9]  }
0x89: {  	s3 =	sld [smem:$0x3FFE];
	_ =	sdelay $0x1  }
0x8a: {  	s1 =	srdreg.scid  }
0x8b: {  	s0 =	sand.u32 $0x1, s1  }
0x8c: {  	s17 =	sshll.u32 s0, $0xA;
	s2 =	sadd.s32 s3, s2  }
0x8d: {  	s2 =	sadd.s32 s2, s17  }
0x8e: {  	[smem:$0x3FBA] =	sst s2  }
0x8f: {  	_ = 	snop  }
0x90: {  	(tm) =	ssettm $0x1  }
0x91: {  	s18 =	sld [smem:$0x3FFB];
	_ =	sdelay $0x3  }
0x92: {  	_ =	strace s18  }
0x93: {  	s2 =	sld [smem:$0x3FFC];
	_ =	sdelay $0x3  }
0x94: {  	_ =	strace s2  }
0x95: {  	s2 =	sld [smem:$0x3FFD];
	_ =	sdelay $0x3  }
0x96: {  	_ =	strace s2  }
0x97: {  	_ =	strace $0x8FFFFFFF  }
0x98: {  	s19 =	sld [smem:$0x3FDB];
	_ =	sdelay $0x1  }
0x99: {  	s20 =	simm.s32 $_scs_section_size  }
0x9a: {  	s4 =	simm.s32 $_size__tile_overlayer_lowered;
	s5 =	simm.s32 $_tile_overlayer_lowered  }
0x9b: {  	s6 =	simm.s32 $0x1BFF;
	s21 =	sshll.u32 s5, $0x1;
	s3 =	sadd.s32 s20, s19  }
0x9c: {  	s22 =	simm.s32 $0x0;
	s4 =	sshll.u32 s4, $0x1;
	s5 =	sadd.s32 s21, s3  }
0x9d: {  	[timem:s22], [sflag:s6] =	dma.local [hbm:s5], s4  }
0x9e: {  	_ =	swait.ge [sflag:s6], s4  }
0x9f: {  	s4 =	ssub.s32 $0x0, s4;
	[sflag:s6] =	ssyncset.done $0x0  }
0xa0: {  	[sflag:s6] =	ssyncadd.s32 s4;
	_ =	sdelay $0x1  }
0xa1: {  	s23 =	simm.s32 $0x1B8B  }
0xa2: {  	_ =	swait.ge [sflag:s23], $0x1  }
0xa3: {  	[sflag:s23] =	ssyncset.done $0x0  }
0xa4: {  	[sflag:s23] =	ssyncadd.s32 $0xFFFFFFFF  }
0xa5: {  	s4 =	sld [smem:$0x0]  }
0xa6: {  	s5 =	sand.u32 $0xFFFFFFFE, s1  }
0xa7: {  	p0 =	sne.s32 s1, s5  }
0xa8: {  	s5 =	sshll.u32 @p0 s5, $0xE  }
0xa9: {  	s5 =	sadd.s32 @p0 $0x11B8D, s5;
	s6 =	sshll.u32 @p0 s4, $0x11  }
0xaa: {  	s5 =	sor.u32 @p0 s6, s5  }
0xab: {  	[sflag:s5] =	ssyncadd.remote.s32 @p0 $0x1;
	_ =	sdelay $0x1  }
0xac: {  	s5 =	simm.s32 @p0 $0x1B8D  }
0xad: {  	_ =	swait.eq @p0 [sflag:s5], $0x1  }
0xae: {  	[sflag:s5] =	ssyncadd.s32 @p0 $0xFFFFFFFF  }
0xaf: {  	s6 =	sshll.u32 @!p0 s1, $0xE  }
0xb0: {  	s6 =	sor.u32 @!p0 $0x4000, s6;
	s5 =	simm.s32 @!p0 $0x1B8D  }
0xb1: {  	s4 =	sshll.u32 @!p0 s4, $0x11;
	s6 =	sadd.s32 @!p0 $0x11B8D, s6;
	_ =	swait.eq @!p0 [sflag:s5], $0x1  }
0xb2: {  	s4 =	sor.u32 @!p0 s4, s6;
	[sflag:s5] =	ssyncadd.s32 @!p0 $0xFFFFFFFF  }
0xb3: {  	s25 =	simm.s32 $0x1B8E;
	s24 =	sld [smem:$0x3FFE];
	[sflag:s4] =	ssyncadd.remote.s32 @!p0 $0x1  }
0xb4: {  	s26 =	simm.s32 $execute0_lowered;
	[smem:$0x3FD2] =	sst s25  }
0xb5: {  	s5 =	sshll.u32 s26, $0x1;
	_ =	strace $0x80000058;
	[dreg:$0x1] =	wrdreg $0xFFFFFFFF  }
0xb6: {  	s28 =	simm.s32 $_size_execute0_lowered;
	s3 =	sadd.s32 s3, s5;
	[dreg:$0x0] =	wrdreg $0x0  }
0xb7: {  	s5 =	sshll.u32 s28, $0x1;
	[dreg:$0x2] =	wrdreg s3  }
0xb8: {  	[dreg:$0x3] =	wrdreg s5  }
0xb9: {  	[dreg:$0x4] =	wrdreg $0xC0  }
0xba: {  	_ =	task [dreg:s22], $0x5FFFF  }
0xbb: {  	[dreg:$0x1] =	wrdreg $0xFFFFFFFF  }
0xbc: {  	[dreg:$0x0] =	wrdreg $0x60  }
0xbd: {  	[dreg:$0x2] =	wrdreg s24  }
0xbe: {  	[dreg:$0x3] =	wrdreg $0xD  }
0xbf: {  	_ =	task.clear_ibuf [dreg:s22], $0x4FFFF;
	_ =	strace $0x90000058  }
0xc0: {  	s29 =	simm.s32 $0xD;
	_ =	strace $0x8000005A  }
0xc1: {  	_ =	swait.ge [sflag:s29], $0x1  }
0xc2: {  	[sflag:s29] =	ssyncadd.s32 $0xFFFFFFFF  }
0xc3: {  	_ =	strace $0x9000005A  }
0xc4: {  	_ =	sfence  }
0xc5: {  	s30 =	sld [smem:$0x0];
	_ =	sdelay $0x2  }
0xc6: {  	s31 =	sshll.u32 s1, $0xD;
	s1 =	sshrl.u32 s1, $0x2  }
0xc7: {  	s4 =	sand.u32 $0x4000, s31;
	s1 =	sadd.s32 s1, s30  }
0xc8: {  	s0 =	sor.u32 s4, s0;
	s1 =	sshll.u32 s1, $0x11  }
0xc9: {  	s0 =	sor.u32 s1, s0  }
0xca: {  	s0 =	sadd.s32 $0x8F2B, s0  }
0xcb: {  	[sflag:s0] =	ssyncadd.remote.s32 $0x1  }
0xcc: {  	_ =	sfence.sel $0xFFFF  }
0xcd: {  	[dreg:$0x0] =	wrdreg $0xFFFFFFFF;
	(pc) =	sbr.abs _section_cstart, $3  }
0xce: {  	[dreg:$0x1] =	wrdreg $0xFFFFFFFF  }
0xcf: {  	_ =	task.clear_ibuf [dreg:s22], $0x2FFFF;
	_ =	strace $0x9FFFFFFF  }
0xd0: {  	(tm) =	ssettm $0x7FFFFFFF  }
0xd1: {  	_ =	shalt  }
tec
execute0_lowered:
.L_overlay_start_1:
0x0: {  	(tag) =	ssettag $0x1  }
0x1: {  	s8 =	rddreg [dreg:$0x0]  }
0x2: {  	s0 =	rddreg [dreg:$0x1];
	_ =	strace $0x80000059;
	s1 =	stileid.u32  }
0x3: {  	s3 =	srdreg.scid;
	s4 =	simm.s32 $0x1;
	s7 =	simm.s32 $0x1  }
0x4: {  	s9 =	simm.s32 $0x1;
	s10 =	simm.s32 $0x3;
	s13 =	simm.s32 $0x0  }
0x5: {  	s12 =	simm.s32 $0x0;
	s5 =	sand.u32 $0x1, s3;
	s6 =	sshll.u32 s1, $0x1  }
0x6: {  	s2 =	sadd.s32 $0x52000, s8;
	s3 =	sadd.s32 $0x3E400, s8;
	s5 =	sor.u32 s6, s5  }
.Ltmp0:
0x7: {  	[sflag:s4] =	ssyncpa.u1 $0x0;
	p0 =	slt.u32 s5, $0x9;
	(pc) =	sbr.rel .LBB2_1-.Ltmp0, $4  }
0x8: {  	s6 =	simm.s32 $0x2;
	s7 =	simm.s32 @!p0 $0x0;
	p0 =	sne.s32 s5, $0x8  }
0x9: {  	[sflag:s6] =	ssyncpa.u1 $0x0;
	s5 =	smul.u32 $0x1F40, s5;
	s9 =	simm.s32 @!p0 $0x0  }
0xa: {  	s8 =	sadd.s32 $0x20800, s8;
	[sflag:s10] =	ssyncpa.u1 $0x0;
	s7 =	sadd.s32 s9, s7  }
0xb: {  	vm0 =	vmmov $0xffff;
	s10 =	simm.s32 $0x0;
	s11 =	smov.u32 s5;
	s9 =	sadd.s32 $0x1, s7  }
.LBB2_4:
0xc: {  	v2 =	vnsel vm1, $0x0, v2  }
0xd: {  	vm1 =	vgt.s32 v0, $0x0;
	v2 =	vmin.u32 v2, $0x4E1FF  }
0xe: {  	v0 =	vnsel vm1, $0x0, v0  }
0xf: {  	v0 =	vmin.u32 v0, $0x4E1FF  }
0x10: {  	[tilespmem:s18], [sflag:$0x1] =	stream.indirect_vreg.gather [hbm4b:s2+s10], $0x1, v1, vm0, $0x4038;
	[tilespmem:$0x7D00] =	vst v63  }
0x11: {  	(ifvalue) =	ssetifvalue $0x7FFFFFFF  }
0x12: {  	[tilespmem:s15], [sflag:$0x1] =	stream.indirect_vreg.gather [hbm4b:s2+s10], $0x1, v2, vm0, $0x4038;
	[tilespmem:$0x7D00] =	vst v63  }
0x13: {  	s29 =	sadd.s32 $0x10, s15;
	(ifvalue) =	ssetifvalue $0x7FFFFFFF  }
0x14: {  	[tilespmem:s29], [sflag:$0x1] =	stream.indirect_vreg.gather [hbm4b:s2+s10], $0x1, v0, vm0, $0x4038;
	[tilespmem:$0x7D00] =	vst v63  }
0x15: {  	_ =	swait.ge [sflag:s4], $0x1F40  }
0x16: {  	s30 =	sshrl.u32 s13, $0x3;
	[sflag:s4] =	ssyncset.done $0x0  }
0x17: {  	s31 =	sand.u32 $0x7, s13;
	s15 =	sadd.s32 s8, s30;
	[sflag:s4] =	ssyncadd.s32 $0xFFFFE0C0  }
0x18: {  	[hbm4b:s15+s31] =	stream.linear.scatter [tilespmem:s14], [sflag:$0x3], $0x1F40, $0x38;
	[tilespmem:$0x7D00] =	vst v63  }
.LBB2_5:
0x19: {  	s15 =	sadd.s32 $0x3E800, s11  }
0x1a: {  	p1 =	sgt.s32 s15, $0x4E1FF  }
0x1b: {  	s15 =	smov.u32 @p1 s5;
	p1 =	sne.s32 s12, s9  }
.Ltmp1:
0x1c: {  	p0 =	slt.u32 s12, $0x2;
	(pc) =	sbr.rel @!p1 .LBB2_6-.Ltmp1, $4  }
0x1d: {  	s14 =	simm.s32 @!p0 $0x3  }
0x1e: {  	_ =	swait.ge @!p0 [sflag:s14], $0x1F40  }
0x1f: {  	s16 =	sadd.s32 $0x1, s12;
	s13 =	smov.u32 s11;
	[sflag:s14] =	ssyncset.done @!p0 $0x0  }
0x20: {  	s12 =	smov.u32 s16;
	s11 =	smov.u32 s15;
	[sflag:s14] =	ssyncadd.s32 @!p0 $0xFFFFE0C0  }
.LBB2_1:
0x21: {  	p0 =	sge.u32 s12, s7  }
0x22: {  	s14 =	sxor.u32 @!p0 $0x1, s12  }
0x23: {  	s14 =	smul.u32 @!p0 $0x7D00, s14  }
0x24: {  	s31 =	sadd.s32 $0xFFFFFFFF, s12;
	s15 =	sshrl.u32 @!p0 s11, $0x3  }
0x25: {  	s16 =	sand.u32 @!p0 $0x7, s11;
	s15 =	sadd.s32 @!p0 s3, s15;
	s14 =	sshra.s32 @!p0 s14, $0x2  }
0x26: {  	[tilespmem:s14], [sflag:$0x2] =	stream.linear.gather @!p0 [hbm4b:s15+s16], $0x1F40, $0x38;
	[tilespmem:$0x7D00] =	vst v63  }
0x27: {  	p0 =	sge.u32 s31, s7  }
.Ltmp2:
0x28: {  	_ = 	snop;
	(pc) =	sbr.rel @p0 .LBB2_5-.Ltmp2, $1  }
0x29: {  	_ =	sdelay $0x3  }
0x2a: {  	s14 =	sand.u32 $0x1, s12  }
0x2b: {  	_ =	swait.ge [sflag:s6], $0x1F40;
	p0 =	seq.s32 s14, $0x1;
	s14 =	simm.s32 $0x1F40  }
0x2c: {  	[sflag:s6] =	ssyncset.done $0x0;
	s14 =	simm.s32 @!p0 $0x0  }
0x2d: {  	[sflag:s6] =	ssyncadd.s32 $0xFFFFE0C0;
	(ifvalue) =	ssetifvalue $0x7FFFFFFF;
	v0 =	vld.msk [tilespmem:s14+$0x0 ss:$0x1], $0xffff;
	_ =	sdelay $0x4  }
0x2e: {  	s15 =	sadd.s32 $0x10, s14;
	vm1 =	vgt.s32 v0, $0x0  }
0x2f: {  	v2 =	vld.msk [tilespmem:s15+$0x0 ss:$0x1], $0xffff;
	v1 =	vnsel vm1, $0x0, v0  }
0x30: {  	v1 =	vmin.u32 v1, $0x4E1FF;
	_ =	sdelay $0x2  }
0x31: {  	s17 =	simm.s32 $0x20;
	s14 =	sadd.s32 $0x3E80, s14;
	s16 =	sadd.s32 $0x10, s15  }
0x32: {  	s15 =	sadd.s32 $0x10, s14;
	s18 =	smov.u32 s14;
	v0 =	vld.msk [tilespmem:s16+$0x0 ss:$0x1], $0xffff;
	vm1 =	vgt.s32 v2, $0x0;
	(ifvalue) =	ssetifvalue $0x7FFFFFFF  }
.LBB2_3:
0x33: {  	[tilespmem:s18], [sflag:$0x1] =	stream.indirect_vreg.gather [hbm4b:s2+s10], $0x1, v1, vm0, $0x4038;
	[tilespmem:$0x7D00] =	vst v63  }
0x34: {  	s17 =	sadd.s32 $0x10, s17  }
0x35: {  	v2 =	vnsel vm1, $0x0, v2;
	p0 =	slt.u32 s17, $0x1F30  }
.Ltmp3:
0x36: {  	s18 =	smov.u32 s15;
	v1 =	vmin.u32 v2, $0x4E1FF;
	(pc) =	sbr.rel @p0 .LBB2_3-.Ltmp3, $3  }
0x37: {  	_ =	sdelay $0x1  }
0x38: {  	s16 =	sadd.s32 $0x10, s16  }
0x39: {  	vm1 =	vgt.s32 v0, $0x0;
	s15 =	sadd.s32 $0x10, s15;
	v2 =	vmov v0;
	(ifvalue) =	ssetifvalue $0x7FFFFFFF;
	v0 =	vld.msk [tilespmem:s16+$0x0 ss:$0x1], $0xffff  }
.Ltmp4:
0x3a: {  	_ = 	snop;
	(pc) =	sbr.rel .LBB2_4-.Ltmp4, $1  }
0x3b: {  	_ =	sdelay $0x3  }
.LBB2_6:
0x3c: {  	_ =	sfence.sel $0x180000  }
0x3d: {  	s2 =	simm.s32 $0x2;
	[bflag:$0x0] =	sbarrier.arrive $0xFFFF  }
0x3e: {  	s30 =	simm.s32 $0x3;
	[sflag:s2] =	ssyncpa.u1 $0x1  }
0x3f: {  	s31 =	simm.s32 $0x1;
	[sflag:s30] =	ssyncpa.u1 $0x1  }
0x40: {  	[sflag:s31] =	ssyncpa.u1 $0x1  }
0x41: {  	p0 =	sne.s32 s1, $0x0;
	_ =	strace $0x90000059  }
0x42: {  	s0 =	sadd.s32 @!p0 $0x100000, s0;
	[bflag:$0x2] =	sbarrier.arrive $0xFFFF  }
0x43: {  	[sflag:s0] =	ssyncadd.tile.s32 @!p0 $0x1;
	_ =	shalt  }
.Lfunc_end2:
_tile_overlayer_lowered:
.L_overlay_start_2:
0x44: {  	(tag) =	ssettag $0x2  }
0x45: {  	s0 =	rddreg [dreg:$0x0];
	s2 =	stileid.u32  }
0x46: {  	s1 =	rddreg [dreg:$0x1];
	p0 =	sne.s32 s2, $0x0  }
0x47: {  	s3 =	rddreg [dreg:$0x2];
	[bflag:$0x3] =	sbarrier.arrive $0xFFFF;
	s2 =	simm.s32 @!p0 $0x1C01  }
0x48: {  	[timem:s3], [sflag:s2] =	dma.local @!p0 [hbm:s0], s1  }
0x49: {  	s0 =	simm.s32 @!p0 $0x1  }
0x4a: {  	_ =	swait.ge @!p0 [sflag:s0], s1  }
0x4b: {  	s1 =	ssub.s32 @!p0 $0x0, s1;
	[sflag:s0] =	ssyncset.done @!p0 $0x0  }
0x4c: {  	[sflag:s0] =	ssyncadd.s32 @!p0 s1  }
0x4d: {  	[bflag:$0x3] =	sbarrier.arrive $0xFFFF  }
0x4e: {  	_ =	shalt  }

// kernel: gather_offload_async_start.5
scs
__scs_entry_jumppad:
0x0: {  	(pc) =	sbr.rel $0x88, $3  }
0x1: {  	(tag) =	ssettag $0x0;
	lr =	simm.s32 $0x1  }
0x2: {  	[smem:$0x3F93] =	sst lr;
	_ =	strace $0xD0000000  }
0x3: {  	_ = 	snop  }
0x4: {  	_ = 	snop  }
0x5: {  	_ = 	snop  }
0x6: {  	_ = 	snop  }
0x7: {  	_ = 	snop  }
__scs_overlays_trampoline_lowered:
0x8: {  	[smem:$0x3FA2] =	sst s0  }
0x9: {  	[smem:$0x3FA3] =	sst s1  }
0xa: {  	[smem:$0x3FA4] =	sst s2  }
0xb: {  	[smem:$0x3FA5] =	sst s3  }
0xc: {  	[smem:$0x3FA6] =	sst s4  }
0xd: {  	[smem:$0x3FA7] =	sst s5  }
0xe: {  	[smem:$0x3FA8] =	sst s6  }
0xf: {  	[smem:$0x3FA9] =	sst s7  }
0x10: {  	[smem:$0x3FAA] =	sst s8  }
0x11: {  	[smem:$0x3FAB] =	sst s9;
	s0 =	simm.s32 @!p0 $0x0  }
0x12: {  	s1 =	sld [smem:$0x3F91];
	s0 =	simm.s32 @p0 $0x1  }
0x13: {  	[smem:$0x3FAC] =	sst s0;
	s0 =	simm.s32 @!p1 $0x0  }
0x14: {  	s2 =	sld [smem:$0x3F90];
	s0 =	simm.s32 @p1 $0x1  }
0x15: {  	[smem:$0x3FAD] =	sst s0;
	s0 =	simm.s32 @!p2 $0x0  }
0x16: {  	s3 =	sld [smem:$0x3FDB];
	s0 =	simm.s32 @p2 $0x1  }
0x17: {  	s4 =	simm.s32 $0x1BF5;
	[smem:$0x3FAF] =	sst s0  }
0x18: {  	s0 =	sld [smem:$0x3F92];
	_ =	swait.ge [sflag:s4], $0x0  }
0x19: {  	s7 =	sld [smem:$0x3F93]  }
0x1a: {  	s8 =	sadd.s32 $0xFFFFE003, lr  }
0x1b: {  	s9 =	sadd.s32 $0xFFFFFEF7, lr;
	s5 =	simm.s32 $0xFFFFFFFF;
	p2 =	slt.u32 s8, $0xFFFFF086  }
0x1c: {  	p1 =	slt.u32 s9, $0xF7A;
	s5 =	simm.s32 @!p2 $0x0  }
0x1d: {  	s5 =	simm.s32 @p1 $0x1;
	p0 =	seq.s32 s7, s2  }
0x1e: {  	s7 =	smul.u32 @!p0 $0xF7A, s2;
	p2 =	seq.s32 @!p0 s5, $0x0  }
0x1f: {  	s9 =	smul.u32 $0xF7A, s1;
	s8 =	simm.s32 @!p0 $0x1BF5;
	p2 =	por !p2, p0  }
0x20: {  	[sflag:s8] =	ssyncset.s32 @!p0 $0xFFFFF086;
	s6 =	sadd.s32 @!p0 s3, s7;
	s7 =	simm.s32 @!p0 $0x108  }
0x21: {  	s3 =	sadd.s32 s3, s9;
	s6 =	sadd.s32 @!p0 $0x88, s6;
	s7 =	simm.s32 @p2 $0x1082  }
0x22: {  	[simem:s7], [sflag:s8] =	dma.local @!p0 [hbm:s6], $0xF7A  }
0x23: {  	s9 =	sor.u32 $0xD0000000, s2;
	s6 =	simm.s32 $0x108;
	_ =	swait.ge @!p0 [sflag:s8], $0x0  }
0x24: {  	s3 =	sadd.s32 $0x88, s3;
	s6 =	simm.s32 @!p1 $0x1082;
	[sflag:s4] =	ssyncset.s32 $0xFFFFF086  }
0x25: {  	[simem:s6], [sflag:s4] =	dma.local [hbm:s3], $0xF7A  }
0x26: {  	[smem:$0x3F93] =	sst s1;
	(tag) =	ssettag s2;
	_ =	strace s9  }
0x27: {  	s1 =	sld [smem:$0x3FA3]  }
0x28: {  	s2 =	sld [smem:$0x3FA4]  }
0x29: {  	s4 =	sld [smem:$0x3FA6]  }
0x2a: {  	p0 =	seq.s32 s5, $0x0;
	s5 =	sld [smem:$0x3FA7]  }
0x2b: {  	s6 =	sld [smem:$0x3FA8]  }
0x2c: {  	s7 =	sld [smem:$0x3FA9]  }
0x2d: {  	s3 =	simm.s32 $0x108;
	s8 =	sld [smem:$0x3FAA]  }
0x2e: {  	s3 =	simm.s32 @!p0 $0x1082;
	s9 =	sld [smem:$0x3FAB]  }
0x2f: {  	lr =	sadd.s32 s0, s3;
	s0 =	sld [smem:$0x3FA2]  }
0x30: {  	s3 =	sld [smem:$0x3FA5]  }
0x31: {  	[smem:$0x3FAE] =	sst s10  }
0x32: {  	s10 =	sld [smem:$0x3FAC];
	_ =	sdelay $0x3  }
0x33: {  	p0 =	seq.s32 s10, $0x1;
	s10 =	sld [smem:$0x3FAE];
	_ =	sdelay $0x3  }
0x34: {  	[smem:$0x3FAE] =	sst s10  }
0x35: {  	s10 =	sld [smem:$0x3FAD];
	_ =	sdelay $0x3  }
0x36: {  	p1 =	seq.s32 s10, $0x1;
	s10 =	sld [smem:$0x3FAE];
	_ =	sdelay $0x3  }
0x37: {  	[smem:$0x3FAE] =	sst s10  }
0x38: {  	s10 =	sld [smem:$0x3FAF]  }
0x39: {  	_ = 	snop;
	(pc) =	sbr.ind lr, $3  }
0x3a: {  	_ = 	snop  }
0x3b: {  	_ = 	snop  }
0x3c: {  	p2 =	seq.s32 s10, $0x1;
	s10 =	sld [smem:$0x3FAE]  }
0x3d: {  	_ =	shalt  }
0x3e: {  	_ =	shalt  }
0x3f: {  	_ =	shalt  }
0x40: {  	_ =	shalt  }
0x41: {  	_ =	shalt  }
0x42: {  	_ =	shalt  }
0x43: {  	_ =	shalt  }
0x44: {  	_ =	shalt  }
0x45: {  	_ =	shalt  }
0x46: {  	_ =	shalt  }
0x47: {  	_ =	shalt  }
0x48: {  	_ =	shalt  }
0x49: {  	_ =	shalt  }
0x4a: {  	_ =	shalt  }
0x4b: {  	_ =	shalt  }
0x4c: {  	_ =	shalt  }
0x4d: {  	_ =	shalt  }
0x4e: {  	_ =	shalt  }
0x4f: {  	_ =	shalt  }
0x50: {  	_ =	shalt  }
0x51: {  	_ =	shalt  }
0x52: {  	_ =	shalt  }
0x53: {  	_ =	shalt  }
0x54: {  	_ =	shalt  }
0x55: {  	_ =	shalt  }
0x56: {  	_ =	shalt  }
0x57: {  	_ =	shalt  }
0x58: {  	_ =	shalt  }
0x59: {  	_ =	shalt  }
0x5a: {  	_ =	shalt  }
0x5b: {  	_ =	shalt  }
0x5c: {  	_ =	shalt  }
0x5d: {  	_ =	shalt  }
0x5e: {  	_ =	shalt  }
0x5f: {  	_ =	shalt  }
0x60: {  	_ =	shalt  }
0x61: {  	_ =	shalt  }
0x62: {  	_ =	shalt  }
0x63: {  	_ =	shalt  }
0x64: {  	_ =	shalt  }
0x65: {  	_ =	shalt  }
0x66: {  	_ =	shalt  }
0x67: {  	_ =	shalt  }
0x68: {  	_ =	shalt  }
0x69: {  	_ =	shalt  }
0x6a: {  	_ =	shalt  }
0x6b: {  	_ =	shalt  }
0x6c: {  	_ =	shalt  }
0x6d: {  	_ =	shalt  }
0x6e: {  	_ =	shalt  }
0x6f: {  	_ =	shalt  }
0x70: {  	_ =	shalt  }
0x71: {  	_ =	shalt  }
0x72: {  	_ =	shalt  }
0x73: {  	_ =	shalt  }
0x74: {  	_ =	shalt  }
0x75: {  	_ =	shalt  }
0x76: {  	_ =	shalt  }
0x77: {  	_ =	shalt  }
0x78: {  	_ =	shalt  }
0x79: {  	_ =	shalt  }
0x7a: {  	_ =	shalt  }
0x7b: {  	_ =	shalt  }
0x7c: {  	_ =	shalt  }
0x7d: {  	_ =	shalt  }
0x7e: {  	_ =	shalt  }
0x7f: {  	_ =	shalt  }
0x80: {  	_ =	shalt  }
0x81: {  	_ =	shalt  }
0x82: {  	_ =	shalt  }
0x83: {  	_ =	shalt  }
0x84: {  	_ =	shalt  }
0x85: {  	_ =	shalt  }
0x86: {  	_ =	shalt  }
0x87: {  	_ =	shalt  }
.Lfunc_end0:
.L_simem_size_0:
called_computation.6_lowered:
.L_overlay_start_0:
0x88: {  	s2 =	sld [smem:$0x3FD9]  }
0x89: {  	s3 =	sld [smem:$0x3FFE];
	_ =	sdelay $0x1  }
0x8a: {  	s1 =	srdreg.scid  }
0x8b: {  	s0 =	sand.u32 $0x1, s1  }
0x8c: {  	s17 =	sshll.u32 s0, $0xA;
	s2 =	sadd.s32 s3, s2  }
0x8d: {  	s2 =	sadd.s32 s2, s17  }
0x8e: {  	[smem:$0x3FBA] =	sst s2  }
0x8f: {  	_ = 	snop  }
0x90: {  	(tm) =	ssettm $0x1  }
0x91: {  	s18 =	sld [smem:$0x3FFB];
	_ =	sdelay $0x3  }
0x92: {  	_ =	strace s18  }
0x93: {  	s2 =	sld [smem:$0x3FFC];
	_ =	sdelay $0x3  }
0x94: {  	_ =	strace s2  }
0x95: {  	s2 =	sld [smem:$0x3FFD];
	_ =	sdelay $0x3  }
0x96: {  	_ =	strace s2  }
0x97: {  	_ =	strace $0x8FFFFFFF  }
0x98: {  	s19 =	sld [smem:$0x3FDB];
	_ =	sdelay $0x1  }
0x99: {  	s20 =	simm.s32 $_scs_section_size  }
0x9a: {  	s4 =	simm.s32 $_size__tile_overlayer_lowered;
	s5 =	simm.s32 $_tile_overlayer_lowered  }
0x9b: {  	s6 =	simm.s32 $0x1BFF;
	s21 =	sshll.u32 s5, $0x1;
	s3 =	sadd.s32 s20, s19  }
0x9c: {  	s22 =	simm.s32 $0x0;
	s4 =	sshll.u32 s4, $0x1;
	s5 =	sadd.s32 s21, s3  }
0x9d: {  	[timem:s22], [sflag:s6] =	dma.local [hbm:s5], s4  }
0x9e: {  	_ =	swait.ge [sflag:s6], s4  }
0x9f: {  	s4 =	ssub.s32 $0x0, s4;
	[sflag:s6] =	ssyncset.done $0x0  }
0xa0: {  	[sflag:s6] =	ssyncadd.s32 s4;
	_ =	sdelay $0x1  }
0xa1: {  	s23 =	simm.s32 $0x1B8B  }
0xa2: {  	_ =	swait.ge [sflag:s23], $0x1  }
0xa3: {  	[sflag:s23] =	ssyncset.done $0x0  }
0xa4: {  	[sflag:s23] =	ssyncadd.s32 $0xFFFFFFFF  }
0xa5: {  	s4 =	sld [smem:$0x0]  }
0xa6: {  	s5 =	sand.u32 $0xFFFFFFFE, s1  }
0xa7: {  	p0 =	sne.s32 s1, s5  }
0xa8: {  	s5 =	sshll.u32 @p0 s5, $0xE  }
0xa9: {  	s5 =	sadd.s32 @p0 $0x11B8D, s5;
	s6 =	sshll.u32 @p0 s4, $0x11  }
0xaa: {  	s5 =	sor.u32 @p0 s6, s5  }
0xab: {  	[sflag:s5] =	ssyncadd.remote.s32 @p0 $0x1;
	_ =	sdelay $0x1  }
0xac: {  	s5 =	simm.s32 @p0 $0x1B8D  }
0xad: {  	_ =	swait.eq @p0 [sflag:s5], $0x1  }
0xae: {  	[sflag:s5] =	ssyncadd.s32 @p0 $0xFFFFFFFF  }
0xaf: {  	s6 =	sshll.u32 @!p0 s1, $0xE  }
0xb0: {  	s6 =	sor.u32 @!p0 $0x4000, s6;
	s5 =	simm.s32 @!p0 $0x1B8D  }
0xb1: {  	s4 =	sshll.u32 @!p0 s4, $0x11;
	s6 =	sadd.s32 @!p0 $0x11B8D, s6;
	_ =	swait.eq @!p0 [sflag:s5], $0x1  }
0xb2: {  	s4 =	sor.u32 @!p0 s4, s6;
	[sflag:s5] =	ssyncadd.s32 @!p0 $0xFFFFFFFF  }
0xb3: {  	s25 =	simm.s32 $0x1B8E;
	s24 =	sld [smem:$0x3FFE];
	[sflag:s4] =	ssyncadd.remote.s32 @!p0 $0x1  }
0xb4: {  	s26 =	simm.s32 $execute0_lowered;
	[smem:$0x3FD2] =	sst s25  }
0xb5: {  	s5 =	sshll.u32 s26, $0x1;
	_ =	strace $0x80000055;
	[dreg:$0x1] =	wrdreg $0xFFFFFFFF  }
0xb6: {  	s28 =	simm.s32 $_size_execute0_lowered;
	s3 =	sadd.s32 s3, s5;
	[dreg:$0x0] =	wrdreg $0x0  }
0xb7: {  	s5 =	sshll.u32 s28, $0x1;
	[dreg:$0x2] =	wrdreg s3  }
0xb8: {  	[dreg:$0x3] =	wrdreg s5  }
0xb9: {  	[dreg:$0x4] =	wrdreg $0xC0  }
0xba: {  	_ =	task [dreg:s22], $0x5FFFF  }
0xbb: {  	[dreg:$0x1] =	wrdreg $0xFFFFFFFF  }
0xbc: {  	[dreg:$0x0] =	wrdreg $0x60  }
0xbd: {  	[dreg:$0x2] =	wrdreg s24  }
0xbe: {  	[dreg:$0x3] =	wrdreg $0xA  }
0xbf: {  	_ =	task.clear_ibuf [dreg:s22], $0x4FFFF;
	_ =	strace $0x90000055  }
0xc0: {  	s29 =	simm.s32 $0xA;
	_ =	strace $0x80000057  }
0xc1: {  	_ =	swait.ge [sflag:s29], $0x1  }
0xc2: {  	[sflag:s29] =	ssyncadd.s32 $0xFFFFFFFF  }
0xc3: {  	_ =	strace $0x90000057  }
0xc4: {  	_ =	sfence  }
0xc5: {  	s30 =	sld [smem:$0x0];
	_ =	sdelay $0x2  }
0xc6: {  	s31 =	sshll.u32 s1, $0xD;
	s1 =	sshrl.u32 s1, $0x2  }
0xc7: {  	s4 =	sand.u32 $0x4000, s31;
	s1 =	sadd.s32 s1, s30  }
0xc8: {  	s0 =	sor.u32 s4, s0;
	s1 =	sshll.u32 s1, $0x11  }
0xc9: {  	s0 =	sor.u32 s1, s0  }
0xca: {  	s0 =	sadd.s32 $0x8F2B, s0  }
0xcb: {  	[sflag:s0] =	ssyncadd.remote.s32 $0x1  }
0xcc: {  	_ =	sfence.sel $0xFFFF  }
0xcd: {  	[dreg:$0x0] =	wrdreg $0xFFFFFFFF;
	(pc) =	sbr.abs _section_cstart, $3  }
0xce: {  	[dreg:$0x1] =	wrdreg $0xFFFFFFFF  }
0xcf: {  	_ =	task.clear_ibuf [dreg:s22], $0x2FFFF;
	_ =	strace $0x9FFFFFFF  }
0xd0: {  	(tm) =	ssettm $0x7FFFFFFF  }
0xd1: {  	_ =	shalt  }
tec
execute0_lowered:
.L_overlay_start_1:
0x0: {  	(tag) =	ssettag $0x1  }
0x1: {  	s8 =	rddreg [dreg:$0x0]  }
0x2: {  	s0 =	rddreg [dreg:$0x1];
	_ =	strace $0x80000056;
	s1 =	stileid.u32  }
0x3: {  	s3 =	srdreg.scid;
	s4 =	simm.s32 $0x1;
	s7 =	simm.s32 $0x1  }
0x4: {  	s9 =	simm.s32 $0x1;
	s10 =	simm.s32 $0x3;
	s13 =	simm.s32 $0x0  }
0x5: {  	s12 =	simm.s32 $0x0;
	s5 =	sand.u32 $0x1, s3;
	s6 =	sshll.u32 s1, $0x1  }
0x6: {  	s2 =	sadd.s32 $0x2A600, s8;
	s3 =	sadd.s32 $0x3E400, s8;
	s5 =	sor.u32 s6, s5  }
.Ltmp0:
0x7: {  	[sflag:s4] =	ssyncpa.u1 $0x0;
	p0 =	slt.u32 s5, $0x9;
	(pc) =	sbr.rel .LBB2_1-.Ltmp0, $4  }
0x8: {  	s6 =	simm.s32 $0x2;
	s7 =	simm.s32 @!p0 $0x0;
	p0 =	sne.s32 s5, $0x8  }
0x9: {  	[sflag:s6] =	ssyncpa.u1 $0x0;
	s5 =	smul.u32 $0x1F40, s5;
	s9 =	simm.s32 @!p0 $0x0  }
0xa: {  	s8 =	sadd.s32 $0x79800, s8;
	[sflag:s10] =	ssyncpa.u1 $0x0;
	s7 =	sadd.s32 s9, s7  }
0xb: {  	vm0 =	vmmov $0xffff;
	s10 =	simm.s32 $0x0;
	s11 =	smov.u32 s5;
	s9 =	sadd.s32 $0x1, s7  }
.LBB2_4:
0xc: {  	v2 =	vnsel vm1, $0x0, v2  }
0xd: {  	vm1 =	vgt.s32 v0, $0x0;
	v2 =	vmin.u32 v2, $0x4E1FF  }
0xe: {  	v0 =	vnsel vm1, $0x0, v0  }
0xf: {  	v0 =	vmin.u32 v0, $0x4E1FF  }
0x10: {  	[tilespmem:s18], [sflag:$0x1] =	stream.indirect_vreg.gather [hbm4b:s2+s10], $0x1, v1, vm0, $0x4038;
	[tilespmem:$0x7D00] =	vst v63  }
0x11: {  	(ifvalue) =	ssetifvalue $0x7FFFFFFF  }
0x12: {  	[tilespmem:s15], [sflag:$0x1] =	stream.indirect_vreg.gather [hbm4b:s2+s10], $0x1, v2, vm0, $0x4038;
	[tilespmem:$0x7D00] =	vst v63  }
0x13: {  	s29 =	sadd.s32 $0x10, s15;
	(ifvalue) =	ssetifvalue $0x7FFFFFFF  }
0x14: {  	[tilespmem:s29], [sflag:$0x1] =	stream.indirect_vreg.gather [hbm4b:s2+s10], $0x1, v0, vm0, $0x4038;
	[tilespmem:$0x7D00] =	vst v63  }
0x15: {  	_ =	swait.ge [sflag:s4], $0x1F40  }
0x16: {  	s30 =	sshrl.u32 s13, $0x3;
	[sflag:s4] =	ssyncset.done $0x0  }
0x17: {  	s31 =	sand.u32 $0x7, s13;
	s15 =	sadd.s32 s8, s30;
	[sflag:s4] =	ssyncadd.s32 $0xFFFFE0C0  }
0x18: {  	[hbm4b:s15+s31] =	stream.linear.scatter [tilespmem:s14], [sflag:$0x3], $0x1F40, $0x38;
	[tilespmem:$0x7D00] =	vst v63  }
.LBB2_5:
0x19: {  	s15 =	sadd.s32 $0x3E800, s11  }
0x1a: {  	p1 =	sgt.s32 s15, $0x4E1FF  }
0x1b: {  	s15 =	smov.u32 @p1 s5;
	p1 =	sne.s32 s12, s9  }
.Ltmp1:
0x1c: {  	p0 =	slt.u32 s12, $0x2;
	(pc) =	sbr.rel @!p1 .LBB2_6-.Ltmp1, $4  }
0x1d: {  	s14 =	simm.s32 @!p0 $0x3  }
0x1e: {  	_ =	swait.ge @!p0 [sflag:s14], $0x1F40  }
0x1f: {  	s16 =	sadd.s32 $0x1, s12;
	s13 =	smov.u32 s11;
	[sflag:s14] =	ssyncset.done @!p0 $0x0  }
0x20: {  	s12 =	smov.u32 s16;
	s11 =	smov.u32 s15;
	[sflag:s14] =	ssyncadd.s32 @!p0 $0xFFFFE0C0  }
.LBB2_1:
0x21: {  	p0 =	sge.u32 s12, s7  }
0x22: {  	s14 =	sxor.u32 @!p0 $0x1, s12  }
0x23: {  	s14 =	smul.u32 @!p0 $0x7D00, s14  }
0x24: {  	s31 =	sadd.s32 $0xFFFFFFFF, s12;
	s15 =	sshrl.u32 @!p0 s11, $0x3  }
0x25: {  	s16 =	sand.u32 @!p0 $0x7, s11;
	s15 =	sadd.s32 @!p0 s3, s15;
	s14 =	sshra.s32 @!p0 s14, $0x2  }
0x26: {  	[tilespmem:s14], [sflag:$0x2] =	stream.linear.gather @!p0 [hbm4b:s15+s16], $0x1F40, $0x38;
	[tilespmem:$0x7D00] =	vst v63  }
0x27: {  	p0 =	sge.u32 s31, s7  }
.Ltmp2:
0x28: {  	_ = 	snop;
	(pc) =	sbr.rel @p0 .LBB2_5-.Ltmp2, $1  }
0x29: {  	_ =	sdelay $0x3  }
0x2a: {  	s14 =	sand.u32 $0x1, s12  }
0x2b: {  	_ =	swait.ge [sflag:s6], $0x1F40;
	p0 =	seq.s32 s14, $0x1;
	s14 =	simm.s32 $0x1F40  }
0x2c: {  	[sflag:s6] =	ssyncset.done $0x0;
	s14 =	simm.s32 @!p0 $0x0  }
0x2d: {  	[sflag:s6] =	ssyncadd.s32 $0xFFFFE0C0;
	(ifvalue) =	ssetifvalue $0x7FFFFFFF;
	v0 =	vld.msk [tilespmem:s14+$0x0 ss:$0x1], $0xffff;
	_ =	sdelay $0x4  }
0x2e: {  	s15 =	sadd.s32 $0x10, s14;
	vm1 =	vgt.s32 v0, $0x0  }
0x2f: {  	v2 =	vld.msk [tilespmem:s15+$0x0 ss:$0x1], $0xffff;
	v1 =	vnsel vm1, $0x0, v0  }
0x30: {  	v1 =	vmin.u32 v1, $0x4E1FF;
	_ =	sdelay $0x2  }
0x31: {  	s17 =	simm.s32 $0x20;
	s14 =	sadd.s32 $0x3E80, s14;
	s16 =	sadd.s32 $0x10, s15  }
0x32: {  	s15 =	sadd.s32 $0x10, s14;
	s18 =	smov.u32 s14;
	v0 =	vld.msk [tilespmem:s16+$0x0 ss:$0x1], $0xffff;
	vm1 =	vgt.s32 v2, $0x0;
	(ifvalue) =	ssetifvalue $0x7FFFFFFF  }
.LBB2_3:
0x33: {  	[tilespmem:s18], [sflag:$0x1] =	stream.indirect_vreg.gather [hbm4b:s2+s10], $0x1, v1, vm0, $0x4038;
	[tilespmem:$0x7D00] =	vst v63  }
0x34: {  	s17 =	sadd.s32 $0x10, s17  }
0x35: {  	v2 =	vnsel vm1, $0x0, v2;
	p0 =	slt.u32 s17, $0x1F30  }
.Ltmp3:
0x36: {  	s18 =	smov.u32 s15;
	v1 =	vmin.u32 v2, $0x4E1FF;
	(pc) =	sbr.rel @p0 .LBB2_3-.Ltmp3, $3  }
0x37: {  	_ =	sdelay $0x1  }
0x38: {  	s16 =	sadd.s32 $0x10, s16  }
0x39: {  	vm1 =	vgt.s32 v0, $0x0;
	s15 =	sadd.s32 $0x10, s15;
	v2 =	vmov v0;
	(ifvalue) =	ssetifvalue $0x7FFFFFFF;
	v0 =	vld.msk [tilespmem:s16+$0x0 ss:$0x1], $0xffff  }
.Ltmp4:
0x3a: {  	_ = 	snop;
	(pc) =	sbr.rel .LBB2_4-.Ltmp4, $1  }
0x3b: {  	_ =	sdelay $0x3  }
.LBB2_6:
0x3c: {  	_ =	sfence.sel $0x180000  }
0x3d: {  	s2 =	simm.s32 $0x2;
	[bflag:$0x0] =	sbarrier.arrive $0xFFFF  }
0x3e: {  	s30 =	simm.s32 $0x3;
	[sflag:s2] =	ssyncpa.u1 $0x1  }
0x3f: {  	s31 =	simm.s32 $0x1;
	[sflag:s30] =	ssyncpa.u1 $0x1  }
0x40: {  	[sflag:s31] =	ssyncpa.u1 $0x1  }
0x41: {  	p0 =	sne.s32 s1, $0x0;
	_ =	strace $0x90000056  }
0x42: {  	s0 =	sadd.s32 @!p0 $0x100000, s0;
	[bflag:$0x2] =	sbarrier.arrive $0xFFFF  }
0x43: {  	[sflag:s0] =	ssyncadd.tile.s32 @!p0 $0x1;
	_ =	shalt  }
.Lfunc_end2:
_tile_overlayer_lowered:
.L_overlay_start_2:
0x44: {  	(tag) =	ssettag $0x2  }
0x45: {  	s0 =	rddreg [dreg:$0x0];
	s2 =	stileid.u32  }
0x46: {  	s1 =	rddreg [dreg:$0x1];
	p0 =	sne.s32 s2, $0x0  }
0x47: {  	s3 =	rddreg [dreg:$0x2];
	[bflag:$0x3] =	sbarrier.arrive $0xFFFF;
	s2 =	simm.s32 @!p0 $0x1C01  }
0x48: {  	[timem:s3], [sflag:s2] =	dma.local @!p0 [hbm:s0], s1  }
0x49: {  	s0 =	simm.s32 @!p0 $0x1  }
0x4a: {  	_ =	swait.ge @!p0 [sflag:s0], s1  }
0x4b: {  	s1 =	ssub.s32 @!p0 $0x0, s1;
	[sflag:s0] =	ssyncset.done @!p0 $0x0  }
0x4c: {  	[sflag:s0] =	ssyncadd.s32 @!p0 s1  }
0x4d: {  	[bflag:$0x3] =	sbarrier.arrive $0xFFFF  }
0x4e: {  	_ =	shalt  }

// kernel: gather_offload_async_start.6
scs
__scs_entry_jumppad:
0x0: {  	(pc) =	sbr.rel $0x88, $3  }
0x1: {  	(tag) =	ssettag $0x0;
	lr =	simm.s32 $0x1  }
0x2: {  	[smem:$0x3F93] =	sst lr;
	_ =	strace $0xD0000000  }
0x3: {  	_ = 	snop  }
0x4: {  	_ = 	snop  }
0x5: {  	_ = 	snop  }
0x6: {  	_ = 	snop  }
0x7: {  	_ = 	snop  }
__scs_overlays_trampoline_lowered:
0x8: {  	[smem:$0x3FA2] =	sst s0  }
0x9: {  	[smem:$0x3FA3] =	sst s1  }
0xa: {  	[smem:$0x3FA4] =	sst s2  }
0xb: {  	[smem:$0x3FA5] =	sst s3  }
0xc: {  	[smem:$0x3FA6] =	sst s4  }
0xd: {  	[smem:$0x3FA7] =	sst s5  }
0xe: {  	[smem:$0x3FA8] =	sst s6  }
0xf: {  	[smem:$0x3FA9] =	sst s7  }
0x10: {  	[smem:$0x3FAA] =	sst s8  }
0x11: {  	[smem:$0x3FAB] =	sst s9;
	s0 =	simm.s32 @!p0 $0x0  }
0x12: {  	s1 =	sld [smem:$0x3F91];
	s0 =	simm.s32 @p0 $0x1  }
0x13: {  	[smem:$0x3FAC] =	sst s0;
	s0 =	simm.s32 @!p1 $0x0  }
0x14: {  	s2 =	sld [smem:$0x3F90];
	s0 =	simm.s32 @p1 $0x1  }
0x15: {  	[smem:$0x3FAD] =	sst s0;
	s0 =	simm.s32 @!p2 $0x0  }
0x16: {  	s3 =	sld [smem:$0x3FDB];
	s0 =	simm.s32 @p2 $0x1  }
0x17: {  	s4 =	simm.s32 $0x1BF5;
	[smem:$0x3FAF] =	sst s0  }
0x18: {  	s0 =	sld [smem:$0x3F92];
	_ =	swait.ge [sflag:s4], $0x0  }
0x19: {  	s7 =	sld [smem:$0x3F93]  }
0x1a: {  	s8 =	sadd.s32 $0xFFFFE003, lr  }
0x1b: {  	s9 =	sadd.s32 $0xFFFFFEF7, lr;
	s5 =	simm.s32 $0xFFFFFFFF;
	p2 =	slt.u32 s8, $0xFFFFF086  }
0x1c: {  	p1 =	slt.u32 s9, $0xF7A;
	s5 =	simm.s32 @!p2 $0x0  }
0x1d: {  	s5 =	simm.s32 @p1 $0x1;
	p0 =	seq.s32 s7, s2  }
0x1e: {  	s7 =	smul.u32 @!p0 $0xF7A, s2;
	p2 =	seq.s32 @!p0 s5, $0x0  }
0x1f: {  	s9 =	smul.u32 $0xF7A, s1;
	s8 =	simm.s32 @!p0 $0x1BF5;
	p2 =	por !p2, p0  }
0x20: {  	[sflag:s8] =	ssyncset.s32 @!p0 $0xFFFFF086;
	s6 =	sadd.s32 @!p0 s3, s7;
	s7 =	simm.s32 @!p0 $0x108  }
0x21: {  	s3 =	sadd.s32 s3, s9;
	s6 =	sadd.s32 @!p0 $0x88, s6;
	s7 =	simm.s32 @p2 $0x1082  }
0x22: {  	[simem:s7], [sflag:s8] =	dma.local @!p0 [hbm:s6], $0xF7A  }
0x23: {  	s9 =	sor.u32 $0xD0000000, s2;
	s6 =	simm.s32 $0x108;
	_ =	swait.ge @!p0 [sflag:s8], $0x0  }
0x24: {  	s3 =	sadd.s32 $0x88, s3;
	s6 =	simm.s32 @!p1 $0x1082;
	[sflag:s4] =	ssyncset.s32 $0xFFFFF086  }
0x25: {  	[simem:s6], [sflag:s4] =	dma.local [hbm:s3], $0xF7A  }
0x26: {  	[smem:$0x3F93] =	sst s1;
	(tag) =	ssettag s2;
	_ =	strace s9  }
0x27: {  	s1 =	sld [smem:$0x3FA3]  }
0x28: {  	s2 =	sld [smem:$0x3FA4]  }
0x29: {  	s4 =	sld [smem:$0x3FA6]  }
0x2a: {  	p0 =	seq.s32 s5, $0x0;
	s5 =	sld [smem:$0x3FA7]  }
0x2b: {  	s6 =	sld [smem:$0x3FA8]  }
0x2c: {  	s7 =	sld [smem:$0x3FA9]  }
0x2d: {  	s3 =	simm.s32 $0x108;
	s8 =	sld [smem:$0x3FAA]  }
0x2e: {  	s3 =	simm.s32 @!p0 $0x1082;
	s9 =	sld [smem:$0x3FAB]  }
0x2f: {  	lr =	sadd.s32 s0, s3;
	s0 =	sld [smem:$0x3FA2]  }
0x30: {  	s3 =	sld [smem:$0x3FA5]  }
0x31: {  	[smem:$0x3FAE] =	sst s10  }
0x32: {  	s10 =	sld [smem:$0x3FAC];
	_ =	sdelay $0x3  }
0x33: {  	p0 =	seq.s32 s10, $0x1;
	s10 =	sld [smem:$0x3FAE];
	_ =	sdelay $0x3  }
0x34: {  	[smem:$0x3FAE] =	sst s10  }
0x35: {  	s10 =	sld [smem:$0x3FAD];
	_ =	sdelay $0x3  }
0x36: {  	p1 =	seq.s32 s10, $0x1;
	s10 =	sld [smem:$0x3FAE];
	_ =	sdelay $0x3  }
0x37: {  	[smem:$0x3FAE] =	sst s10  }
0x38: {  	s10 =	sld [smem:$0x3FAF]  }
0x39: {  	_ = 	snop;
	(pc) =	sbr.ind lr, $3  }
0x3a: {  	_ = 	snop  }
0x3b: {  	_ = 	snop  }
0x3c: {  	p2 =	seq.s32 s10, $0x1;
	s10 =	sld [smem:$0x3FAE]  }
0x3d: {  	_ =	shalt  }
0x3e: {  	_ =	shalt  }
0x3f: {  	_ =	shalt  }
0x40: {  	_ =	shalt  }
0x41: {  	_ =	shalt  }
0x42: {  	_ =	shalt  }
0x43: {  	_ =	shalt  }
0x44: {  	_ =	shalt  }
0x45: {  	_ =	shalt  }
0x46: {  	_ =	shalt  }
0x47: {  	_ =	shalt  }
0x48: {  	_ =	shalt  }
0x49: {  	_ =	shalt  }
0x4a: {  	_ =	shalt  }
0x4b: {  	_ =	shalt  }
0x4c: {  	_ =	shalt  }
0x4d: {  	_ =	shalt  }
0x4e: {  	_ =	shalt  }
0x4f: {  	_ =	shalt  }
0x50: {  	_ =	shalt  }
0x51: {  	_ =	shalt  }
0x52: {  	_ =	shalt  }
0x53: {  	_ =	shalt  }
0x54: {  	_ =	shalt  }
0x55: {  	_ =	shalt  }
0x56: {  	_ =	shalt  }
0x57: {  	_ =	shalt  }
0x58: {  	_ =	shalt  }
0x59: {  	_ =	shalt  }
0x5a: {  	_ =	shalt  }
0x5b: {  	_ =	shalt  }
0x5c: {  	_ =	shalt  }
0x5d: {  	_ =	shalt  }
0x5e: {  	_ =	shalt  }
0x5f: {  	_ =	shalt  }
0x60: {  	_ =	shalt  }
0x61: {  	_ =	shalt  }
0x62: {  	_ =	shalt  }
0x63: {  	_ =	shalt  }
0x64: {  	_ =	shalt  }
0x65: {  	_ =	shalt  }
0x66: {  	_ =	shalt  }
0x67: {  	_ =	shalt  }
0x68: {  	_ =	shalt  }
0x69: {  	_ =	shalt  }
0x6a: {  	_ =	shalt  }
0x6b: {  	_ =	shalt  }
0x6c: {  	_ =	shalt  }
0x6d: {  	_ =	shalt  }
0x6e: {  	_ =	shalt  }
0x6f: {  	_ =	shalt  }
0x70: {  	_ =	shalt  }
0x71: {  	_ =	shalt  }
0x72: {  	_ =	shalt  }
0x73: {  	_ =	shalt  }
0x74: {  	_ =	shalt  }
0x75: {  	_ =	shalt  }
0x76: {  	_ =	shalt  }
0x77: {  	_ =	shalt  }
0x78: {  	_ =	shalt  }
0x79: {  	_ =	shalt  }
0x7a: {  	_ =	shalt  }
0x7b: {  	_ =	shalt  }
0x7c: {  	_ =	shalt  }
0x7d: {  	_ =	shalt  }
0x7e: {  	_ =	shalt  }
0x7f: {  	_ =	shalt  }
0x80: {  	_ =	shalt  }
0x81: {  	_ =	shalt  }
0x82: {  	_ =	shalt  }
0x83: {  	_ =	shalt  }
0x84: {  	_ =	shalt  }
0x85: {  	_ =	shalt  }
0x86: {  	_ =	shalt  }
0x87: {  	_ =	shalt  }
.Lfunc_end0:
.L_simem_size_0:
called_computation.7_lowered:
.L_overlay_start_0:
0x88: {  	s2 =	sld [smem:$0x3FD9]  }
0x89: {  	s3 =	sld [smem:$0x3FFE];
	_ =	sdelay $0x1  }
0x8a: {  	s1 =	srdreg.scid  }
0x8b: {  	s0 =	sand.u32 $0x1, s1  }
0x8c: {  	s17 =	sshll.u32 s0, $0xA;
	s2 =	sadd.s32 s3, s2  }
0x8d: {  	s2 =	sadd.s32 s2, s17  }
0x8e: {  	[smem:$0x3FBA] =	sst s2  }
0x8f: {  	_ = 	snop  }
0x90: {  	(tm) =	ssettm $0x1  }
0x91: {  	s18 =	sld [smem:$0x3FFB];
	_ =	sdelay $0x3  }
0x92: {  	_ =	strace s18  }
0x93: {  	s2 =	sld [smem:$0x3FFC];
	_ =	sdelay $0x3  }
0x94: {  	_ =	strace s2  }
0x95: {  	s2 =	sld [smem:$0x3FFD];
	_ =	sdelay $0x3  }
0x96: {  	_ =	strace s2  }
0x97: {  	_ =	strace $0x8FFFFFFF  }
0x98: {  	s19 =	sld [smem:$0x3FDB];
	_ =	sdelay $0x1  }
0x99: {  	s20 =	simm.s32 $_scs_section_size  }
0x9a: {  	s4 =	simm.s32 $_size__tile_overlayer_lowered;
	s5 =	simm.s32 $_tile_overlayer_lowered  }
0x9b: {  	s6 =	simm.s32 $0x1BFF;
	s21 =	sshll.u32 s5, $0x1;
	s3 =	sadd.s32 s20, s19  }
0x9c: {  	s22 =	simm.s32 $0x0;
	s4 =	sshll.u32 s4, $0x1;
	s5 =	sadd.s32 s21, s3  }
0x9d: {  	[timem:s22], [sflag:s6] =	dma.local [hbm:s5], s4  }
0x9e: {  	_ =	swait.ge [sflag:s6], s4  }
0x9f: {  	s4 =	ssub.s32 $0x0, s4;
	[sflag:s6] =	ssyncset.done $0x0  }
0xa0: {  	[sflag:s6] =	ssyncadd.s32 s4;
	_ =	sdelay $0x1  }
0xa1: {  	s23 =	simm.s32 $0x1B8B  }
0xa2: {  	_ =	swait.ge [sflag:s23], $0x1  }
0xa3: {  	[sflag:s23] =	ssyncset.done $0x0  }
0xa4: {  	[sflag:s23] =	ssyncadd.s32 $0xFFFFFFFF  }
0xa5: {  	s4 =	sld [smem:$0x0]  }
0xa6: {  	s5 =	sand.u32 $0xFFFFFFFE, s1  }
0xa7: {  	p0 =	sne.s32 s1, s5  }
0xa8: {  	s5 =	sshll.u32 @p0 s5, $0xE  }
0xa9: {  	s5 =	sadd.s32 @p0 $0x11B8D, s5;
	s6 =	sshll.u32 @p0 s4, $0x11  }
0xaa: {  	s5 =	sor.u32 @p0 s6, s5  }
0xab: {  	[sflag:s5] =	ssyncadd.remote.s32 @p0 $0x1;
	_ =	sdelay $0x1  }
0xac: {  	s5 =	simm.s32 @p0 $0x1B8D  }
0xad: {  	_ =	swait.eq @p0 [sflag:s5], $0x1  }
0xae: {  	[sflag:s5] =	ssyncadd.s32 @p0 $0xFFFFFFFF  }
0xaf: {  	s6 =	sshll.u32 @!p0 s1, $0xE  }
0xb0: {  	s6 =	sor.u32 @!p0 $0x4000, s6;
	s5 =	simm.s32 @!p0 $0x1B8D  }
0xb1: {  	s4 =	sshll.u32 @!p0 s4, $0x11;
	s6 =	sadd.s32 @!p0 $0x11B8D, s6;
	_ =	swait.eq @!p0 [sflag:s5], $0x1  }
0xb2: {  	s4 =	sor.u32 @!p0 s4, s6;
	[sflag:s5] =	ssyncadd.s32 @!p0 $0xFFFFFFFF  }
0xb3: {  	s25 =	simm.s32 $0x1B8E;
	s24 =	sld [smem:$0x3FFE];
	[sflag:s4] =	ssyncadd.remote.s32 @!p0 $0x1  }
0xb4: {  	s26 =	simm.s32 $execute0_lowered;
	[smem:$0x3FD2] =	sst s25  }
0xb5: {  	s5 =	sshll.u32 s26, $0x1;
	_ =	strace $0x8000004F;
	[dreg:$0x1] =	wrdreg $0xFFFFFFFF  }
0xb6: {  	s28 =	simm.s32 $_size_execute0_lowered;
	s3 =	sadd.s32 s3, s5;
	[dreg:$0x0] =	wrdreg $0x0  }
0xb7: {  	s5 =	sshll.u32 s28, $0x1;
	[dreg:$0x2] =	wrdreg s3  }
0xb8: {  	[dreg:$0x3] =	wrdreg s5  }
0xb9: {  	[dreg:$0x4] =	wrdreg $0xC0  }
0xba: {  	_ =	task [dreg:s22], $0x5FFFF  }
0xbb: {  	[dreg:$0x1] =	wrdreg $0xFFFFFFFF  }
0xbc: {  	[dreg:$0x0] =	wrdreg $0x60  }
0xbd: {  	[dreg:$0x2] =	wrdreg s24  }
0xbe: {  	[dreg:$0x3] =	wrdreg $0xB  }
0xbf: {  	_ =	task.clear_ibuf [dreg:s22], $0x4FFFF;
	_ =	strace $0x9000004F  }
0xc0: {  	s29 =	simm.s32 $0xB;
	_ =	strace $0x80000051  }
0xc1: {  	_ =	swait.ge [sflag:s29], $0x1  }
0xc2: {  	[sflag:s29] =	ssyncadd.s32 $0xFFFFFFFF  }
0xc3: {  	_ =	strace $0x90000051  }
0xc4: {  	_ =	sfence  }
0xc5: {  	s30 =	sld [smem:$0x0];
	_ =	sdelay $0x2  }
0xc6: {  	s31 =	sshll.u32 s1, $0xD;
	s1 =	sshrl.u32 s1, $0x2  }
0xc7: {  	s4 =	sand.u32 $0x4000, s31;
	s1 =	sadd.s32 s1, s30  }
0xc8: {  	s0 =	sor.u32 s4, s0;
	s1 =	sshll.u32 s1, $0x11  }
0xc9: {  	s0 =	sor.u32 s1, s0  }
0xca: {  	s0 =	sadd.s32 $0x8F2B, s0  }
0xcb: {  	[sflag:s0] =	ssyncadd.remote.s32 $0x1  }
0xcc: {  	_ =	sfence.sel $0xFFFF  }
0xcd: {  	[dreg:$0x0] =	wrdreg $0xFFFFFFFF;
	(pc) =	sbr.abs _section_cstart, $3  }
0xce: {  	[dreg:$0x1] =	wrdreg $0xFFFFFFFF  }
0xcf: {  	_ =	task.clear_ibuf [dreg:s22], $0x2FFFF;
	_ =	strace $0x9FFFFFFF  }
0xd0: {  	(tm) =	ssettm $0x7FFFFFFF  }
0xd1: {  	_ =	shalt  }
tec
execute0_lowered:
.L_overlay_start_1:
0x0: {  	(tag) =	ssettag $0x1  }
0x1: {  	s8 =	rddreg [dreg:$0x0]  }
0x2: {  	s0 =	rddreg [dreg:$0x1];
	_ =	strace $0x80000050;
	s1 =	stileid.u32  }
0x3: {  	s3 =	srdreg.scid;
	s4 =	simm.s32 $0x1;
	s7 =	simm.s32 $0x1  }
0x4: {  	s9 =	simm.s32 $0x1;
	s10 =	simm.s32 $0x3;
	s13 =	simm.s32 $0x0  }
0x5: {  	s12 =	simm.s32 $0x0;
	s5 =	sand.u32 $0x1, s3;
	s6 =	sshll.u32 s1, $0x1  }
0x6: {  	s2 =	sadd.s32 $0x2A00, s8;
	s3 =	sadd.s32 $0x3E400, s8;
	s5 =	sor.u32 s6, s5  }
.Ltmp0:
0x7: {  	[sflag:s4] =	ssyncpa.u1 $0x0;
	p0 =	slt.u32 s5, $0x9;
	(pc) =	sbr.rel .LBB2_1-.Ltmp0, $4  }
0x8: {  	s6 =	simm.s32 $0x2;
	s7 =	simm.s32 @!p0 $0x0;
	p0 =	sne.s32 s5, $0x8  }
0x9: {  	[sflag:s6] =	ssyncpa.u1 $0x0;
	s5 =	smul.u32 $0x1F40, s5;
	s9 =	simm.s32 @!p0 $0x0  }
0xa: {  	s8 =	sadd.s32 $0x65C00, s8;
	[sflag:s10] =	ssyncpa.u1 $0x0;
	s7 =	sadd.s32 s9, s7  }
0xb: {  	vm0 =	vmmov $0xffff;
	s10 =	simm.s32 $0x0;
	s11 =	smov.u32 s5;
	s9 =	sadd.s32 $0x1, s7  }
.LBB2_4:
0xc: {  	v2 =	vnsel vm1, $0x0, v2  }
0xd: {  	vm1 =	vgt.s32 v0, $0x0;
	v2 =	vmin.u32 v2, $0x4E1FF  }
0xe: {  	v0 =	vnsel vm1, $0x0, v0  }
0xf: {  	v0 =	vmin.u32 v0, $0x4E1FF  }
0x10: {  	[tilespmem:s18], [sflag:$0x1] =	stream.indirect_vreg.gather [hbm4b:s2+s10], $0x1, v1, vm0, $0x4038;
	[tilespmem:$0x7D00] =	vst v63  }
0x11: {  	(ifvalue) =	ssetifvalue $0x7FFFFFFF  }
0x12: {  	[tilespmem:s15], [sflag:$0x1] =	stream.indirect_vreg.gather [hbm4b:s2+s10], $0x1, v2, vm0, $0x4038;
	[tilespmem:$0x7D00] =	vst v63  }
0x13: {  	s29 =	sadd.s32 $0x10, s15;
	(ifvalue) =	ssetifvalue $0x7FFFFFFF  }
0x14: {  	[tilespmem:s29], [sflag:$0x1] =	stream.indirect_vreg.gather [hbm4b:s2+s10], $0x1, v0, vm0, $0x4038;
	[tilespmem:$0x7D00] =	vst v63  }
0x15: {  	_ =	swait.ge [sflag:s4], $0x1F40  }
0x16: {  	s30 =	sshrl.u32 s13, $0x3;
	[sflag:s4] =	ssyncset.done $0x0  }
0x17: {  	s31 =	sand.u32 $0x7, s13;
	s15 =	sadd.s32 s8, s30;
	[sflag:s4] =	ssyncadd.s32 $0xFFFFE0C0  }
0x18: {  	[hbm4b:s15+s31] =	stream.linear.scatter [tilespmem:s14], [sflag:$0x3], $0x1F40, $0x38;
	[tilespmem:$0x7D00] =	vst v63  }
.LBB2_5:
0x19: {  	s15 =	sadd.s32 $0x3E800, s11  }
0x1a: {  	p1 =	sgt.s32 s15, $0x4E1FF  }
0x1b: {  	s15 =	smov.u32 @p1 s5;
	p1 =	sne.s32 s12, s9  }
.Ltmp1:
0x1c: {  	p0 =	slt.u32 s12, $0x2;
	(pc) =	sbr.rel @!p1 .LBB2_6-.Ltmp1, $4  }
0x1d: {  	s14 =	simm.s32 @!p0 $0x3  }
0x1e: {  	_ =	swait.ge @!p0 [sflag:s14], $0x1F40  }
0x1f: {  	s16 =	sadd.s32 $0x1, s12;
	s13 =	smov.u32 s11;
	[sflag:s14] =	ssyncset.done @!p0 $0x0  }
0x20: {  	s12 =	smov.u32 s16;
	s11 =	smov.u32 s15;
	[sflag:s14] =	ssyncadd.s32 @!p0 $0xFFFFE0C0  }
.LBB2_1:
0x21: {  	p0 =	sge.u32 s12, s7  }
0x22: {  	s14 =	sxor.u32 @!p0 $0x1, s12  }
0x23: {  	s14 =	smul.u32 @!p0 $0x7D00, s14  }
0x24: {  	s31 =	sadd.s32 $0xFFFFFFFF, s12;
	s15 =	sshrl.u32 @!p0 s11, $0x3  }
0x25: {  	s16 =	sand.u32 @!p0 $0x7, s11;
	s15 =	sadd.s32 @!p0 s3, s15;
	s14 =	sshra.s32 @!p0 s14, $0x2  }
0x26: {  	[tilespmem:s14], [sflag:$0x2] =	stream.linear.gather @!p0 [hbm4b:s15+s16], $0x1F40, $0x38;
	[tilespmem:$0x7D00] =	vst v63  }
0x27: {  	p0 =	sge.u32 s31, s7  }
.Ltmp2:
0x28: {  	_ = 	snop;
	(pc) =	sbr.rel @p0 .LBB2_5-.Ltmp2, $1  }
0x29: {  	_ =	sdelay $0x3  }
0x2a: {  	s14 =	sand.u32 $0x1, s12  }
0x2b: {  	_ =	swait.ge [sflag:s6], $0x1F40;
	p0 =	seq.s32 s14, $0x1;
	s14 =	simm.s32 $0x1F40  }
0x2c: {  	[sflag:s6] =	ssyncset.done $0x0;
	s14 =	simm.s32 @!p0 $0x0  }
0x2d: {  	[sflag:s6] =	ssyncadd.s32 $0xFFFFE0C0;
	(ifvalue) =	ssetifvalue $0x7FFFFFFF;
	v0 =	vld.msk [tilespmem:s14+$0x0 ss:$0x1], $0xffff;
	_ =	sdelay $0x4  }
0x2e: {  	s15 =	sadd.s32 $0x10, s14;
	vm1 =	vgt.s32 v0, $0x0  }
0x2f: {  	v2 =	vld.msk [tilespmem:s15+$0x0 ss:$0x1], $0xffff;
	v1 =	vnsel vm1, $0x0, v0  }
0x30: {  	v1 =	vmin.u32 v1, $0x4E1FF;
	_ =	sdelay $0x2  }
0x31: {  	s17 =	simm.s32 $0x20;
	s14 =	sadd.s32 $0x3E80, s14;
	s16 =	sadd.s32 $0x10, s15  }
0x32: {  	s15 =	sadd.s32 $0x10, s14;
	s18 =	smov.u32 s14;
	v0 =	vld.msk [tilespmem:s16+$0x0 ss:$0x1], $0xffff;
	vm1 =	vgt.s32 v2, $0x0;
	(ifvalue) =	ssetifvalue $0x7FFFFFFF  }
.LBB2_3:
0x33: {  	[tilespmem:s18], [sflag:$0x1] =	stream.indirect_vreg.gather [hbm4b:s2+s10], $0x1, v1, vm0, $0x4038;
	[tilespmem:$0x7D00] =	vst v63  }
0x34: {  	s17 =	sadd.s32 $0x10, s17  }
0x35: {  	v2 =	vnsel vm1, $0x0, v2;
	p0 =	slt.u32 s17, $0x1F30  }
.Ltmp3:
0x36: {  	s18 =	smov.u32 s15;
	v1 =	vmin.u32 v2, $0x4E1FF;
	(pc) =	sbr.rel @p0 .LBB2_3-.Ltmp3, $3  }
0x37: {  	_ =	sdelay $0x1  }
0x38: {  	s16 =	sadd.s32 $0x10, s16  }
0x39: {  	vm1 =	vgt.s32 v0, $0x0;
	s15 =	sadd.s32 $0x10, s15;
	v2 =	vmov v0;
	(ifvalue) =	ssetifvalue $0x7FFFFFFF;
	v0 =	vld.msk [tilespmem:s16+$0x0 ss:$0x1], $0xffff  }
.Ltmp4:
0x3a: {  	_ = 	snop;
	(pc) =	sbr.rel .LBB2_4-.Ltmp4, $1  }
0x3b: {  	_ =	sdelay $0x3  }
.LBB2_6:
0x3c: {  	_ =	sfence.sel $0x180000  }
0x3d: {  	s2 =	simm.s32 $0x2;
	[bflag:$0x0] =	sbarrier.arrive $0xFFFF  }
0x3e: {  	s30 =	simm.s32 $0x3;
	[sflag:s2] =	ssyncpa.u1 $0x1  }
0x3f: {  	s31 =	simm.s32 $0x1;
	[sflag:s30] =	ssyncpa.u1 $0x1  }
0x40: {  	[sflag:s31] =	ssyncpa.u1 $0x1  }
0x41: {  	p0 =	sne.s32 s1, $0x0;
	_ =	strace $0x90000050  }
0x42: {  	s0 =	sadd.s32 @!p0 $0x100000, s0;
	[bflag:$0x2] =	sbarrier.arrive $0xFFFF  }
0x43: {  	[sflag:s0] =	ssyncadd.tile.s32 @!p0 $0x1;
	_ =	shalt  }
.Lfunc_end2:
_tile_overlayer_lowered:
.L_overlay_start_2:
0x44: {  	(tag) =	ssettag $0x2  }
0x45: {  	s0 =	rddreg [dreg:$0x0];
	s2 =	stileid.u32  }
0x46: {  	s1 =	rddreg [dreg:$0x1];
	p0 =	sne.s32 s2, $0x0  }
0x47: {  	s3 =	rddreg [dreg:$0x2];
	[bflag:$0x3] =	sbarrier.arrive $0xFFFF;
	s2 =	simm.s32 @!p0 $0x1C01  }
0x48: {  	[timem:s3], [sflag:s2] =	dma.local @!p0 [hbm:s0], s1  }
0x49: {  	s0 =	simm.s32 @!p0 $0x1  }
0x4a: {  	_ =	swait.ge @!p0 [sflag:s0], s1  }
0x4b: {  	s1 =	ssub.s32 @!p0 $0x0, s1;
	[sflag:s0] =	ssyncset.done @!p0 $0x0  }
0x4c: {  	[sflag:s0] =	ssyncadd.s32 @!p0 s1  }
0x4d: {  	[bflag:$0x3] =	sbarrier.arrive $0xFFFF  }
0x4e: {  	_ =	shalt  }

// kernel: gather_offload_async_start.7
scs
__scs_entry_jumppad:
0x0: {  	(pc) =	sbr.rel $0x88, $3  }
0x1: {  	(tag) =	ssettag $0x0;
	lr =	simm.s32 $0x1  }
0x2: {  	[smem:$0x3F93] =	sst lr;
	_ =	strace $0xD0000000  }
0x3: {  	_ = 	snop  }
0x4: {  	_ = 	snop  }
0x5: {  	_ = 	snop  }
0x6: {  	_ = 	snop  }
0x7: {  	_ = 	snop  }
__scs_overlays_trampoline_lowered:
0x8: {  	[smem:$0x3FA2] =	sst s0  }
0x9: {  	[smem:$0x3FA3] =	sst s1  }
0xa: {  	[smem:$0x3FA4] =	sst s2  }
0xb: {  	[smem:$0x3FA5] =	sst s3  }
0xc: {  	[smem:$0x3FA6] =	sst s4  }
0xd: {  	[smem:$0x3FA7] =	sst s5  }
0xe: {  	[smem:$0x3FA8] =	sst s6  }
0xf: {  	[smem:$0x3FA9] =	sst s7  }
0x10: {  	[smem:$0x3FAA] =	sst s8  }
0x11: {  	[smem:$0x3FAB] =	sst s9;
	s0 =	simm.s32 @!p0 $0x0  }
0x12: {  	s1 =	sld [smem:$0x3F91];
	s0 =	simm.s32 @p0 $0x1  }
0x13: {  	[smem:$0x3FAC] =	sst s0;
	s0 =	simm.s32 @!p1 $0x0  }
0x14: {  	s2 =	sld [smem:$0x3F90];
	s0 =	simm.s32 @p1 $0x1  }
0x15: {  	[smem:$0x3FAD] =	sst s0;
	s0 =	simm.s32 @!p2 $0x0  }
0x16: {  	s3 =	sld [smem:$0x3FDB];
	s0 =	simm.s32 @p2 $0x1  }
0x17: {  	s4 =	simm.s32 $0x1BF5;
	[smem:$0x3FAF] =	sst s0  }
0x18: {  	s0 =	sld [smem:$0x3F92];
	_ =	swait.ge [sflag:s4], $0x0  }
0x19: {  	s7 =	sld [smem:$0x3F93]  }
0x1a: {  	s8 =	sadd.s32 $0xFFFFE003, lr  }
0x1b: {  	s9 =	sadd.s32 $0xFFFFFEF7, lr;
	s5 =	simm.s32 $0xFFFFFFFF;
	p2 =	slt.u32 s8, $0xFFFFF086  }
0x1c: {  	p1 =	slt.u32 s9, $0xF7A;
	s5 =	simm.s32 @!p2 $0x0  }
0x1d: {  	s5 =	simm.s32 @p1 $0x1;
	p0 =	seq.s32 s7, s2  }
0x1e: {  	s7 =	smul.u32 @!p0 $0xF7A, s2;
	p2 =	seq.s32 @!p0 s5, $0x0  }
0x1f: {  	s9 =	smul.u32 $0xF7A, s1;
	s8 =	simm.s32 @!p0 $0x1BF5;
	p2 =	por !p2, p0  }
0x20: {  	[sflag:s8] =	ssyncset.s32 @!p0 $0xFFFFF086;
	s6 =	sadd.s32 @!p0 s3, s7;
	s7 =	simm.s32 @!p0 $0x108  }
0x21: {  	s3 =	sadd.s32 s3, s9;
	s6 =	sadd.s32 @!p0 $0x88, s6;
	s7 =	simm.s32 @p2 $0x1082  }
0x22: {  	[simem:s7], [sflag:s8] =	dma.local @!p0 [hbm:s6], $0xF7A  }
0x23: {  	s9 =	sor.u32 $0xD0000000, s2;
	s6 =	simm.s32 $0x108;
	_ =	swait.ge @!p0 [sflag:s8], $0x0  }
0x24: {  	s3 =	sadd.s32 $0x88, s3;
	s6 =	simm.s32 @!p1 $0x1082;
	[sflag:s4] =	ssyncset.s32 $0xFFFFF086  }
0x25: {  	[simem:s6], [sflag:s4] =	dma.local [hbm:s3], $0xF7A  }
0x26: {  	[smem:$0x3F93] =	sst s1;
	(tag) =	ssettag s2;
	_ =	strace s9  }
0x27: {  	s1 =	sld [smem:$0x3FA3]  }
0x28: {  	s2 =	sld [smem:$0x3FA4]  }
0x29: {  	s4 =	sld [smem:$0x3FA6]  }
0x2a: {  	p0 =	seq.s32 s5, $0x0;
	s5 =	sld [smem:$0x3FA7]  }
0x2b: {  	s6 =	sld [smem:$0x3FA8]  }
0x2c: {  	s7 =	sld [smem:$0x3FA9]  }
0x2d: {  	s3 =	simm.s32 $0x108;
	s8 =	sld [smem:$0x3FAA]  }
0x2e: {  	s3 =	simm.s32 @!p0 $0x1082;
	s9 =	sld [smem:$0x3FAB]  }
0x2f: {  	lr =	sadd.s32 s0, s3;
	s0 =	sld [smem:$0x3FA2]  }
0x30: {  	s3 =	sld [smem:$0x3FA5]  }
0x31: {  	[smem:$0x3FAE] =	sst s10  }
0x32: {  	s10 =	sld [smem:$0x3FAC];
	_ =	sdelay $0x3  }
0x33: {  	p0 =	seq.s32 s10, $0x1;
	s10 =	sld [smem:$0x3FAE];
	_ =	sdelay $0x3  }
0x34: {  	[smem:$0x3FAE] =	sst s10  }
0x35: {  	s10 =	sld [smem:$0x3FAD];
	_ =	sdelay $0x3  }
0x36: {  	p1 =	seq.s32 s10, $0x1;
	s10 =	sld [smem:$0x3FAE];
	_ =	sdelay $0x3  }
0x37: {  	[smem:$0x3FAE] =	sst s10  }
0x38: {  	s10 =	sld [smem:$0x3FAF]  }
0x39: {  	_ = 	snop;
	(pc) =	sbr.ind lr, $3  }
0x3a: {  	_ = 	snop  }
0x3b: {  	_ = 	snop  }
0x3c: {  	p2 =	seq.s32 s10, $0x1;
	s10 =	sld [smem:$0x3FAE]  }
0x3d: {  	_ =	shalt  }
0x3e: {  	_ =	shalt  }
0x3f: {  	_ =	shalt  }
0x40: {  	_ =	shalt  }
0x41: {  	_ =	shalt  }
0x42: {  	_ =	shalt  }
0x43: {  	_ =	shalt  }
0x44: {  	_ =	shalt  }
0x45: {  	_ =	shalt  }
0x46: {  	_ =	shalt  }
0x47: {  	_ =	shalt  }
0x48: {  	_ =	shalt  }
0x49: {  	_ =	shalt  }
0x4a: {  	_ =	shalt  }
0x4b: {  	_ =	shalt  }
0x4c: {  	_ =	shalt  }
0x4d: {  	_ =	shalt  }
0x4e: {  	_ =	shalt  }
0x4f: {  	_ =	shalt  }
0x50: {  	_ =	shalt  }
0x51: {  	_ =	shalt  }
0x52: {  	_ =	shalt  }
0x53: {  	_ =	shalt  }
0x54: {  	_ =	shalt  }
0x55: {  	_ =	shalt  }
0x56: {  	_ =	shalt  }
0x57: {  	_ =	shalt  }
0x58: {  	_ =	shalt  }
0x59: {  	_ =	shalt  }
0x5a: {  	_ =	shalt  }
0x5b: {  	_ =	shalt  }
0x5c: {  	_ =	shalt  }
0x5d: {  	_ =	shalt  }
0x5e: {  	_ =	shalt  }
0x5f: {  	_ =	shalt  }
0x60: {  	_ =	shalt  }
0x61: {  	_ =	shalt  }
0x62: {  	_ =	shalt  }
0x63: {  	_ =	shalt  }
0x64: {  	_ =	shalt  }
0x65: {  	_ =	shalt  }
0x66: {  	_ =	shalt  }
0x67: {  	_ =	shalt  }
0x68: {  	_ =	shalt  }
0x69: {  	_ =	shalt  }
0x6a: {  	_ =	shalt  }
0x6b: {  	_ =	shalt  }
0x6c: {  	_ =	shalt  }
0x6d: {  	_ =	shalt  }
0x6e: {  	_ =	shalt  }
0x6f: {  	_ =	shalt  }
0x70: {  	_ =	shalt  }
0x71: {  	_ =	shalt  }
0x72: {  	_ =	shalt  }
0x73: {  	_ =	shalt  }
0x74: {  	_ =	shalt  }
0x75: {  	_ =	shalt  }
0x76: {  	_ =	shalt  }
0x77: {  	_ =	shalt  }
0x78: {  	_ =	shalt  }
0x79: {  	_ =	shalt  }
0x7a: {  	_ =	shalt  }
0x7b: {  	_ =	shalt  }
0x7c: {  	_ =	shalt  }
0x7d: {  	_ =	shalt  }
0x7e: {  	_ =	shalt  }
0x7f: {  	_ =	shalt  }
0x80: {  	_ =	shalt  }
0x81: {  	_ =	shalt  }
0x82: {  	_ =	shalt  }
0x83: {  	_ =	shalt  }
0x84: {  	_ =	shalt  }
0x85: {  	_ =	shalt  }
0x86: {  	_ =	shalt  }
0x87: {  	_ =	shalt  }
.Lfunc_end0:
.L_simem_size_0:
called_computation.8_lowered:
.L_overlay_start_0:
0x88: {  	s2 =	sld [smem:$0x3FD9]  }
0x89: {  	s3 =	sld [smem:$0x3FFE];
	_ =	sdelay $0x1  }
0x8a: {  	s1 =	srdreg.scid  }
0x8b: {  	s0 =	sand.u32 $0x1, s1  }
0x8c: {  	s17 =	sshll.u32 s0, $0xA;
	s2 =	sadd.s32 s3, s2  }
0x8d: {  	s2 =	sadd.s32 s2, s17  }
0x8e: {  	[smem:$0x3FBA] =	sst s2  }
0x8f: {  	_ = 	snop  }
0x90: {  	(tm) =	ssettm $0x1  }
0x91: {  	s18 =	sld [smem:$0x3FFB];
	_ =	sdelay $0x3  }
0x92: {  	_ =	strace s18  }
0x93: {  	s2 =	sld [smem:$0x3FFC];
	_ =	sdelay $0x3  }
0x94: {  	_ =	strace s2  }
0x95: {  	s2 =	sld [smem:$0x3FFD];
	_ =	sdelay $0x3  }
0x96: {  	_ =	strace s2  }
0x97: {  	_ =	strace $0x8FFFFFFF  }
0x98: {  	s19 =	sld [smem:$0x3FDB];
	_ =	sdelay $0x1  }
0x99: {  	s20 =	simm.s32 $_scs_section_size  }
0x9a: {  	s4 =	simm.s32 $_size__tile_overlayer_lowered;
	s5 =	simm.s32 $_tile_overlayer_lowered  }
0x9b: {  	s6 =	simm.s32 $0x1BFF;
	s21 =	sshll.u32 s5, $0x1;
	s3 =	sadd.s32 s20, s19  }
0x9c: {  	s22 =	simm.s32 $0x0;
	s4 =	sshll.u32 s4, $0x1;
	s5 =	sadd.s32 s21, s3  }
0x9d: {  	[timem:s22], [sflag:s6] =	dma.local [hbm:s5], s4  }
0x9e: {  	_ =	swait.ge [sflag:s6], s4  }
0x9f: {  	s4 =	ssub.s32 $0x0, s4;
	[sflag:s6] =	ssyncset.done $0x0  }
0xa0: {  	[sflag:s6] =	ssyncadd.s32 s4;
	_ =	sdelay $0x1  }
0xa1: {  	s23 =	simm.s32 $0x1B8B  }
0xa2: {  	_ =	swait.ge [sflag:s23], $0x1  }
0xa3: {  	[sflag:s23] =	ssyncset.done $0x0  }
0xa4: {  	[sflag:s23] =	ssyncadd.s32 $0xFFFFFFFF  }
0xa5: {  	s4 =	sld [smem:$0x0]  }
0xa6: {  	s5 =	sand.u32 $0xFFFFFFFE, s1  }
0xa7: {  	p0 =	sne.s32 s1, s5  }
0xa8: {  	s5 =	sshll.u32 @p0 s5, $0xE  }
0xa9: {  	s5 =	sadd.s32 @p0 $0x11B8D, s5;
	s6 =	sshll.u32 @p0 s4, $0x11  }
0xaa: {  	s5 =	sor.u32 @p0 s6, s5  }
0xab: {  	[sflag:s5] =	ssyncadd.remote.s32 @p0 $0x1;
	_ =	sdelay $0x1  }
0xac: {  	s5 =	simm.s32 @p0 $0x1B8D  }
0xad: {  	_ =	swait.eq @p0 [sflag:s5], $0x1  }
0xae: {  	[sflag:s5] =	ssyncadd.s32 @p0 $0xFFFFFFFF  }
0xaf: {  	s6 =	sshll.u32 @!p0 s1, $0xE  }
0xb0: {  	s6 =	sor.u32 @!p0 $0x4000, s6;
	s5 =	simm.s32 @!p0 $0x1B8D  }
0xb1: {  	s4 =	sshll.u32 @!p0 s4, $0x11;
	s6 =	sadd.s32 @!p0 $0x11B8D, s6;
	_ =	swait.eq @!p0 [sflag:s5], $0x1  }
0xb2: {  	s4 =	sor.u32 @!p0 s4, s6;
	[sflag:s5] =	ssyncadd.s32 @!p0 $0xFFFFFFFF  }
0xb3: {  	s25 =	simm.s32 $0x1B8E;
	s24 =	sld [smem:$0x3FFE];
	[sflag:s4] =	ssyncadd.remote.s32 @!p0 $0x1  }
0xb4: {  	s26 =	simm.s32 $execute0_lowered;
	[smem:$0x3FD2] =	sst s25  }
0xb5: {  	s5 =	sshll.u32 s26, $0x1;
	_ =	strace $0x80000052;
	[dreg:$0x1] =	wrdreg $0xFFFFFFFF  }
0xb6: {  	s28 =	simm.s32 $_size_execute0_lowered;
	s3 =	sadd.s32 s3, s5;
	[dreg:$0x0] =	wrdreg $0x0  }
0xb7: {  	s5 =	sshll.u32 s28, $0x1;
	[dreg:$0x2] =	wrdreg s3  }
0xb8: {  	[dreg:$0x3] =	wrdreg s5  }
0xb9: {  	[dreg:$0x4] =	wrdreg $0xC0  }
0xba: {  	_ =	task [dreg:s22], $0x5FFFF  }
0xbb: {  	[dreg:$0x1] =	wrdreg $0xFFFFFFFF  }
0xbc: {  	[dreg:$0x0] =	wrdreg $0x60  }
0xbd: {  	[dreg:$0x2] =	wrdreg s24  }
0xbe: {  	[dreg:$0x3] =	wrdreg $0xC  }
0xbf: {  	_ =	task.clear_ibuf [dreg:s22], $0x4FFFF;
	_ =	strace $0x90000052  }
0xc0: {  	s29 =	simm.s32 $0xC;
	_ =	strace $0x80000054  }
0xc1: {  	_ =	swait.ge [sflag:s29], $0x1  }
0xc2: {  	[sflag:s29] =	ssyncadd.s32 $0xFFFFFFFF  }
0xc3: {  	_ =	strace $0x90000054  }
0xc4: {  	_ =	sfence  }
0xc5: {  	s30 =	sld [smem:$0x0];
	_ =	sdelay $0x2  }
0xc6: {  	s31 =	sshll.u32 s1, $0xD;
	s1 =	sshrl.u32 s1, $0x2  }
0xc7: {  	s4 =	sand.u32 $0x4000, s31;
	s1 =	sadd.s32 s1, s30  }
0xc8: {  	s0 =	sor.u32 s4, s0;
	s1 =	sshll.u32 s1, $0x11  }
0xc9: {  	s0 =	sor.u32 s1, s0  }
0xca: {  	s0 =	sadd.s32 $0x8F2B, s0  }
0xcb: {  	[sflag:s0] =	ssyncadd.remote.s32 $0x1  }
0xcc: {  	_ =	sfence.sel $0xFFFF  }
0xcd: {  	[dreg:$0x0] =	wrdreg $0xFFFFFFFF;
	(pc) =	sbr.abs _section_cstart, $3  }
0xce: {  	[dreg:$0x1] =	wrdreg $0xFFFFFFFF  }
0xcf: {  	_ =	task.clear_ibuf [dreg:s22], $0x2FFFF;
	_ =	strace $0x9FFFFFFF  }
0xd0: {  	(tm) =	ssettm $0x7FFFFFFF  }
0xd1: {  	_ =	shalt  }
tec
execute0_lowered:
.L_overlay_start_1:
0x0: {  	(tag) =	ssettag $0x1  }
0x1: {  	s8 =	rddreg [dreg:$0x0]  }
0x2: {  	s0 =	rddreg [dreg:$0x1];
	_ =	strace $0x80000053;
	s1 =	stileid.u32  }
0x3: {  	s3 =	srdreg.scid;
	s4 =	simm.s32 $0x1;
	s7 =	simm.s32 $0x1  }
0x4: {  	s9 =	simm.s32 $0x1;
	s10 =	simm.s32 $0x3;
	s13 =	simm.s32 $0x0  }
0x5: {  	s12 =	simm.s32 $0x0;
	s5 =	sand.u32 $0x1, s3;
	s6 =	sshll.u32 s1, $0x1  }
0x6: {  	s2 =	sadd.s32 $0x16A00, s8;
	s3 =	sadd.s32 $0x3E400, s8;
	s5 =	sor.u32 s6, s5  }
.Ltmp0:
0x7: {  	[sflag:s4] =	ssyncpa.u1 $0x0;
	p0 =	slt.u32 s5, $0x9;
	(pc) =	sbr.rel .LBB2_1-.Ltmp0, $4  }
0x8: {  	s6 =	simm.s32 $0x2;
	s7 =	simm.s32 @!p0 $0x0;
	p0 =	sne.s32 s5, $0x8  }
0x9: {  	[sflag:s6] =	ssyncpa.u1 $0x0;
	s5 =	smul.u32 $0x1F40, s5;
	s9 =	simm.s32 @!p0 $0x0  }
0xa: {  	s8 =	sadd.s32 $0x6FA00, s8;
	[sflag:s10] =	ssyncpa.u1 $0x0;
	s7 =	sadd.s32 s9, s7  }
0xb: {  	vm0 =	vmmov $0xffff;
	s10 =	simm.s32 $0x0;
	s11 =	smov.u32 s5;
	s9 =	sadd.s32 $0x1, s7  }
.LBB2_4:
0xc: {  	v2 =	vnsel vm1, $0x0, v2  }
0xd: {  	vm1 =	vgt.s32 v0, $0x0;
	v2 =	vmin.u32 v2, $0x4E1FF  }
0xe: {  	v0 =	vnsel vm1, $0x0, v0  }
0xf: {  	v0 =	vmin.u32 v0, $0x4E1FF  }
0x10: {  	[tilespmem:s18], [sflag:$0x1] =	stream.indirect_vreg.gather [hbm4b:s2+s10], $0x1, v1, vm0, $0x4038;
	[tilespmem:$0x7D00] =	vst v63  }
0x11: {  	(ifvalue) =	ssetifvalue $0x7FFFFFFF  }
0x12: {  	[tilespmem:s15], [sflag:$0x1] =	stream.indirect_vreg.gather [hbm4b:s2+s10], $0x1, v2, vm0, $0x4038;
	[tilespmem:$0x7D00] =	vst v63  }
0x13: {  	s29 =	sadd.s32 $0x10, s15;
	(ifvalue) =	ssetifvalue $0x7FFFFFFF  }
0x14: {  	[tilespmem:s29], [sflag:$0x1] =	stream.indirect_vreg.gather [hbm4b:s2+s10], $0x1, v0, vm0, $0x4038;
	[tilespmem:$0x7D00] =	vst v63  }
0x15: {  	_ =	swait.ge [sflag:s4], $0x1F40  }
0x16: {  	s30 =	sshrl.u32 s13, $0x3;
	[sflag:s4] =	ssyncset.done $0x0  }
0x17: {  	s31 =	sand.u32 $0x7, s13;
	s15 =	sadd.s32 s8, s30;
	[sflag:s4] =	ssyncadd.s32 $0xFFFFE0C0  }
0x18: {  	[hbm4b:s15+s31] =	stream.linear.scatter [tilespmem:s14], [sflag:$0x3], $0x1F40, $0x38;
	[tilespmem:$0x7D00] =	vst v63  }
.LBB2_5:
0x19: {  	s15 =	sadd.s32 $0x3E800, s11  }
0x1a: {  	p1 =	sgt.s32 s15, $0x4E1FF  }
0x1b: {  	s15 =	smov.u32 @p1 s5;
	p1 =	sne.s32 s12, s9  }
.Ltmp1:
0x1c: {  	p0 =	slt.u32 s12, $0x2;
	(pc) =	sbr.rel @!p1 .LBB2_6-.Ltmp1, $4  }
0x1d: {  	s14 =	simm.s32 @!p0 $0x3  }
0x1e: {  	_ =	swait.ge @!p0 [sflag:s14], $0x1F40  }
0x1f: {  	s16 =	sadd.s32 $0x1, s12;
	s13 =	smov.u32 s11;
	[sflag:s14] =	ssyncset.done @!p0 $0x0  }
0x20: {  	s12 =	smov.u32 s16;
	s11 =	smov.u32 s15;
	[sflag:s14] =	ssyncadd.s32 @!p0 $0xFFFFE0C0  }
.LBB2_1:
0x21: {  	p0 =	sge.u32 s12, s7  }
0x22: {  	s14 =	sxor.u32 @!p0 $0x1, s12  }
0x23: {  	s14 =	smul.u32 @!p0 $0x7D00, s14  }
0x24: {  	s31 =	sadd.s32 $0xFFFFFFFF, s12;
	s15 =	sshrl.u32 @!p0 s11, $0x3  }
0x25: {  	s16 =	sand.u32 @!p0 $0x7, s11;
	s15 =	sadd.s32 @!p0 s3, s15;
	s14 =	sshra.s32 @!p0 s14, $0x2  }
0x26: {  	[tilespmem:s14], [sflag:$0x2] =	stream.linear.gather @!p0 [hbm4b:s15+s16], $0x1F40, $0x38;
	[tilespmem:$0x7D00] =	vst v63  }
0x27: {  	p0 =	sge.u32 s31, s7  }
.Ltmp2:
0x28: {  	_ = 	snop;
	(pc) =	sbr.rel @p0 .LBB2_5-.Ltmp2, $1  }
0x29: {  	_ =	sdelay $0x3  }
0x2a: {  	s14 =	sand.u32 $0x1, s12  }
0x2b: {  	_ =	swait.ge [sflag:s6], $0x1F40;
	p0 =	seq.s32 s14, $0x1;
	s14 =	simm.s32 $0x1F40  }
0x2c: {  	[sflag:s6] =	ssyncset.done $0x0;
	s14 =	simm.s32 @!p0 $0x0  }
0x2d: {  	[sflag:s6] =	ssyncadd.s32 $0xFFFFE0C0;
	(ifvalue) =	ssetifvalue $0x7FFFFFFF;
	v0 =	vld.msk [tilespmem:s14+$0x0 ss:$0x1], $0xffff;
	_ =	sdelay $0x4  }
0x2e: {  	s15 =	sadd.s32 $0x10, s14;
	vm1 =	vgt.s32 v0, $0x0  }
0x2f: {  	v2 =	vld.msk [tilespmem:s15+$0x0 ss:$0x1], $0xffff;
	v1 =	vnsel vm1, $0x0, v0  }
0x30: {  	v1 =	vmin.u32 v1, $0x4E1FF;
	_ =	sdelay $0x2  }
0x31: {  	s17 =	simm.s32 $0x20;
	s14 =	sadd.s32 $0x3E80, s14;
	s16 =	sadd.s32 $0x10, s15  }
0x32: {  	s15 =	sadd.s32 $0x10, s14;
	s18 =	smov.u32 s14;
	v0 =	vld.msk [tilespmem:s16+$0x0 ss:$0x1], $0xffff;
	vm1 =	vgt.s32 v2, $0x0;
	(ifvalue) =	ssetifvalue $0x7FFFFFFF  }
.LBB2_3:
0x33: {  	[tilespmem:s18], [sflag:$0x1] =	stream.indirect_vreg.gather [hbm4b:s2+s10], $0x1, v1, vm0, $0x4038;
	[tilespmem:$0x7D00] =	vst v63  }
0x34: {  	s17 =	sadd.s32 $0x10, s17  }
0x35: {  	v2 =	vnsel vm1, $0x0, v2;
	p0 =	slt.u32 s17, $0x1F30  }
.Ltmp3:
0x36: {  	s18 =	smov.u32 s15;
	v1 =	vmin.u32 v2, $0x4E1FF;
	(pc) =	sbr.rel @p0 .LBB2_3-.Ltmp3, $3  }
0x37: {  	_ =	sdelay $0x1  }
0x38: {  	s16 =	sadd.s32 $0x10, s16  }
0x39: {  	vm1 =	vgt.s32 v0, $0x0;
	s15 =	sadd.s32 $0x10, s15;
	v2 =	vmov v0;
	(ifvalue) =	ssetifvalue $0x7FFFFFFF;
	v0 =	vld.msk [tilespmem:s16+$0x0 ss:$0x1], $0xffff  }
.Ltmp4:
0x3a: {  	_ = 	snop;
	(pc) =	sbr.rel .LBB2_4-.Ltmp4, $1  }
0x3b: {  	_ =	sdelay $0x3  }
.LBB2_6:
0x3c: {  	_ =	sfence.sel $0x180000  }
0x3d: {  	s2 =	simm.s32 $0x2;
	[bflag:$0x0] =	sbarrier.arrive $0xFFFF  }
0x3e: {  	s30 =	simm.s32 $0x3;
	[sflag:s2] =	ssyncpa.u1 $0x1  }
0x3f: {  	s31 =	simm.s32 $0x1;
	[sflag:s30] =	ssyncpa.u1 $0x1  }
0x40: {  	[sflag:s31] =	ssyncpa.u1 $0x1  }
0x41: {  	p0 =	sne.s32 s1, $0x0;
	_ =	strace $0x90000053  }
0x42: {  	s0 =	sadd.s32 @!p0 $0x100000, s0;
	[bflag:$0x2] =	sbarrier.arrive $0xFFFF  }
0x43: {  	[sflag:s0] =	ssyncadd.tile.s32 @!p0 $0x1;
	_ =	shalt  }
.Lfunc_end2:
_tile_overlayer_lowered:
.L_overlay_start_2:
0x44: {  	(tag) =	ssettag $0x2  }
0x45: {  	s0 =	rddreg [dreg:$0x0];
	s2 =	stileid.u32  }
0x46: {  	s1 =	rddreg [dreg:$0x1];
	p0 =	sne.s32 s2, $0x0  }
0x47: {  	s3 =	rddreg [dreg:$0x2];
	[bflag:$0x3] =	sbarrier.arrive $0xFFFF;
	s2 =	simm.s32 @!p0 $0x1C01  }
0x48: {  	[timem:s3], [sflag:s2] =	dma.local @!p0 [hbm:s0], s1  }
0x49: {  	s0 =	simm.s32 @!p0 $0x1  }
0x4a: {  	_ =	swait.ge @!p0 [sflag:s0], s1  }
0x4b: {  	s1 =	ssub.s32 @!p0 $0x0, s1;
	[sflag:s0] =	ssyncset.done @!p0 $0x0  }
0x4c: {  	[sflag:s0] =	ssyncadd.s32 @!p0 s1  }
0x4d: {  	[bflag:$0x3] =	sbarrier.arrive $0xFFFF  }
0x4e: {  	_ =	shalt  }

// kernel: gather_offload_async_start
scs
__scs_entry_jumppad:
0x0: {  	(pc) =	sbr.rel $0x88, $3  }
0x1: {  	(tag) =	ssettag $0x0;
	lr =	simm.s32 $0x1  }
0x2: {  	[smem:$0x3F93] =	sst lr;
	_ =	strace $0xD0000000  }
0x3: {  	_ = 	snop  }
0x4: {  	_ = 	snop  }
0x5: {  	_ = 	snop  }
0x6: {  	_ = 	snop  }
0x7: {  	_ = 	snop  }
__scs_overlays_trampoline_lowered:
0x8: {  	[smem:$0x3FA2] =	sst s0  }
0x9: {  	[smem:$0x3FA3] =	sst s1  }
0xa: {  	[smem:$0x3FA4] =	sst s2  }
0xb: {  	[smem:$0x3FA5] =	sst s3  }
0xc: {  	[smem:$0x3FA6] =	sst s4  }
0xd: {  	[smem:$0x3FA7] =	sst s5  }
0xe: {  	[smem:$0x3FA8] =	sst s6  }
0xf: {  	[smem:$0x3FA9] =	sst s7  }
0x10: {  	[smem:$0x3FAA] =	sst s8  }
0x11: {  	[smem:$0x3FAB] =	sst s9;
	s0 =	simm.s32 @!p0 $0x0  }
0x12: {  	s1 =	sld [smem:$0x3F91];
	s0 =	simm.s32 @p0 $0x1  }
0x13: {  	[smem:$0x3FAC] =	sst s0;
	s0 =	simm.s32 @!p1 $0x0  }
0x14: {  	s2 =	sld [smem:$0x3F90];
	s0 =	simm.s32 @p1 $0x1  }
0x15: {  	[smem:$0x3FAD] =	sst s0;
	s0 =	simm.s32 @!p2 $0x0  }
0x16: {  	s3 =	sld [smem:$0x3FDB];
	s0 =	simm.s32 @p2 $0x1  }
0x17: {  	s4 =	simm.s32 $0x1BF5;
	[smem:$0x3FAF] =	sst s0  }
0x18: {  	s0 =	sld [smem:$0x3F92];
	_ =	swait.ge [sflag:s4], $0x0  }
0x19: {  	s7 =	sld [smem:$0x3F93]  }
0x1a: {  	s8 =	sadd.s32 $0xFFFFE003, lr  }
0x1b: {  	s9 =	sadd.s32 $0xFFFFFEF7, lr;
	s5 =	simm.s32 $0xFFFFFFFF;
	p2 =	slt.u32 s8, $0xFFFFF086  }
0x1c: {  	p1 =	slt.u32 s9, $0xF7A;
	s5 =	simm.s32 @!p2 $0x0  }
0x1d: {  	s5 =	simm.s32 @p1 $0x1;
	p0 =	seq.s32 s7, s2  }
0x1e: {  	s7 =	smul.u32 @!p0 $0xF7A, s2;
	p2 =	seq.s32 @!p0 s5, $0x0  }
0x1f: {  	s9 =	smul.u32 $0xF7A, s1;
	s8 =	simm.s32 @!p0 $0x1BF5;
	p2 =	por !p2, p0  }
0x20: {  	[sflag:s8] =	ssyncset.s32 @!p0 $0xFFFFF086;
	s6 =	sadd.s32 @!p0 s3, s7;
	s7 =	simm.s32 @!p0 $0x108  }
0x21: {  	s3 =	sadd.s32 s3, s9;
	s6 =	sadd.s32 @!p0 $0x88, s6;
	s7 =	simm.s32 @p2 $0x1082  }
0x22: {  	[simem:s7], [sflag:s8] =	dma.local @!p0 [hbm:s6], $0xF7A  }
0x23: {  	s9 =	sor.u32 $0xD0000000, s2;
	s6 =	simm.s32 $0x108;
	_ =	swait.ge @!p0 [sflag:s8], $0x0  }
0x24: {  	s3 =	sadd.s32 $0x88, s3;
	s6 =	simm.s32 @!p1 $0x1082;
	[sflag:s4] =	ssyncset.s32 $0xFFFFF086  }
0x25: {  	[simem:s6], [sflag:s4] =	dma.local [hbm:s3], $0xF7A  }
0x26: {  	[smem:$0x3F93] =	sst s1;
	(tag) =	ssettag s2;
	_ =	strace s9  }
0x27: {  	s1 =	sld [smem:$0x3FA3]  }
0x28: {  	s2 =	sld [smem:$0x3FA4]  }
0x29: {  	s4 =	sld [smem:$0x3FA6]  }
0x2a: {  	p0 =	seq.s32 s5, $0x0;
	s5 =	sld [smem:$0x3FA7]  }
0x2b: {  	s6 =	sld [smem:$0x3FA8]  }
0x2c: {  	s7 =	sld [smem:$0x3FA9]  }
0x2d: {  	s3 =	simm.s32 $0x108;
	s8 =	sld [smem:$0x3FAA]  }
0x2e: {  	s3 =	simm.s32 @!p0 $0x1082;
	s9 =	sld [smem:$0x3FAB]  }
0x2f: {  	lr =	sadd.s32 s0, s3;
	s0 =	sld [smem:$0x3FA2]  }
0x30: {  	s3 =	sld [smem:$0x3FA5]  }
0x31: {  	[smem:$0x3FAE] =	sst s10  }
0x32: {  	s10 =	sld [smem:$0x3FAC];
	_ =	sdelay $0x3  }
0x33: {  	p0 =	seq.s32 s10, $0x1;
	s10 =	sld [smem:$0x3FAE];
	_ =	sdelay $0x3  }
0x34: {  	[smem:$0x3FAE] =	sst s10  }
0x35: {  	s10 =	sld [smem:$0x3FAD];
	_ =	sdelay $0x3  }
0x36: {  	p1 =	seq.s32 s10, $0x1;
	s10 =	sld [smem:$0x3FAE];
	_ =	sdelay $0x3  }
0x37: {  	[smem:$0x3FAE] =	sst s10  }
0x38: {  	s10 =	sld [smem:$0x3FAF]  }
0x39: {  	_ = 	snop;
	(pc) =	sbr.ind lr, $3  }
0x3a: {  	_ = 	snop  }
0x3b: {  	_ = 	snop  }
0x3c: {  	p2 =	seq.s32 s10, $0x1;
	s10 =	sld [smem:$0x3FAE]  }
0x3d: {  	_ =	shalt  }
0x3e: {  	_ =	shalt  }
0x3f: {  	_ =	shalt  }
0x40: {  	_ =	shalt  }
0x41: {  	_ =	shalt  }
0x42: {  	_ =	shalt  }
0x43: {  	_ =	shalt  }
0x44: {  	_ =	shalt  }
0x45: {  	_ =	shalt  }
0x46: {  	_ =	shalt  }
0x47: {  	_ =	shalt  }
0x48: {  	_ =	shalt  }
0x49: {  	_ =	shalt  }
0x4a: {  	_ =	shalt  }
0x4b: {  	_ =	shalt  }
0x4c: {  	_ =	shalt  }
0x4d: {  	_ =	shalt  }
0x4e: {  	_ =	shalt  }
0x4f: {  	_ =	shalt  }
0x50: {  	_ =	shalt  }
0x51: {  	_ =	shalt  }
0x52: {  	_ =	shalt  }
0x53: {  	_ =	shalt  }
0x54: {  	_ =	shalt  }
0x55: {  	_ =	shalt  }
0x56: {  	_ =	shalt  }
0x57: {  	_ =	shalt  }
0x58: {  	_ =	shalt  }
0x59: {  	_ =	shalt  }
0x5a: {  	_ =	shalt  }
0x5b: {  	_ =	shalt  }
0x5c: {  	_ =	shalt  }
0x5d: {  	_ =	shalt  }
0x5e: {  	_ =	shalt  }
0x5f: {  	_ =	shalt  }
0x60: {  	_ =	shalt  }
0x61: {  	_ =	shalt  }
0x62: {  	_ =	shalt  }
0x63: {  	_ =	shalt  }
0x64: {  	_ =	shalt  }
0x65: {  	_ =	shalt  }
0x66: {  	_ =	shalt  }
0x67: {  	_ =	shalt  }
0x68: {  	_ =	shalt  }
0x69: {  	_ =	shalt  }
0x6a: {  	_ =	shalt  }
0x6b: {  	_ =	shalt  }
0x6c: {  	_ =	shalt  }
0x6d: {  	_ =	shalt  }
0x6e: {  	_ =	shalt  }
0x6f: {  	_ =	shalt  }
0x70: {  	_ =	shalt  }
0x71: {  	_ =	shalt  }
0x72: {  	_ =	shalt  }
0x73: {  	_ =	shalt  }
0x74: {  	_ =	shalt  }
0x75: {  	_ =	shalt  }
0x76: {  	_ =	shalt  }
0x77: {  	_ =	shalt  }
0x78: {  	_ =	shalt  }
0x79: {  	_ =	shalt  }
0x7a: {  	_ =	shalt  }
0x7b: {  	_ =	shalt  }
0x7c: {  	_ =	shalt  }
0x7d: {  	_ =	shalt  }
0x7e: {  	_ =	shalt  }
0x7f: {  	_ =	shalt  }
0x80: {  	_ =	shalt  }
0x81: {  	_ =	shalt  }
0x82: {  	_ =	shalt  }
0x83: {  	_ =	shalt  }
0x84: {  	_ =	shalt  }
0x85: {  	_ =	shalt  }
0x86: {  	_ =	shalt  }
0x87: {  	_ =	shalt  }
.Lfunc_end0:
.L_simem_size_0:
called_computation.1_lowered:
.L_overlay_start_0:
0x88: {  	s2 =	sld [smem:$0x3FD9]  }
0x89: {  	s3 =	sld [smem:$0x3FFE];
	_ =	sdelay $0x1  }
0x8a: {  	s1 =	srdreg.scid  }
0x8b: {  	s0 =	sand.u32 $0x1, s1  }
0x8c: {  	s16 =	sshll.u32 s0, $0xA;
	s2 =	sadd.s32 s3, s2  }
0x8d: {  	s2 =	sadd.s32 s2, s16  }
0x8e: {  	[smem:$0x3FBA] =	sst s2  }
0x8f: {  	_ = 	snop  }
0x90: {  	(tm) =	ssettm $0x1  }
0x91: {  	s17 =	sld [smem:$0x3FFB];
	_ =	sdelay $0x3  }
0x92: {  	_ =	strace s17  }
0x93: {  	s2 =	sld [smem:$0x3FFC];
	_ =	sdelay $0x3  }
0x94: {  	_ =	strace s2  }
0x95: {  	s2 =	sld [smem:$0x3FFD];
	_ =	sdelay $0x3  }
0x96: {  	_ =	strace s2  }
0x97: {  	_ =	strace $0x8FFFFFFF  }
0x98: {  	s18 =	sld [smem:$0x3FDB];
	_ =	sdelay $0x1  }
0x99: {  	s19 =	simm.s32 $_scs_section_size  }
0x9a: {  	s4 =	simm.s32 $_size__tile_overlayer_lowered;
	s5 =	simm.s32 $_tile_overlayer_lowered  }
0x9b: {  	s22 =	simm.s32 $0x1BFF;
	s21 =	sshll.u32 s5, $0x1;
	s2 =	sadd.s32 s19, s18  }
0x9c: {  	s6 =	simm.s32 $0x0;
	s20 =	sshll.u32 s4, $0x1;
	s4 =	sadd.s32 s21, s2  }
0x9d: {  	[timem:s6], [sflag:s22] =	dma.local [hbm:s4], s20  }
0x9e: {  	_ =	swait.ge [sflag:s22], s20  }
0x9f: {  	s3 =	ssub.s32 $0x0, s20;
	[sflag:s22] =	ssyncset.done $0x0  }
0xa0: {  	[sflag:s22] =	ssyncadd.s32 s3;
	_ =	sdelay $0x1  }
0xa1: {  	s23 =	simm.s32 $0x1B8B  }
0xa2: {  	_ =	swait.ge [sflag:s23], $0x1  }
0xa3: {  	[sflag:s23] =	ssyncset.done $0x0  }
0xa4: {  	s25 =	simm.s32 $0x1B8E;
	s24 =	sld [smem:$0x3FFE];
	[sflag:s23] =	ssyncadd.s32 $0xFFFFFFFF  }
0xa5: {  	s26 =	simm.s32 $execute0_lowered;
	[smem:$0x3FD2] =	sst s25  }
0xa6: {  	s4 =	sshll.u32 s26, $0x1;
	_ =	strace $0x80000064;
	[dreg:$0x1] =	wrdreg $0xFFFFFFFF  }
0xa7: {  	s28 =	simm.s32 $_size_execute0_lowered;
	s2 =	sadd.s32 s2, s4;
	[dreg:$0x0] =	wrdreg $0x0  }
0xa8: {  	s4 =	sshll.u32 s28, $0x1;
	[dreg:$0x2] =	wrdreg s2  }
0xa9: {  	[dreg:$0x3] =	wrdreg s4  }
0xaa: {  	[dreg:$0x4] =	wrdreg $0xC0  }
0xab: {  	_ =	task [dreg:s6], $0x5FFFF  }
0xac: {  	[dreg:$0x1] =	wrdreg $0xFFFFFFFF  }
0xad: {  	[dreg:$0x0] =	wrdreg $0x60  }
0xae: {  	[dreg:$0x2] =	wrdreg s24  }
0xaf: {  	[dreg:$0x3] =	wrdreg $0x9  }
0xb0: {  	_ =	task.clear_ibuf [dreg:s6], $0x4FFFF;
	_ =	strace $0x90000064  }
0xb1: {  	s29 =	simm.s32 $0x9;
	_ =	strace $0x80000066  }
0xb2: {  	_ =	swait.ge [sflag:s29], $0x1  }
0xb3: {  	[sflag:s29] =	ssyncadd.s32 $0xFFFFFFFF  }
0xb4: {  	_ =	strace $0x90000066  }
0xb5: {  	_ =	sfence  }
0xb6: {  	s30 =	sld [smem:$0x0];
	_ =	sdelay $0x2  }
0xb7: {  	s31 =	sshll.u32 s1, $0xD;
	s1 =	sshrl.u32 s1, $0x2  }
0xb8: {  	s3 =	sand.u32 $0x4000, s31;
	s1 =	sadd.s32 s1, s30  }
0xb9: {  	s0 =	sor.u32 s3, s0;
	s1 =	sshll.u32 s1, $0x11  }
0xba: {  	s0 =	sor.u32 s1, s0  }
0xbb: {  	s0 =	sadd.s32 $0x8F2B, s0  }
0xbc: {  	[sflag:s0] =	ssyncadd.remote.s32 $0x1  }
0xbd: {  	_ =	sfence.sel $0xFFFF  }
0xbe: {  	[dreg:$0x0] =	wrdreg $0xFFFFFFFF;
	(pc) =	sbr.abs _section_cstart, $3  }
0xbf: {  	[dreg:$0x1] =	wrdreg $0xFFFFFFFF  }
0xc0: {  	_ =	task.clear_ibuf [dreg:s6], $0x2FFFF;
	_ =	strace $0x9FFFFFFF  }
0xc1: {  	(tm) =	ssettm $0x7FFFFFFF  }
tec
execute0_lowered:
.L_overlay_start_1:
0x0: {  	(tag) =	ssettag $0x1  }
0x1: {  	s8 =	rddreg [dreg:$0x0]  }
0x2: {  	s0 =	rddreg [dreg:$0x1];
	_ =	strace $0x80000065;
	s1 =	stileid.u32  }
0x3: {  	s3 =	srdreg.scid;
	s4 =	simm.s32 $0x1;
	s7 =	simm.s32 $0x1  }
0x4: {  	s9 =	simm.s32 $0x1;
	s10 =	simm.s32 $0x3;
	s13 =	simm.s32 $0x0  }
0x5: {  	s12 =	simm.s32 $0x0;
	s5 =	sand.u32 $0x1, s3;
	s6 =	sshll.u32 s1, $0x1  }
0x6: {  	s2 =	sadd.s32 $0x2A600, s8;
	s3 =	sadd.s32 $0x2A00, s8;
	s5 =	sor.u32 s6, s5  }
.Ltmp0:
0x7: {  	[sflag:s4] =	ssyncpa.u1 $0x0;
	p0 =	slt.u32 s5, $0x9;
	(pc) =	sbr.rel .LBB2_1-.Ltmp0, $4  }
0x8: {  	s6 =	simm.s32 $0x2;
	s7 =	simm.s32 @!p0 $0x0;
	p0 =	sne.s32 s5, $0x8  }
0x9: {  	[sflag:s6] =	ssyncpa.u1 $0x0;
	s5 =	smul.u32 $0x1F40, s5;
	s9 =	simm.s32 @!p0 $0x0  }
0xa: {  	s8 =	sadd.s32 $0x3E400, s8;
	[sflag:s10] =	ssyncpa.u1 $0x0;
	s7 =	sadd.s32 s9, s7  }
0xb: {  	vm0 =	vmmov $0xffff;
	s10 =	simm.s32 $0x0;
	s11 =	smov.u32 s5;
	s9 =	sadd.s32 $0x1, s7  }
.LBB2_4:
0xc: {  	v2 =	vnsel vm1, $0x0, v2  }
0xd: {  	vm1 =	vgt.s32 v0, $0x0;
	v2 =	vmin.u32 v2, $0x4E1FF  }
0xe: {  	v0 =	vnsel vm1, $0x0, v0  }
0xf: {  	v0 =	vmin.u32 v0, $0x4E1FF  }
0x10: {  	[tilespmem:s18], [sflag:$0x1] =	stream.indirect_vreg.gather [hbm4b:s2+s10], $0x1, v1, vm0, $0x4038;
	[tilespmem:$0x7D00] =	vst v63  }
0x11: {  	(ifvalue) =	ssetifvalue $0x7FFFFFFF  }
0x12: {  	[tilespmem:s15], [sflag:$0x1] =	stream.indirect_vreg.gather [hbm4b:s2+s10], $0x1, v2, vm0, $0x4038;
	[tilespmem:$0x7D00] =	vst v63  }
0x13: {  	s29 =	sadd.s32 $0x10, s15;
	(ifvalue) =	ssetifvalue $0x7FFFFFFF  }
0x14: {  	[tilespmem:s29], [sflag:$0x1] =	stream.indirect_vreg.gather [hbm4b:s2+s10], $0x1, v0, vm0, $0x4038;
	[tilespmem:$0x7D00] =	vst v63  }
0x15: {  	_ =	swait.ge [sflag:s4], $0x1F40  }
0x16: {  	s30 =	sshrl.u32 s13, $0x3;
	[sflag:s4] =	ssyncset.done $0x0  }
0x17: {  	s31 =	sand.u32 $0x7, s13;
	s15 =	sadd.s32 s8, s30;
	[sflag:s4] =	ssyncadd.s32 $0xFFFFE0C0  }
0x18: {  	[hbm4b:s15+s31] =	stream.linear.scatter [tilespmem:s14], [sflag:$0x3], $0x1F40, $0x38;
	[tilespmem:$0x7D00] =	vst v63  }
.LBB2_5:
0x19: {  	s15 =	sadd.s32 $0x3E800, s11  }
0x1a: {  	p1 =	sgt.s32 s15, $0x4E1FF  }
0x1b: {  	s15 =	smov.u32 @p1 s5;
	p1 =	sne.s32 s12, s9  }
.Ltmp1:
0x1c: {  	p0 =	slt.u32 s12, $0x2;
	(pc) =	sbr.rel @!p1 .LBB2_6-.Ltmp1, $4  }
0x1d: {  	s14 =	simm.s32 @!p0 $0x3  }
0x1e: {  	_ =	swait.ge @!p0 [sflag:s14], $0x1F40  }
0x1f: {  	s16 =	sadd.s32 $0x1, s12;
	s13 =	smov.u32 s11;
	[sflag:s14] =	ssyncset.done @!p0 $0x0  }
0x20: {  	s12 =	smov.u32 s16;
	s11 =	smov.u32 s15;
	[sflag:s14] =	ssyncadd.s32 @!p0 $0xFFFFE0C0  }
.LBB2_1:
0x21: {  	p0 =	sge.u32 s12, s7  }
0x22: {  	s14 =	sxor.u32 @!p0 $0x1, s12  }
0x23: {  	s14 =	smul.u32 @!p0 $0x7D00, s14  }
0x24: {  	s31 =	sadd.s32 $0xFFFFFFFF, s12;
	s15 =	sshrl.u32 @!p0 s11, $0x3  }
0x25: {  	s16 =	sand.u32 @!p0 $0x7, s11;
	s15 =	sadd.s32 @!p0 s3, s15;
	s14 =	sshra.s32 @!p0 s14, $0x2  }
0x26: {  	[tilespmem:s14], [sflag:$0x2] =	stream.linear.gather @!p0 [hbm4b:s15+s16], $0x1F40, $0x38;
	[tilespmem:$0x7D00] =	vst v63  }
0x27: {  	p0 =	sge.u32 s31, s7  }
.Ltmp2:
0x28: {  	_ = 	snop;
	(pc) =	sbr.rel @p0 .LBB2_5-.Ltmp2, $1  }
0x29: {  	_ =	sdelay $0x3  }
0x2a: {  	s14 =	sand.u32 $0x1, s12  }
0x2b: {  	_ =	swait.ge [sflag:s6], $0x1F40;
	p0 =	seq.s32 s14, $0x1;
	s14 =	simm.s32 $0x1F40  }
0x2c: {  	[sflag:s6] =	ssyncset.done $0x0;
	s14 =	simm.s32 @!p0 $0x0  }
0x2d: {  	[sflag:s6] =	ssyncadd.s32 $0xFFFFE0C0;
	(ifvalue) =	ssetifvalue $0x7FFFFFFF;
	v0 =	vld.msk [tilespmem:s14+$0x0 ss:$0x1], $0xffff;
	_ =	sdelay $0x4  }
0x2e: {  	s15 =	sadd.s32 $0x10, s14;
	vm1 =	vgt.s32 v0, $0x0  }
0x2f: {  	v2 =	vld.msk [tilespmem:s15+$0x0 ss:$0x1], $0xffff;
	v1 =	vnsel vm1, $0x0, v0  }
0x30: {  	v1 =	vmin.u32 v1, $0x4E1FF;
	_ =	sdelay $0x2  }
0x31: {  	s17 =	simm.s32 $0x20;
	s14 =	sadd.s32 $0x3E80, s14;
	s16 =	sadd.s32 $0x10, s15  }
0x32: {  	s15 =	sadd.s32 $0x10, s14;
	s18 =	smov.u32 s14;
	v0 =	vld.msk [tilespmem:s16+$0x0 ss:$0x1], $0xffff;
	vm1 =	vgt.s32 v2, $0x0;
	(ifvalue) =	ssetifvalue $0x7FFFFFFF  }
.LBB2_3:
0x33: {  	[tilespmem:s18], [sflag:$0x1] =	stream.indirect_vreg.gather [hbm4b:s2+s10], $0x1, v1, vm0, $0x4038;
	[tilespmem:$0x7D00] =	vst v63  }
0x34: {  	s17 =	sadd.s32 $0x10, s17  }
0x35: {  	v2 =	vnsel vm1, $0x0, v2;
	p0 =	slt.u32 s17, $0x1F30  }
.Ltmp3:
0x36: {  	s18 =	smov.u32 s15;
	v1 =	vmin.u32 v2, $0x4E1FF;
	(pc) =	sbr.rel @p0 .LBB2_3-.Ltmp3, $3  }
0x37: {  	_ =	sdelay $0x1  }
0x38: {  	s16 =	sadd.s32 $0x10, s16  }
0x39: {  	vm1 =	vgt.s32 v0, $0x0;
	s15 =	sadd.s32 $0x10, s15;
	v2 =	vmov v0;
	(ifvalue) =	ssetifvalue $0x7FFFFFFF;
	v0 =	vld.msk [tilespmem:s16+$0x0 ss:$0x1], $0xffff  }
.Ltmp4:
0x3a: {  	_ = 	snop;
	(pc) =	sbr.rel .LBB2_4-.Ltmp4, $1  }
0x3b: {  	_ =	sdelay $0x3  }
.LBB2_6:
0x3c: {  	_ =	sfence.sel $0x180000  }
0x3d: {  	s2 =	simm.s32 $0x2;
	[bflag:$0x0] =	sbarrier.arrive $0xFFFF  }
0x3e: {  	s30 =	simm.s32 $0x3;
	[sflag:s2] =	ssyncpa.u1 $0x1  }
0x3f: {  	s31 =	simm.s32 $0x1;
	[sflag:s30] =	ssyncpa.u1 $0x1  }
0x40: {  	[sflag:s31] =	ssyncpa.u1 $0x1  }
0x41: {  	p0 =	sne.s32 s1, $0x0;
	_ =	strace $0x90000065  }
0x42: {  	s0 =	sadd.s32 @!p0 $0x100000, s0;
	[bflag:$0x2] =	sbarrier.arrive $0xFFFF  }
0x43: {  	[sflag:s0] =	ssyncadd.tile.s32 @!p0 $0x1;
	_ =	shalt  }
.Lfunc_end2:
_tile_overlayer_lowered:
.L_overlay_start_2:
0x44: {  	(tag) =	ssettag $0x2  }
0x45: {  	s0 =	rddreg [dreg:$0x0];
	s2 =	stileid.u32  }
0x46: {  	s1 =	rddreg [dreg:$0x1];
	p0 =	sne.s32 s2, $0x0  }
0x47: {  	s3 =	rddreg [dreg:$0x2];
	[bflag:$0x3] =	sbarrier.arrive $0xFFFF;
	s2 =	simm.s32 @!p0 $0x1C01  }
0x48: {  	[timem:s3], [sflag:s2] =	dma.local @!p0 [hbm:s0], s1  }
0x49: {  	s0 =	simm.s32 @!p0 $0x1  }
0x4a: {  	_ =	swait.ge @!p0 [sflag:s0], s1  }
0x4b: {  	s1 =	ssub.s32 @!p0 $0x0, s1;
	[sflag:s0] =	ssyncset.done @!p0 $0x0  }
0x4c: {  	[sflag:s0] =	ssyncadd.s32 @!p0 s1  }
0x4d: {  	[bflag:$0x3] =	sbarrier.arrive $0xFFFF  }
0x4e: {  	_ =	shalt  }

// kernel: kernel.11.cloned.1.call-start
scs
__scs_entry_jumppad:
0x0: {  	(pc) =	sbr.rel $0x88, $3  }
0x1: {  	(tag) =	ssettag $0x0;
	lr =	simm.s32 $0x1  }
0x2: {  	[smem:$0x3F93] =	sst lr;
	_ =	strace $0xD0000000  }
0x3: {  	_ = 	snop  }
0x4: {  	_ = 	snop  }
0x5: {  	_ = 	snop  }
0x6: {  	_ = 	snop  }
0x7: {  	_ = 	snop  }
__scs_overlays_trampoline_lowered:
0x8: {  	[smem:$0x3FA2] =	sst s0  }
0x9: {  	[smem:$0x3FA3] =	sst s1  }
0xa: {  	[smem:$0x3FA4] =	sst s2  }
0xb: {  	[smem:$0x3FA5] =	sst s3  }
0xc: {  	[smem:$0x3FA6] =	sst s4  }
0xd: {  	[smem:$0x3FA7] =	sst s5  }
0xe: {  	[smem:$0x3FA8] =	sst s6  }
0xf: {  	[smem:$0x3FA9] =	sst s7  }
0x10: {  	[smem:$0x3FAA] =	sst s8  }
0x11: {  	[smem:$0x3FAB] =	sst s9;
	s0 =	simm.s32 @!p0 $0x0  }
0x12: {  	s1 =	sld [smem:$0x3F91];
	s0 =	simm.s32 @p0 $0x1  }
0x13: {  	[smem:$0x3FAC] =	sst s0;
	s0 =	simm.s32 @!p1 $0x0  }
0x14: {  	s2 =	sld [smem:$0x3F90];
	s0 =	simm.s32 @p1 $0x1  }
0x15: {  	[smem:$0x3FAD] =	sst s0;
	s0 =	simm.s32 @!p2 $0x0  }
0x16: {  	s3 =	sld [smem:$0x3FDB];
	s0 =	simm.s32 @p2 $0x1  }
0x17: {  	s4 =	simm.s32 $0x1BF5;
	[smem:$0x3FAF] =	sst s0  }
0x18: {  	s0 =	sld [smem:$0x3F92];
	_ =	swait.ge [sflag:s4], $0x0  }
0x19: {  	s7 =	sld [smem:$0x3F93]  }
0x1a: {  	s8 =	sadd.s32 $0xFFFFE003, lr  }
0x1b: {  	s9 =	sadd.s32 $0xFFFFFEF7, lr;
	s5 =	simm.s32 $0xFFFFFFFF;
	p2 =	slt.u32 s8, $0xFFFFF086  }
0x1c: {  	p1 =	slt.u32 s9, $0xF7A;
	s5 =	simm.s32 @!p2 $0x0  }
0x1d: {  	s5 =	simm.s32 @p1 $0x1;
	p0 =	seq.s32 s7, s2  }
0x1e: {  	s7 =	smul.u32 @!p0 $0xF7A, s2;
	p2 =	seq.s32 @!p0 s5, $0x0  }
0x1f: {  	s9 =	smul.u32 $0xF7A, s1;
	s8 =	simm.s32 @!p0 $0x1BF5;
	p2 =	por !p2, p0  }
0x20: {  	[sflag:s8] =	ssyncset.s32 @!p0 $0xFFFFF086;
	s6 =	sadd.s32 @!p0 s3, s7;
	s7 =	simm.s32 @!p0 $0x108  }
0x21: {  	s3 =	sadd.s32 s3, s9;
	s6 =	sadd.s32 @!p0 $0x88, s6;
	s7 =	simm.s32 @p2 $0x1082  }
0x22: {  	[simem:s7], [sflag:s8] =	dma.local @!p0 [hbm:s6], $0xF7A  }
0x23: {  	s9 =	sor.u32 $0xD0000000, s2;
	s6 =	simm.s32 $0x108;
	_ =	swait.ge @!p0 [sflag:s8], $0x0  }
0x24: {  	s3 =	sadd.s32 $0x88, s3;
	s6 =	simm.s32 @!p1 $0x1082;
	[sflag:s4] =	ssyncset.s32 $0xFFFFF086  }
0x25: {  	[simem:s6], [sflag:s4] =	dma.local [hbm:s3], $0xF7A  }
0x26: {  	[smem:$0x3F93] =	sst s1;
	(tag) =	ssettag s2;
	_ =	strace s9  }
0x27: {  	s1 =	sld [smem:$0x3FA3]  }
0x28: {  	s2 =	sld [smem:$0x3FA4]  }
0x29: {  	s4 =	sld [smem:$0x3FA6]  }
0x2a: {  	p0 =	seq.s32 s5, $0x0;
	s5 =	sld [smem:$0x3FA7]  }
0x2b: {  	s6 =	sld [smem:$0x3FA8]  }
0x2c: {  	s7 =	sld [smem:$0x3FA9]  }
0x2d: {  	s3 =	simm.s32 $0x108;
	s8 =	sld [smem:$0x3FAA]  }
0x2e: {  	s3 =	simm.s32 @!p0 $0x1082;
	s9 =	sld [smem:$0x3FAB]  }
0x2f: {  	lr =	sadd.s32 s0, s3;
	s0 =	sld [smem:$0x3FA2]  }
0x30: {  	s3 =	sld [smem:$0x3FA5]  }
0x31: {  	[smem:$0x3FAE] =	sst s10  }
0x32: {  	s10 =	sld [smem:$0x3FAC];
	_ =	sdelay $0x3  }
0x33: {  	p0 =	seq.s32 s10, $0x1;
	s10 =	sld [smem:$0x3FAE];
	_ =	sdelay $0x3  }
0x34: {  	[smem:$0x3FAE] =	sst s10  }
0x35: {  	s10 =	sld [smem:$0x3FAD];
	_ =	sdelay $0x3  }
0x36: {  	p1 =	seq.s32 s10, $0x1;
	s10 =	sld [smem:$0x3FAE];
	_ =	sdelay $0x3  }
0x37: {  	[smem:$0x3FAE] =	sst s10  }
0x38: {  	s10 =	sld [smem:$0x3FAF]  }
0x39: {  	_ = 	snop;
	(pc) =	sbr.ind lr, $3  }
0x3a: {  	_ = 	snop  }
0x3b: {  	_ = 	snop  }
0x3c: {  	p2 =	seq.s32 s10, $0x1;
	s10 =	sld [smem:$0x3FAE]  }
0x3d: {  	_ =	shalt  }
0x3e: {  	_ =	shalt  }
0x3f: {  	_ =	shalt  }
0x40: {  	_ =	shalt  }
0x41: {  	_ =	shalt  }
0x42: {  	_ =	shalt  }
0x43: {  	_ =	shalt  }
0x44: {  	_ =	shalt  }
0x45: {  	_ =	shalt  }
0x46: {  	_ =	shalt  }
0x47: {  	_ =	shalt  }
0x48: {  	_ =	shalt  }
0x49: {  	_ =	shalt  }
0x4a: {  	_ =	shalt  }
0x4b: {  	_ =	shalt  }
0x4c: {  	_ =	shalt  }
0x4d: {  	_ =	shalt  }
0x4e: {  	_ =	shalt  }
0x4f: {  	_ =	shalt  }
0x50: {  	_ =	shalt  }
0x51: {  	_ =	shalt  }
0x52: {  	_ =	shalt  }
0x53: {  	_ =	shalt  }
0x54: {  	_ =	shalt  }
0x55: {  	_ =	shalt  }
0x56: {  	_ =	shalt  }
0x57: {  	_ =	shalt  }
0x58: {  	_ =	shalt  }
0x59: {  	_ =	shalt  }
0x5a: {  	_ =	shalt  }
0x5b: {  	_ =	shalt  }
0x5c: {  	_ =	shalt  }
0x5d: {  	_ =	shalt  }
0x5e: {  	_ =	shalt  }
0x5f: {  	_ =	shalt  }
0x60: {  	_ =	shalt  }
0x61: {  	_ =	shalt  }
0x62: {  	_ =	shalt  }
0x63: {  	_ =	shalt  }
0x64: {  	_ =	shalt  }
0x65: {  	_ =	shalt  }
0x66: {  	_ =	shalt  }
0x67: {  	_ =	shalt  }
0x68: {  	_ =	shalt  }
0x69: {  	_ =	shalt  }
0x6a: {  	_ =	shalt  }
0x6b: {  	_ =	shalt  }
0x6c: {  	_ =	shalt  }
0x6d: {  	_ =	shalt  }
0x6e: {  	_ =	shalt  }
0x6f: {  	_ =	shalt  }
0x70: {  	_ =	shalt  }
0x71: {  	_ =	shalt  }
0x72: {  	_ =	shalt  }
0x73: {  	_ =	shalt  }
0x74: {  	_ =	shalt  }
0x75: {  	_ =	shalt  }
0x76: {  	_ =	shalt  }
0x77: {  	_ =	shalt  }
0x78: {  	_ =	shalt  }
0x79: {  	_ =	shalt  }
0x7a: {  	_ =	shalt  }
0x7b: {  	_ =	shalt  }
0x7c: {  	_ =	shalt  }
0x7d: {  	_ =	shalt  }
0x7e: {  	_ =	shalt  }
0x7f: {  	_ =	shalt  }
0x80: {  	_ =	shalt  }
0x81: {  	_ =	shalt  }
0x82: {  	_ =	shalt  }
0x83: {  	_ =	shalt  }
0x84: {  	_ =	shalt  }
0x85: {  	_ =	shalt  }
0x86: {  	_ =	shalt  }
0x87: {  	_ =	shalt  }
.Lfunc_end0:
.L_simem_size_0:
called_computation.9_lowered:
.L_overlay_start_0:
0x88: {  	s2 =	sld [smem:$0x3FD9]  }
0x89: {  	s3 =	sld [smem:$0x3FFE];
	_ =	sdelay $0x1  }
0x8a: {  	s1 =	srdreg.scid  }
0x8b: {  	s0 =	sand.u32 $0x1, s1  }
0x8c: {  	s15 =	sshll.u32 s0, $0xA;
	s2 =	sadd.s32 s3, s2  }
0x8d: {  	s2 =	sadd.s32 s2, s15  }
0x8e: {  	[smem:$0x3FBA] =	sst s2  }
0x8f: {  	_ = 	snop  }
0x90: {  	s2 =	sld [smem:$0x3FD0];
	_ =	sdelay $0x2  }
0x91: {  	s16 =	simm.s32 $0xF;
	s4 =	simm.s32 $0x10  }
0x92: {  	[smem:s4], [sflag:s16] =	dma.local [hbm:s2], $0x1  }
0x93: {  	_ =	swait.eq [sflag:s16], $0x1  }
0x94: {  	[sflag:s16] =	ssyncset.done $0x0  }
0x95: {  	[sflag:s16] =	ssyncadd.s32 $0xFFFFFFFF  }
0x96: {  	s17 =	sld [smem:$0x10];
	(tm) =	ssettm $0x1  }
0x97: {  	s18 =	sld [smem:$0x3FFB];
	_ =	sdelay $0x3  }
0x98: {  	_ =	strace s18  }
0x99: {  	s2 =	sld [smem:$0x3FFC];
	_ =	sdelay $0x3  }
0x9a: {  	_ =	strace s2  }
0x9b: {  	s2 =	sld [smem:$0x3FFD];
	_ =	sdelay $0x3  }
0x9c: {  	_ =	strace s2  }
0x9d: {  	_ =	strace $0x8FFFFFFF  }
0x9e: {  	s19 =	sld [smem:$0x3FDB];
	_ =	sdelay $0x1  }
0x9f: {  	s20 =	simm.s32 $_scs_section_size  }
0xa0: {  	s5 =	simm.s32 $_size__tile_overlayer_lowered;
	s6 =	simm.s32 $_tile_overlayer_lowered  }
0xa1: {  	s7 =	simm.s32 $0x1BFF;
	s21 =	sshll.u32 s6, $0x1;
	s4 =	sadd.s32 s20, s19  }
0xa2: {  	s22 =	simm.s32 $0x0;
	s5 =	sshll.u32 s5, $0x1;
	s6 =	sadd.s32 s21, s4  }
0xa3: {  	[timem:s22], [sflag:s7] =	dma.local [hbm:s6], s5  }
0xa4: {  	_ =	swait.ge [sflag:s7], s5  }
0xa5: {  	s5 =	ssub.s32 $0x0, s5;
	[sflag:s7] =	ssyncset.done $0x0  }
0xa6: {  	[sflag:s7] =	ssyncadd.s32 s5;
	_ =	sdelay $0x1  }
0xa7: {  	s23 =	simm.s32 $0x1B8B  }
0xa8: {  	_ =	swait.ge [sflag:s23], $0x1  }
0xa9: {  	[sflag:s23] =	ssyncset.done $0x0  }
0xaa: {  	[sflag:s23] =	ssyncadd.s32 $0xFFFFFFFF  }
0xab: {  	s5 =	sld [smem:$0x0]  }
0xac: {  	s6 =	sand.u32 $0xFFFFFFFE, s1  }
0xad: {  	p0 =	sne.s32 s1, s6  }
0xae: {  	s6 =	sshll.u32 @p0 s6, $0xE  }
0xaf: {  	s6 =	sadd.s32 @p0 $0x11B8D, s6;
	s7 =	sshll.u32 @p0 s5, $0x11  }
0xb0: {  	s6 =	sor.u32 @p0 s7, s6  }
0xb1: {  	[sflag:s6] =	ssyncadd.remote.s32 @p0 $0x1;
	_ =	sdelay $0x1  }
0xb2: {  	s6 =	simm.s32 @p0 $0x1B8D  }
0xb3: {  	_ =	swait.eq @p0 [sflag:s6], $0x1  }
0xb4: {  	[sflag:s6] =	ssyncadd.s32 @p0 $0xFFFFFFFF  }
0xb5: {  	s7 =	sshll.u32 @!p0 s1, $0xE  }
0xb6: {  	s7 =	sor.u32 @!p0 $0x4000, s7;
	s6 =	simm.s32 @!p0 $0x1B8D  }
0xb7: {  	s5 =	sshll.u32 @!p0 s5, $0x11;
	s7 =	sadd.s32 @!p0 $0x11B8D, s7;
	_ =	swait.eq @!p0 [sflag:s6], $0x1  }
0xb8: {  	s5 =	sor.u32 @!p0 s5, s7;
	[sflag:s6] =	ssyncadd.s32 @!p0 $0xFFFFFFFF  }
0xb9: {  	s25 =	simm.s32 $0x1B8E;
	s24 =	sld [smem:$0x3FFE];
	[sflag:s5] =	ssyncadd.remote.s32 @!p0 $0x1  }
0xba: {  	s26 =	simm.s32 $execute0_lowered;
	[smem:$0x3FD2] =	sst s25  }
0xbb: {  	s6 =	sshll.u32 s26, $0x1;
	_ =	strace $0x8000005B;
	[dreg:$0x1] =	wrdreg $0xFFFFFFFF  }
0xbc: {  	s28 =	simm.s32 $_size_execute0_lowered;
	s4 =	sadd.s32 s4, s6;
	[dreg:$0x0] =	wrdreg $0x0  }
0xbd: {  	s6 =	sshll.u32 s28, $0x1;
	[dreg:$0x2] =	wrdreg s4  }
0xbe: {  	[dreg:$0x3] =	wrdreg s6  }
0xbf: {  	[dreg:$0x4] =	wrdreg $0xC0  }
0xc0: {  	_ =	task [dreg:s22], $0x5FFFF  }
0xc1: {  	[dreg:$0x1] =	wrdreg $0xFFFFFFFF  }
0xc2: {  	[dreg:$0x0] =	wrdreg $0x60  }
0xc3: {  	[dreg:$0x2] =	wrdreg s24  }
0xc4: {  	[dreg:$0x3] =	wrdreg s17  }
0xc5: {  	[dreg:$0x4] =	wrdreg $0x28800  }
0xc6: {  	[dreg:$0x5] =	wrdreg $0xE  }
0xc7: {  	_ =	task.clear_ibuf [dreg:s22], $0x6FFFF;
	_ =	strace $0x9000005B  }
0xc8: {  	s29 =	simm.s32 $0xE;
	_ =	strace $0x8000005D  }
0xc9: {  	_ =	swait.ge [sflag:s29], $0x1  }
0xca: {  	[sflag:s29] =	ssyncadd.s32 $0xFFFFFFFF  }
0xcb: {  	_ =	strace $0x9000005D  }
0xcc: {  	_ =	sfence  }
0xcd: {  	s30 =	sld [smem:$0x0];
	_ =	sdelay $0x2  }
0xce: {  	s31 =	sshll.u32 s1, $0xD;
	s1 =	sshrl.u32 s1, $0x2  }
0xcf: {  	s4 =	sand.u32 $0x4000, s31;
	s1 =	sadd.s32 s1, s30  }
0xd0: {  	s0 =	sor.u32 s4, s0;
	s1 =	sshll.u32 s1, $0x11  }
0xd1: {  	s0 =	sor.u32 s1, s0  }
0xd2: {  	s0 =	sadd.s32 $0x8F2B, s0  }
0xd3: {  	[sflag:s0] =	ssyncadd.remote.s32 $0x1  }
0xd4: {  	_ =	sfence.sel $0xFFFF  }
0xd5: {  	[dreg:$0x0] =	wrdreg $0xFFFFFFFF;
	(pc) =	sbr.abs _section_cstart, $3  }
0xd6: {  	[dreg:$0x1] =	wrdreg $0xFFFFFFFF  }
0xd7: {  	_ =	task.clear_ibuf [dreg:s22], $0x2FFFF;
	_ =	strace $0x9FFFFFFF  }
0xd8: {  	(tm) =	ssettm $0x7FFFFFFF  }
0xd9: {  	_ =	shalt  }
tec
execute0_lowered:
.L_overlay_start_1:
0x0: {  	(tag) =	ssettag $0x1  }
0x1: {  	s6 =	rddreg [dreg:$0x0]  }
0x2: {  	s1 =	srdreg.scid;
	s2 =	rddreg [dreg:$0x1]  }
0x3: {  	s0 =	stileid.u32;
	s3 =	rddreg [dreg:$0x2]  }
0x4: {  	s4 =	simm.s32 $0x0;
	s13 =	simm.s32 $0x80;
	s14 =	simm.s32 $0x20  }
0x5: {  	s15 =	simm.s32 $0x10;
	s16 =	simm.s32 $0x0;
	s5 =	sand.u32 $0x1, s1  }
0x6: {  	s28 =	sshll.u32 s0, $0x1;
	s8 =	smul.u32 $0x500, s0;
	[smem:$0x7FF] =	sst s4  }
0x7: {  	s10 =	smul.u32 $0xA00, s0;
	s11 =	sshll.u32 s0, $0x6;
	s1 =	sor.u32 s5, s28  }
0x8: {  	s9 =	sshll.u32 s5, $0x7;
	s29 =	ssub.s32 $0x2, s5;
	s5 =	sadd.s32 $0xCA00, s6  }
0x9: {  	s11 =	sor.u32 $0x1C01, s11;
	s7 =	smul.u32 $0x500, s1;
	s1 =	rddreg [dreg:$0x3]  }
0xa: {  	_ =	strace $0x8000005C;
	s8 =	sor.u32 s9, s8;
	s30 =	sshrl.u32 s29, $0x1  }
0xb: {  	s31 =	sshrl.u32 s10, $0x2;
	s10 =	simm.s32 $0x2800;
	s8 =	sshrl.u32 s8, $0x3  }
0xc: {  	s9 =	ssub.s32 s29, s30;
	s12 =	sadd.s32 s31, s3;
	s7 =	sadd.s32 s7, s6  }
0xd: {  	s8 =	sadd.s32 s8, s6;
	s12 =	sshrl.u32 s12, $0x3;
	s6 =	sadd.s32 $0x34400, s7  }
0xe: {  	s7 =	sadd.s32 $0xCC00, s8;
	s8 =	smax.u32 s9, $0x1;
	s9 =	simm.s32 $0x1  }
.LBB2_1:
0xf: {  	[tilespmem:s4], [sflag:$0x1] =	stream.linear.gather [hbm4b:s6+s4], $0x2800, $0x38;
	[tilespmem:$0x2B00] =	vst v63  }
0x10: {  	_ =	swait.ge [sflag:s9], $0x2800  }
0x11: {  	[sflag:s9] =	ssyncset.done $0x0  }
0x12: {  	[sflag:s9] =	ssyncadd.s32 $0xFFFFD800  }
0x13: {  	[tilespmem:s10], [sflag:$0x1] =	stream.linear.gather [hbm4b:s2+s4], $0x80, $0x38;
	[tilespmem:$0x2B00] =	vst v63  }
0x14: {  	_ =	swait.ge [sflag:s9], $0x80  }
0x15: {  	[sflag:s9] =	ssyncset.done $0x0  }
0x16: {  	[sflag:s9] =	ssyncadd.s32 $0xFFFFFF80  }
0x17: {  	[spmem:s12], [sflag:s11] =	dma.local [hbm:s5], $0x50  }
0x18: {  	_ =	swait.ge [sflag:s9], $0x50  }
0x19: {  	[sflag:s9] =	ssyncset.done $0x0  }
0x1a: {  	[sflag:s9] =	ssyncadd.s32 $0xFFFFFFB0  }
0x1b: {  	s17 =	simm.s32 $0x0;
	[bflag:$0x0] =	sbarrier.arrive $0xFFFF  }
0x1c: {  	[spmem:s3] =	stream.indirect.scatter.add.f32 [tilespmem:s10], [sflag:$0x1], $0x1, s17, s13, $0xb8;
	[tilespmem:$0x2B00] =	vst v63  }
0x1d: {  	_ =	swait.ge [sflag:s9], $0x80  }
0x1e: {  	s17 =	simm.s32 $0x200;
	[sflag:s9] =	ssyncset.done $0x0  }
.LBB2_2:
0x1f: {  	s18 =	sshra.s32 s17, $0x2;
	[sflag:s9] =	ssyncadd.s32 $0xFFFFFF80;
	p0 =	sne.s32 s17, $0x9E00  }
0x20: {  	[spmem:s3] =	stream.indirect.scatter.add.f32 [tilespmem:s10], [sflag:$0x1], $0x1, s18, s13, $0xb8;
	[tilespmem:$0x2B00] =	vst v63  }
.Ltmp0:
0x21: {  	_ = 	snop;
	(pc) =	sbr.rel @p0 .LBB2_2-.Ltmp0, $4  }
0x22: {  	_ = 	snop  }
0x23: {  	s17 =	sadd.s32 $0x200, s17  }
0x24: {  	_ =	swait.ge [sflag:s9], $0x80  }
0x25: {  	[sflag:s9] =	ssyncset.done $0x0  }
0x26: {  	s16 =	sadd.s32 $0x1, s16  }
0x27: {  	[sflag:s9] =	ssyncadd.s32 $0xFFFFFF80;
	p0 =	sne.s32 s16, s8  }
.Ltmp1:
0x28: {  	[bflag:$0x0] =	sbarrier.arrive $0xFFFF;
	(pc) =	sbr.rel @p0 .LBB2_1-.Ltmp1, $4  }
0x29: {  	[hbm:s7@s14], [sflag:s11] =	dma.strided [spmem:s12@s15], $0x50, s9, $0x10   }
0x2a: {  	_ =	swait.ge [sflag:s9], $0x50  }
0x2b: {  	[sflag:s9] =	ssyncset.done $0x0  }
0x2c: {  	[sflag:s9] =	ssyncadd.s32 $0xFFFFFFB0  }
0x2d: {  	_ =	sfence.sel $0x180000  }
0x2e: {  	[bflag:$0x0] =	sbarrier.arrive $0xFFFF  }
0x2f: {  	p0 =	sne.s32 s0, $0x0;
	_ =	strace $0x9000005C  }
0x30: {  	s0 =	sadd.s32 @!p0 $0x100000, s1;
	[bflag:$0x2] =	sbarrier.arrive $0xFFFF  }
0x31: {  	[sflag:s0] =	ssyncadd.tile.s32 @!p0 $0x1;
	_ =	shalt  }
.Lfunc_end2:
_tile_overlayer_lowered:
.L_overlay_start_2:
0x32: {  	(tag) =	ssettag $0x2  }
0x33: {  	s0 =	rddreg [dreg:$0x0];
	s2 =	stileid.u32  }
0x34: {  	s1 =	rddreg [dreg:$0x1];
	p0 =	sne.s32 s2, $0x0  }
0x35: {  	s3 =	rddreg [dreg:$0x2];
	[bflag:$0x3] =	sbarrier.arrive $0xFFFF;
	s2 =	simm.s32 @!p0 $0x1C01  }
0x36: {  	[timem:s3], [sflag:s2] =	dma.local @!p0 [hbm:s0], s1  }
0x37: {  	s0 =	simm.s32 @!p0 $0x1  }
0x38: {  	_ =	swait.ge @!p0 [sflag:s0], s1  }
0x39: {  	s1 =	ssub.s32 @!p0 $0x0, s1;
	[sflag:s0] =	ssyncset.done @!p0 $0x0  }
0x3a: {  	[sflag:s0] =	ssyncadd.s32 @!p0 s1  }
0x3b: {  	[bflag:$0x3] =	sbarrier.arrive $0xFFFF  }
0x3c: {  	_ =	shalt  }

// kernel: kernel.14.cloned.1.call-start
scs
__scs_entry_jumppad:
0x0: {  	(pc) =	sbr.rel $0x88, $3  }
0x1: {  	(tag) =	ssettag $0x0;
	lr =	simm.s32 $0x1  }
0x2: {  	[smem:$0x3F93] =	sst lr;
	_ =	strace $0xD0000000  }
0x3: {  	_ = 	snop  }
0x4: {  	_ = 	snop  }
0x5: {  	_ = 	snop  }
0x6: {  	_ = 	snop  }
0x7: {  	_ = 	snop  }
__scs_overlays_trampoline_lowered:
0x8: {  	[smem:$0x3FA2] =	sst s0  }
0x9: {  	[smem:$0x3FA3] =	sst s1  }
0xa: {  	[smem:$0x3FA4] =	sst s2  }
0xb: {  	[smem:$0x3FA5] =	sst s3  }
0xc: {  	[smem:$0x3FA6] =	sst s4  }
0xd: {  	[smem:$0x3FA7] =	sst s5  }
0xe: {  	[smem:$0x3FA8] =	sst s6  }
0xf: {  	[smem:$0x3FA9] =	sst s7  }
0x10: {  	[smem:$0x3FAA] =	sst s8  }
0x11: {  	[smem:$0x3FAB] =	sst s9;
	s0 =	simm.s32 @!p0 $0x0  }
0x12: {  	s1 =	sld [smem:$0x3F91];
	s0 =	simm.s32 @p0 $0x1  }
0x13: {  	[smem:$0x3FAC] =	sst s0;
	s0 =	simm.s32 @!p1 $0x0  }
0x14: {  	s2 =	sld [smem:$0x3F90];
	s0 =	simm.s32 @p1 $0x1  }
0x15: {  	[smem:$0x3FAD] =	sst s0;
	s0 =	simm.s32 @!p2 $0x0  }
0x16: {  	s3 =	sld [smem:$0x3FDB];
	s0 =	simm.s32 @p2 $0x1  }
0x17: {  	s4 =	simm.s32 $0x1BF5;
	[smem:$0x3FAF] =	sst s0  }
0x18: {  	s0 =	sld [smem:$0x3F92];
	_ =	swait.ge [sflag:s4], $0x0  }
0x19: {  	s7 =	sld [smem:$0x3F93]  }
0x1a: {  	s8 =	sadd.s32 $0xFFFFE003, lr  }
0x1b: {  	s9 =	sadd.s32 $0xFFFFFEF7, lr;
	s5 =	simm.s32 $0xFFFFFFFF;
	p2 =	slt.u32 s8, $0xFFFFF086  }
0x1c: {  	p1 =	slt.u32 s9, $0xF7A;
	s5 =	simm.s32 @!p2 $0x0  }
0x1d: {  	s5 =	simm.s32 @p1 $0x1;
	p0 =	seq.s32 s7, s2  }
0x1e: {  	s7 =	smul.u32 @!p0 $0xF7A, s2;
	p2 =	seq.s32 @!p0 s5, $0x0  }
0x1f: {  	s9 =	smul.u32 $0xF7A, s1;
	s8 =	simm.s32 @!p0 $0x1BF5;
	p2 =	por !p2, p0  }
0x20: {  	[sflag:s8] =	ssyncset.s32 @!p0 $0xFFFFF086;
	s6 =	sadd.s32 @!p0 s3, s7;
	s7 =	simm.s32 @!p0 $0x108  }
0x21: {  	s3 =	sadd.s32 s3, s9;
	s6 =	sadd.s32 @!p0 $0x88, s6;
	s7 =	simm.s32 @p2 $0x1082  }
0x22: {  	[simem:s7], [sflag:s8] =	dma.local @!p0 [hbm:s6], $0xF7A  }
0x23: {  	s9 =	sor.u32 $0xD0000000, s2;
	s6 =	simm.s32 $0x108;
	_ =	swait.ge @!p0 [sflag:s8], $0x0  }
0x24: {  	s3 =	sadd.s32 $0x88, s3;
	s6 =	simm.s32 @!p1 $0x1082;
	[sflag:s4] =	ssyncset.s32 $0xFFFFF086  }
0x25: {  	[simem:s6], [sflag:s4] =	dma.local [hbm:s3], $0xF7A  }
0x26: {  	[smem:$0x3F93] =	sst s1;
	(tag) =	ssettag s2;
	_ =	strace s9  }
0x27: {  	s1 =	sld [smem:$0x3FA3]  }
0x28: {  	s2 =	sld [smem:$0x3FA4]  }
0x29: {  	s4 =	sld [smem:$0x3FA6]  }
0x2a: {  	p0 =	seq.s32 s5, $0x0;
	s5 =	sld [smem:$0x3FA7]  }
0x2b: {  	s6 =	sld [smem:$0x3FA8]  }
0x2c: {  	s7 =	sld [smem:$0x3FA9]  }
0x2d: {  	s3 =	simm.s32 $0x108;
	s8 =	sld [smem:$0x3FAA]  }
0x2e: {  	s3 =	simm.s32 @!p0 $0x1082;
	s9 =	sld [smem:$0x3FAB]  }
0x2f: {  	lr =	sadd.s32 s0, s3;
	s0 =	sld [smem:$0x3FA2]  }
0x30: {  	s3 =	sld [smem:$0x3FA5]  }
0x31: {  	[smem:$0x3FAE] =	sst s10  }
0x32: {  	s10 =	sld [smem:$0x3FAC];
	_ =	sdelay $0x3  }
0x33: {  	p0 =	seq.s32 s10, $0x1;
	s10 =	sld [smem:$0x3FAE];
	_ =	sdelay $0x3  }
0x34: {  	[smem:$0x3FAE] =	sst s10  }
0x35: {  	s10 =	sld [smem:$0x3FAD];
	_ =	sdelay $0x3  }
0x36: {  	p1 =	seq.s32 s10, $0x1;
	s10 =	sld [smem:$0x3FAE];
	_ =	sdelay $0x3  }
0x37: {  	[smem:$0x3FAE] =	sst s10  }
0x38: {  	s10 =	sld [smem:$0x3FAF]  }
0x39: {  	_ = 	snop;
	(pc) =	sbr.ind lr, $3  }
0x3a: {  	_ = 	snop  }
0x3b: {  	_ = 	snop  }
0x3c: {  	p2 =	seq.s32 s10, $0x1;
	s10 =	sld [smem:$0x3FAE]  }
0x3d: {  	_ =	shalt  }
0x3e: {  	_ =	shalt  }
0x3f: {  	_ =	shalt  }
0x40: {  	_ =	shalt  }
0x41: {  	_ =	shalt  }
0x42: {  	_ =	shalt  }
0x43: {  	_ =	shalt  }
0x44: {  	_ =	shalt  }
0x45: {  	_ =	shalt  }
0x46: {  	_ =	shalt  }
0x47: {  	_ =	shalt  }
0x48: {  	_ =	shalt  }
0x49: {  	_ =	shalt  }
0x4a: {  	_ =	shalt  }
0x4b: {  	_ =	shalt  }
0x4c: {  	_ =	shalt  }
0x4d: {  	_ =	shalt  }
0x4e: {  	_ =	shalt  }
0x4f: {  	_ =	shalt  }
0x50: {  	_ =	shalt  }
0x51: {  	_ =	shalt  }
0x52: {  	_ =	shalt  }
0x53: {  	_ =	shalt  }
0x54: {  	_ =	shalt  }
0x55: {  	_ =	shalt  }
0x56: {  	_ =	shalt  }
0x57: {  	_ =	shalt  }
0x58: {  	_ =	shalt  }
0x59: {  	_ =	shalt  }
0x5a: {  	_ =	shalt  }
0x5b: {  	_ =	shalt  }
0x5c: {  	_ =	shalt  }
0x5d: {  	_ =	shalt  }
0x5e: {  	_ =	shalt  }
0x5f: {  	_ =	shalt  }
0x60: {  	_ =	shalt  }
0x61: {  	_ =	shalt  }
0x62: {  	_ =	shalt  }
0x63: {  	_ =	shalt  }
0x64: {  	_ =	shalt  }
0x65: {  	_ =	shalt  }
0x66: {  	_ =	shalt  }
0x67: {  	_ =	shalt  }
0x68: {  	_ =	shalt  }
0x69: {  	_ =	shalt  }
0x6a: {  	_ =	shalt  }
0x6b: {  	_ =	shalt  }
0x6c: {  	_ =	shalt  }
0x6d: {  	_ =	shalt  }
0x6e: {  	_ =	shalt  }
0x6f: {  	_ =	shalt  }
0x70: {  	_ =	shalt  }
0x71: {  	_ =	shalt  }
0x72: {  	_ =	shalt  }
0x73: {  	_ =	shalt  }
0x74: {  	_ =	shalt  }
0x75: {  	_ =	shalt  }
0x76: {  	_ =	shalt  }
0x77: {  	_ =	shalt  }
0x78: {  	_ =	shalt  }
0x79: {  	_ =	shalt  }
0x7a: {  	_ =	shalt  }
0x7b: {  	_ =	shalt  }
0x7c: {  	_ =	shalt  }
0x7d: {  	_ =	shalt  }
0x7e: {  	_ =	shalt  }
0x7f: {  	_ =	shalt  }
0x80: {  	_ =	shalt  }
0x81: {  	_ =	shalt  }
0x82: {  	_ =	shalt  }
0x83: {  	_ =	shalt  }
0x84: {  	_ =	shalt  }
0x85: {  	_ =	shalt  }
0x86: {  	_ =	shalt  }
0x87: {  	_ =	shalt  }
.Lfunc_end0:
.L_simem_size_0:
called_computation.10_lowered:
.L_overlay_start_0:
0x88: {  	s2 =	sld [smem:$0x3FD9]  }
0x89: {  	s3 =	sld [smem:$0x3FFE];
	_ =	sdelay $0x1  }
0x8a: {  	s1 =	srdreg.scid  }
0x8b: {  	s0 =	sand.u32 $0x1, s1  }
0x8c: {  	s14 =	sshll.u32 s0, $0xA;
	s2 =	sadd.s32 s3, s2  }
0x8d: {  	s2 =	sadd.s32 s2, s14  }
0x8e: {  	[smem:$0x3FBA] =	sst s2  }
0x8f: {  	_ = 	snop  }
0x90: {  	s2 =	sld [smem:$0x3FD0];
	_ =	sdelay $0x2  }
0x91: {  	s15 =	simm.s32 $0xF;
	s4 =	simm.s32 $0x10  }
0x92: {  	[smem:s4], [sflag:s15] =	dma.local [hbm:s2], $0x1  }
0x93: {  	_ =	swait.eq [sflag:s15], $0x1  }
0x94: {  	[sflag:s15] =	ssyncset.done $0x0  }
0x95: {  	[sflag:s15] =	ssyncadd.s32 $0xFFFFFFFF  }
0x96: {  	s16 =	sld [smem:$0x12];
	(tm) =	ssettm $0x1  }
0x97: {  	s17 =	sld [smem:$0x3FFB];
	_ =	sdelay $0x3  }
0x98: {  	_ =	strace s17  }
0x99: {  	s3 =	sld [smem:$0x3FFC];
	_ =	sdelay $0x3  }
0x9a: {  	_ =	strace s3  }
0x9b: {  	s3 =	sld [smem:$0x3FFD];
	_ =	sdelay $0x3  }
0x9c: {  	_ =	strace s3  }
0x9d: {  	_ =	strace $0x8FFFFFFF  }
0x9e: {  	s18 =	sld [smem:$0x3FDB];
	_ =	sdelay $0x1  }
0x9f: {  	s19 =	simm.s32 $_scs_section_size  }
0xa0: {  	s5 =	simm.s32 $_size__tile_overlayer_lowered;
	s6 =	simm.s32 $_tile_overlayer_lowered  }
0xa1: {  	s22 =	simm.s32 $0x1BFF;
	s21 =	sshll.u32 s6, $0x1;
	s3 =	sadd.s32 s19, s18  }
0xa2: {  	s7 =	simm.s32 $0x0;
	s20 =	sshll.u32 s5, $0x1;
	s5 =	sadd.s32 s21, s3  }
0xa3: {  	[timem:s7], [sflag:s22] =	dma.local [hbm:s5], s20  }
0xa4: {  	_ =	swait.ge [sflag:s22], s20  }
0xa5: {  	s4 =	ssub.s32 $0x0, s20;
	[sflag:s22] =	ssyncset.done $0x0  }
0xa6: {  	[sflag:s22] =	ssyncadd.s32 s4;
	_ =	sdelay $0x1  }
0xa7: {  	s23 =	simm.s32 $0x1B8B  }
0xa8: {  	_ =	swait.ge [sflag:s23], $0x1  }
0xa9: {  	[sflag:s23] =	ssyncset.done $0x0  }
0xaa: {  	s25 =	simm.s32 $0x1B8E;
	s24 =	sld [smem:$0x3FFE];
	[sflag:s23] =	ssyncadd.s32 $0xFFFFFFFF  }
0xab: {  	s26 =	simm.s32 $execute0_lowered;
	[smem:$0x3FD2] =	sst s25  }
0xac: {  	s5 =	sshll.u32 s26, $0x1;
	_ =	strace $0x8000005E;
	[dreg:$0x1] =	wrdreg $0xFFFFFFFF  }
0xad: {  	s28 =	simm.s32 $_size_execute0_lowered;
	s3 =	sadd.s32 s3, s5;
	[dreg:$0x0] =	wrdreg $0x0  }
0xae: {  	s5 =	sshll.u32 s28, $0x1;
	[dreg:$0x2] =	wrdreg s3  }
0xaf: {  	[dreg:$0x3] =	wrdreg s5  }
0xb0: {  	[dreg:$0x4] =	wrdreg $0xC0  }
0xb1: {  	_ =	task [dreg:s7], $0x5FFFF  }
0xb2: {  	[dreg:$0x1] =	wrdreg $0xFFFFFFFF  }
0xb3: {  	[dreg:$0x0] =	wrdreg $0x60  }
0xb4: {  	[dreg:$0x2] =	wrdreg s24  }
0xb5: {  	[dreg:$0x3] =	wrdreg s16  }
0xb6: {  	[dreg:$0x4] =	wrdreg $0x140000  }
0xb7: {  	[dreg:$0x5] =	wrdreg $0x9  }
0xb8: {  	_ =	task.clear_ibuf [dreg:s7], $0x6FFFF;
	_ =	strace $0x9000005E  }
0xb9: {  	s29 =	simm.s32 $0x9;
	_ =	strace $0x80000060  }
0xba: {  	_ =	swait.ge [sflag:s29], $0x1  }
0xbb: {  	[sflag:s29] =	ssyncadd.s32 $0xFFFFFFFF  }
0xbc: {  	_ =	strace $0x90000060  }
0xbd: {  	_ =	sfence  }
0xbe: {  	s30 =	sld [smem:$0x0];
	_ =	sdelay $0x2  }
0xbf: {  	s31 =	sshll.u32 s1, $0xD;
	s1 =	sshrl.u32 s1, $0x2  }
0xc0: {  	s3 =	sand.u32 $0x4000, s31;
	s1 =	sadd.s32 s1, s30  }
0xc1: {  	s0 =	sor.u32 s3, s0;
	s1 =	sshll.u32 s1, $0x11  }
0xc2: {  	s0 =	sor.u32 s1, s0  }
0xc3: {  	s0 =	sadd.s32 $0x8F2B, s0  }
0xc4: {  	[sflag:s0] =	ssyncadd.remote.s32 $0x1  }
0xc5: {  	_ =	sfence.sel $0xFFFF  }
0xc6: {  	[dreg:$0x0] =	wrdreg $0xFFFFFFFF;
	(pc) =	sbr.abs _section_cstart, $3  }
0xc7: {  	[dreg:$0x1] =	wrdreg $0xFFFFFFFF  }
0xc8: {  	_ =	task.clear_ibuf [dreg:s7], $0x2FFFF;
	_ =	strace $0x9FFFFFFF  }
0xc9: {  	(tm) =	ssettm $0x7FFFFFFF  }
tec
execute0_lowered:
.L_overlay_start_1:
0x0: {  	(tag) =	ssettag $0x1  }
0x1: {  	s6 =	rddreg [dreg:$0x0]  }
0x2: {  	s7 =	rddreg [dreg:$0x1];
	s1 =	srdreg.scid  }
0x3: {  	s0 =	stileid.u32;
	s2 =	rddreg [dreg:$0x2];
	s3 =	simm.s32 $0x0  }
0x4: {  	s14 =	simm.s32 $0x80;
	s15 =	simm.s32 $0xC000;
	s16 =	simm.s32 $0x1  }
0x5: {  	s17 =	simm.s32 $0x10000;
	s18 =	simm.s32 $0x2;
	s19 =	simm.s32 $0x5F80  }
0x6: {  	s20 =	simm.s32 $0xBF00;
	s21 =	simm.s32 $0xBF80;
	s22 =	simm.s32 $0x0  }
0x7: {  	s5 =	sand.u32 $0x1, s1;
	s4 =	sshll.u32 s0, $0x1;
	s1 =	rddreg [dreg:$0x3]  }
0x8: {  	[smem:$0x7FF] =	sst s3;
	s12 =	smul.u32 $0x28000, s0;
	s31 =	sshll.u32 s0, $0x6  }
0x9: {  	s8 =	sor.u32 s5, s4;
	_ =	strace $0x8000005F;
	s4 =	sadd.s32 $0x97200, s6  }
0xa: {  	s11 =	ssub.s32 $0x2, s5;
	s5 =	sadd.s32 $0x2A00, s6;
	s9 =	smul.u32 $0xC00, s8  }
0xb: {  	s8 =	smul.u32 $0x1400, s8;
	s29 =	sshrl.u32 s11, $0x1;
	s30 =	sshrl.u32 s12, $0x2  }
0xc: {  	s12 =	sor.u32 $0x1C03, s31;
	s11 =	ssub.s32 s11, s29;
	s13 =	sadd.s32 s30, s2  }
0xd: {  	s10 =	sadd.s32 s9, s6;
	s8 =	sadd.s32 s8, s6;
	s6 =	sadd.s32 s7, s9  }
0xe: {  	s9 =	smax.u32 s11, $0x1;
	s11 =	simm.s32 $0x6000;
	s13 =	sshrl.u32 s13, $0x3  }
0xf: {  	s7 =	sadd.s32 $0xD600, s10;
	s8 =	sadd.s32 $0x25600, s8;
	s10 =	simm.s32 $0x3  }
.LBB2_1:
0x10: {  	[tilespmem:s3], [sflag:$0x3] =	stream.linear.gather [hbm4b:s6+s3], $0x6000, $0x38;
	[tilespmem:$0x1E800] =	vst v63  }
0x11: {  	_ =	swait.ge [sflag:s10], $0x6000  }
0x12: {  	[sflag:s10] =	ssyncset.done $0x0  }
0x13: {  	[sflag:s10] =	ssyncadd.s32 $0xFFFFA000  }
0x14: {  	[tilespmem:s11], [sflag:$0x3] =	stream.linear.gather [hbm4b:s7+s3], $0x6000, $0x38;
	[tilespmem:$0x1E800] =	vst v63  }
0x15: {  	_ =	swait.ge [sflag:s10], $0x6000  }
0x16: {  	[sflag:s10] =	ssyncset.done $0x0  }
0x17: {  	[sflag:s10] =	ssyncadd.s32 $0xFFFFA000  }
0x18: {  	[spmem:s13], [sflag:s12] =	dma.local [hbm:s5], $0x1400  }
0x19: {  	_ =	swait.ge [sflag:s10], $0x1400  }
0x1a: {  	[sflag:s10] =	ssyncset.done $0x0  }
0x1b: {  	[sflag:s10] =	ssyncadd.s32 $0xFFFFEC00  }
0x1c: {  	[tilespmem:s15], [sflag:$0x1] =	stream.indirect.gather [hbm4b:s4+s14], $0x80, s3, s14, $0xb8;
	[tilespmem:$0x1E800] =	vst v63  }
0x1d: {  	_ =	swait.ge [sflag:s16], $0x4000  }
0x1e: {  	[sflag:s16] =	ssyncset.done $0x0  }
0x1f: {  	s23 =	simm.s32 $0x80;
	[sflag:s16] =	ssyncadd.s32 $0xFFFFC000  }
0x20: {  	[tilespmem:s17], [sflag:$0x2] =	stream.indirect.gather [hbm4b:s4+s14], $0x80, s23, s14, $0xb8;
	[tilespmem:$0x1E800] =	vst v63  }
0x21: {  	s29 =	simm.s32 $0x6000  }
0x22: {  	[spmem:s2] =	stream.indirect.scatter.add.f32 [tilespmem:s15], [sflag:$0x3], $0x80, s29, s14, $0xb8;
	[tilespmem:$0x1E800] =	vst v63  }
0x23: {  	_ =	swait.ge [sflag:s10], $0x4000  }
0x24: {  	[sflag:s10] =	ssyncset.done $0x0  }
0x25: {  	[sflag:s10] =	ssyncadd.s32 $0xFFFFC000  }
0x26: {  	_ =	swait.ge [sflag:s18], $0x4000  }
0x27: {  	[sflag:s18] =	ssyncset.done $0x0  }
0x28: {  	s30 =	simm.s32 $0x100;
	[sflag:s18] =	ssyncadd.s32 $0xFFFFC000  }
0x29: {  	[tilespmem:s15], [sflag:$0x1] =	stream.indirect.gather [hbm4b:s4+s14], $0x80, s30, s14, $0xb8;
	[tilespmem:$0x1E800] =	vst v63  }
0x2a: {  	s31 =	simm.s32 $0x6080  }
0x2b: {  	[spmem:s2] =	stream.indirect.scatter.add.f32 [tilespmem:s17], [sflag:$0x3], $0x80, s31, s14, $0xb8;
	[tilespmem:$0x1E800] =	vst v63  }
0x2c: {  	_ =	swait.ge [sflag:s10], $0x4000  }
0x2d: {  	s23 =	simm.s32 $0x400;
	[sflag:s10] =	ssyncset.done $0x0  }
.LBB2_2:
0x2e: {  	p0 =	sne.s32 s23, $0x17800  }
0x2f: {  	[sflag:s10] =	ssyncadd.s32 $0xFFFFC000;
	s24 =	smov.u32 s23;
	s23 =	sadd.s32 $0x400, s23  }
0x30: {  	_ = 	snop  }
0x31: {  	_ =	swait.ge [sflag:s16], $0x4000  }
0x32: {  	s24 =	sshra.s32 s24, $0x2;
	[sflag:s16] =	ssyncset.done $0x0  }
0x33: {  	s25 =	sadd.s32 $0x80, s24;
	[sflag:s16] =	ssyncadd.s32 $0xFFFFC000  }
0x34: {  	[tilespmem:s17], [sflag:$0x2] =	stream.indirect.gather [hbm4b:s4+s14], $0x80, s25, s14, $0xb8;
	[tilespmem:$0x1E800] =	vst v63  }
0x35: {  	s25 =	sadd.s32 $0x6000, s24  }
0x36: {  	[spmem:s2] =	stream.indirect.scatter.add.f32 [tilespmem:s15], [sflag:$0x3], $0x80, s25, s14, $0xb8;
	[tilespmem:$0x1E800] =	vst v63  }
0x37: {  	_ =	swait.ge [sflag:s10], $0x4000  }
0x38: {  	[sflag:s10] =	ssyncset.done $0x0  }
0x39: {  	[sflag:s10] =	ssyncadd.s32 $0xFFFFC000  }
0x3a: {  	_ =	swait.ge [sflag:s18], $0x4000  }
0x3b: {  	[sflag:s18] =	ssyncset.done $0x0  }
0x3c: {  	s25 =	sadd.s32 $0x100, s24;
	[sflag:s18] =	ssyncadd.s32 $0xFFFFC000  }
0x3d: {  	[tilespmem:s15], [sflag:$0x1] =	stream.indirect.gather [hbm4b:s4+s14], $0x80, s25, s14, $0xb8;
	[tilespmem:$0x1E800] =	vst v63  }
.Ltmp0:
0x3e: {  	_ = 	snop;
	(pc) =	sbr.rel @p0 .LBB2_2-.Ltmp0, $4  }
0x3f: {  	s24 =	sadd.s32 $0x6080, s24  }
0x40: {  	[spmem:s2] =	stream.indirect.scatter.add.f32 [tilespmem:s17], [sflag:$0x3], $0x80, s24, s14, $0xb8;
	[tilespmem:$0x1E800] =	vst v63  }
0x41: {  	_ =	swait.ge [sflag:s10], $0x4000  }
0x42: {  	[sflag:s10] =	ssyncset.done $0x0  }
0x43: {  	[sflag:s10] =	ssyncadd.s32 $0xFFFFC000  }
0x44: {  	_ =	swait.ge [sflag:s16], $0x4000  }
0x45: {  	[sflag:s16] =	ssyncset.done $0x0  }
0x46: {  	[sflag:s16] =	ssyncadd.s32 $0xFFFFC000  }
0x47: {  	[tilespmem:s17], [sflag:$0x2] =	stream.indirect.gather [hbm4b:s4+s14], $0x80, s19, s14, $0xb8;
	[tilespmem:$0x1E800] =	vst v63  }
0x48: {  	_ = 	snop  }
0x49: {  	[spmem:s2] =	stream.indirect.scatter.add.f32 [tilespmem:s15], [sflag:$0x3], $0x80, s20, s14, $0xb8;
	[tilespmem:$0x1E800] =	vst v63  }
0x4a: {  	_ =	swait.ge [sflag:s10], $0x4000  }
0x4b: {  	[sflag:s10] =	ssyncset.done $0x0  }
0x4c: {  	[sflag:s10] =	ssyncadd.s32 $0xFFFFC000  }
0x4d: {  	_ =	swait.ge [sflag:s18], $0x4000  }
0x4e: {  	[sflag:s18] =	ssyncset.done $0x0  }
0x4f: {  	[sflag:s18] =	ssyncadd.s32 $0xFFFFC000  }
0x50: {  	[tilespmem:s15], [sflag:$0x1] =	stream.indirect.gather [hbm4b:s4+s14], $0x80, s19, s14, $0xb8;
	[tilespmem:$0x1E800] =	vst v63  }
0x51: {  	_ = 	snop  }
0x52: {  	[spmem:s2] =	stream.indirect.scatter.add.f32 [tilespmem:s17], [sflag:$0x3], $0x80, s21, s14, $0xb8;
	[tilespmem:$0x1E800] =	vst v63  }
0x53: {  	_ =	swait.ge [sflag:s10], $0x4000  }
0x54: {  	[sflag:s10] =	ssyncset.done $0x0  }
0x55: {  	[sflag:s10] =	ssyncadd.s32 $0xFFFFC000  }
0x56: {  	s22 =	sadd.s32 $0x1, s22;
	_ =	swait.ge [sflag:s16], $0x4000  }
0x57: {  	p0 =	sne.s32 s22, s9;
	[sflag:s16] =	ssyncset.done $0x0  }
.Ltmp1:
0x58: {  	[sflag:s16] =	ssyncadd.s32 $0xFFFFC000;
	(pc) =	sbr.rel @p0 .LBB2_1-.Ltmp1, $4  }
0x59: {  	[hbm:s8], [sflag:s12] =	dma.local [spmem:s13], $0x1400  }
0x5a: {  	_ =	swait.ge [sflag:s10], $0x1400  }
0x5b: {  	[sflag:s10] =	ssyncset.done $0x0  }
0x5c: {  	[sflag:s10] =	ssyncadd.s32 $0xFFFFEC00  }
0x5d: {  	_ =	sfence.sel $0x180000  }
0x5e: {  	[bflag:$0x0] =	sbarrier.arrive $0xFFFF  }
0x5f: {  	p0 =	sne.s32 s0, $0x0;
	_ =	strace $0x9000005F  }
0x60: {  	s0 =	sadd.s32 @!p0 $0x100000, s1;
	[bflag:$0x2] =	sbarrier.arrive $0xFFFF  }
0x61: {  	[sflag:s0] =	ssyncadd.tile.s32 @!p0 $0x1;
	_ =	shalt  }
.Lfunc_end2:
_tile_overlayer_lowered:
.L_overlay_start_2:
0x62: {  	(tag) =	ssettag $0x2  }
0x63: {  	s0 =	rddreg [dreg:$0x0];
	s2 =	stileid.u32  }
0x64: {  	s1 =	rddreg [dreg:$0x1];
	p0 =	sne.s32 s2, $0x0  }
0x65: {  	s3 =	rddreg [dreg:$0x2];
	[bflag:$0x3] =	sbarrier.arrive $0xFFFF;
	s2 =	simm.s32 @!p0 $0x1C03  }
0x66: {  	[timem:s3], [sflag:s2] =	dma.local @!p0 [hbm:s0], s1  }
0x67: {  	s0 =	simm.s32 @!p0 $0x3  }
0x68: {  	_ =	swait.ge @!p0 [sflag:s0], s1  }
0x69: {  	s1 =	ssub.s32 @!p0 $0x0, s1;
	[sflag:s0] =	ssyncset.done @!p0 $0x0  }
0x6a: {  	[sflag:s0] =	ssyncadd.s32 @!p0 s1  }
0x6b: {  	[bflag:$0x3] =	sbarrier.arrive $0xFFFF  }
0x6c: {  	_ =	shalt  }

// kernel: kernel.17.cloned.1.call-start
scs
__scs_entry_jumppad:
0x0: {  	(pc) =	sbr.rel $0x88, $3  }
0x1: {  	(tag) =	ssettag $0x0;
	lr =	simm.s32 $0x1  }
0x2: {  	[smem:$0x3F93] =	sst lr;
	_ =	strace $0xD0000000  }
0x3: {  	_ = 	snop  }
0x4: {  	_ = 	snop  }
0x5: {  	_ = 	snop  }
0x6: {  	_ = 	snop  }
0x7: {  	_ = 	snop  }
__scs_overlays_trampoline_lowered:
0x8: {  	[smem:$0x3FA2] =	sst s0  }
0x9: {  	[smem:$0x3FA3] =	sst s1  }
0xa: {  	[smem:$0x3FA4] =	sst s2  }
0xb: {  	[smem:$0x3FA5] =	sst s3  }
0xc: {  	[smem:$0x3FA6] =	sst s4  }
0xd: {  	[smem:$0x3FA7] =	sst s5  }
0xe: {  	[smem:$0x3FA8] =	sst s6  }
0xf: {  	[smem:$0x3FA9] =	sst s7  }
0x10: {  	[smem:$0x3FAA] =	sst s8  }
0x11: {  	[smem:$0x3FAB] =	sst s9;
	s0 =	simm.s32 @!p0 $0x0  }
0x12: {  	s1 =	sld [smem:$0x3F91];
	s0 =	simm.s32 @p0 $0x1  }
0x13: {  	[smem:$0x3FAC] =	sst s0;
	s0 =	simm.s32 @!p1 $0x0  }
0x14: {  	s2 =	sld [smem:$0x3F90];
	s0 =	simm.s32 @p1 $0x1  }
0x15: {  	[smem:$0x3FAD] =	sst s0;
	s0 =	simm.s32 @!p2 $0x0  }
0x16: {  	s3 =	sld [smem:$0x3FDB];
	s0 =	simm.s32 @p2 $0x1  }
0x17: {  	s4 =	simm.s32 $0x1BF5;
	[smem:$0x3FAF] =	sst s0  }
0x18: {  	s0 =	sld [smem:$0x3F92];
	_ =	swait.ge [sflag:s4], $0x0  }
0x19: {  	s7 =	sld [smem:$0x3F93]  }
0x1a: {  	s8 =	sadd.s32 $0xFFFFE003, lr  }
0x1b: {  	s9 =	sadd.s32 $0xFFFFFEF7, lr;
	s5 =	simm.s32 $0xFFFFFFFF;
	p2 =	slt.u32 s8, $0xFFFFF086  }
0x1c: {  	p1 =	slt.u32 s9, $0xF7A;
	s5 =	simm.s32 @!p2 $0x0  }
0x1d: {  	s5 =	simm.s32 @p1 $0x1;
	p0 =	seq.s32 s7, s2  }
0x1e: {  	s7 =	smul.u32 @!p0 $0xF7A, s2;
	p2 =	seq.s32 @!p0 s5, $0x0  }
0x1f: {  	s9 =	smul.u32 $0xF7A, s1;
	s8 =	simm.s32 @!p0 $0x1BF5;
	p2 =	por !p2, p0  }
0x20: {  	[sflag:s8] =	ssyncset.s32 @!p0 $0xFFFFF086;
	s6 =	sadd.s32 @!p0 s3, s7;
	s7 =	simm.s32 @!p0 $0x108  }
0x21: {  	s3 =	sadd.s32 s3, s9;
	s6 =	sadd.s32 @!p0 $0x88, s6;
	s7 =	simm.s32 @p2 $0x1082  }
0x22: {  	[simem:s7], [sflag:s8] =	dma.local @!p0 [hbm:s6], $0xF7A  }
0x23: {  	s9 =	sor.u32 $0xD0000000, s2;
	s6 =	simm.s32 $0x108;
	_ =	swait.ge @!p0 [sflag:s8], $0x0  }
0x24: {  	s3 =	sadd.s32 $0x88, s3;
	s6 =	simm.s32 @!p1 $0x1082;
	[sflag:s4] =	ssyncset.s32 $0xFFFFF086  }
0x25: {  	[simem:s6], [sflag:s4] =	dma.local [hbm:s3], $0xF7A  }
0x26: {  	[smem:$0x3F93] =	sst s1;
	(tag) =	ssettag s2;
	_ =	strace s9  }
0x27: {  	s1 =	sld [smem:$0x3FA3]  }
0x28: {  	s2 =	sld [smem:$0x3FA4]  }
0x29: {  	s4 =	sld [smem:$0x3FA6]  }
0x2a: {  	p0 =	seq.s32 s5, $0x0;
	s5 =	sld [smem:$0x3FA7]  }
0x2b: {  	s6 =	sld [smem:$0x3FA8]  }
0x2c: {  	s7 =	sld [smem:$0x3FA9]  }
0x2d: {  	s3 =	simm.s32 $0x108;
	s8 =	sld [smem:$0x3FAA]  }
0x2e: {  	s3 =	simm.s32 @!p0 $0x1082;
	s9 =	sld [smem:$0x3FAB]  }
0x2f: {  	lr =	sadd.s32 s0, s3;
	s0 =	sld [smem:$0x3FA2]  }
0x30: {  	s3 =	sld [smem:$0x3FA5]  }
0x31: {  	[smem:$0x3FAE] =	sst s10  }
0x32: {  	s10 =	sld [smem:$0x3FAC];
	_ =	sdelay $0x3  }
0x33: {  	p0 =	seq.s32 s10, $0x1;
	s10 =	sld [smem:$0x3FAE];
	_ =	sdelay $0x3  }
0x34: {  	[smem:$0x3FAE] =	sst s10  }
0x35: {  	s10 =	sld [smem:$0x3FAD];
	_ =	sdelay $0x3  }
0x36: {  	p1 =	seq.s32 s10, $0x1;
	s10 =	sld [smem:$0x3FAE];
	_ =	sdelay $0x3  }
0x37: {  	[smem:$0x3FAE] =	sst s10  }
0x38: {  	s10 =	sld [smem:$0x3FAF]  }
0x39: {  	_ = 	snop;
	(pc) =	sbr.ind lr, $3  }
0x3a: {  	_ = 	snop  }
0x3b: {  	_ = 	snop  }
0x3c: {  	p2 =	seq.s32 s10, $0x1;
	s10 =	sld [smem:$0x3FAE]  }
0x3d: {  	_ =	shalt  }
0x3e: {  	_ =	shalt  }
0x3f: {  	_ =	shalt  }
0x40: {  	_ =	shalt  }
0x41: {  	_ =	shalt  }
0x42: {  	_ =	shalt  }
0x43: {  	_ =	shalt  }
0x44: {  	_ =	shalt  }
0x45: {  	_ =	shalt  }
0x46: {  	_ =	shalt  }
0x47: {  	_ =	shalt  }
0x48: {  	_ =	shalt  }
0x49: {  	_ =	shalt  }
0x4a: {  	_ =	shalt  }
0x4b: {  	_ =	shalt  }
0x4c: {  	_ =	shalt  }
0x4d: {  	_ =	shalt  }
0x4e: {  	_ =	shalt  }
0x4f: {  	_ =	shalt  }
0x50: {  	_ =	shalt  }
0x51: {  	_ =	shalt  }
0x52: {  	_ =	shalt  }
0x53: {  	_ =	shalt  }
0x54: {  	_ =	shalt  }
0x55: {  	_ =	shalt  }
0x56: {  	_ =	shalt  }
0x57: {  	_ =	shalt  }
0x58: {  	_ =	shalt  }
0x59: {  	_ =	shalt  }
0x5a: {  	_ =	shalt  }
0x5b: {  	_ =	shalt  }
0x5c: {  	_ =	shalt  }
0x5d: {  	_ =	shalt  }
0x5e: {  	_ =	shalt  }
0x5f: {  	_ =	shalt  }
0x60: {  	_ =	shalt  }
0x61: {  	_ =	shalt  }
0x62: {  	_ =	shalt  }
0x63: {  	_ =	shalt  }
0x64: {  	_ =	shalt  }
0x65: {  	_ =	shalt  }
0x66: {  	_ =	shalt  }
0x67: {  	_ =	shalt  }
0x68: {  	_ =	shalt  }
0x69: {  	_ =	shalt  }
0x6a: {  	_ =	shalt  }
0x6b: {  	_ =	shalt  }
0x6c: {  	_ =	shalt  }
0x6d: {  	_ =	shalt  }
0x6e: {  	_ =	shalt  }
0x6f: {  	_ =	shalt  }
0x70: {  	_ =	shalt  }
0x71: {  	_ =	shalt  }
0x72: {  	_ =	shalt  }
0x73: {  	_ =	shalt  }
0x74: {  	_ =	shalt  }
0x75: {  	_ =	shalt  }
0x76: {  	_ =	shalt  }
0x77: {  	_ =	shalt  }
0x78: {  	_ =	shalt  }
0x79: {  	_ =	shalt  }
0x7a: {  	_ =	shalt  }
0x7b: {  	_ =	shalt  }
0x7c: {  	_ =	shalt  }
0x7d: {  	_ =	shalt  }
0x7e: {  	_ =	shalt  }
0x7f: {  	_ =	shalt  }
0x80: {  	_ =	shalt  }
0x81: {  	_ =	shalt  }
0x82: {  	_ =	shalt  }
0x83: {  	_ =	shalt  }
0x84: {  	_ =	shalt  }
0x85: {  	_ =	shalt  }
0x86: {  	_ =	shalt  }
0x87: {  	_ =	shalt  }
.Lfunc_end0:
.L_simem_size_0:
called_computation.11_lowered:
.L_overlay_start_0:
0x88: {  	s2 =	sld [smem:$0x3FD9]  }
0x89: {  	s3 =	sld [smem:$0x3FFE];
	_ =	sdelay $0x1  }
0x8a: {  	s1 =	srdreg.scid  }
0x8b: {  	s0 =	sand.u32 $0x1, s1  }
0x8c: {  	s14 =	sshll.u32 s0, $0xA;
	s2 =	sadd.s32 s3, s2  }
0x8d: {  	s2 =	sadd.s32 s2, s14  }
0x8e: {  	[smem:$0x3FBA] =	sst s2  }
0x8f: {  	_ = 	snop  }
0x90: {  	s2 =	sld [smem:$0x3FD0];
	_ =	sdelay $0x2  }
0x91: {  	s15 =	simm.s32 $0xF;
	s4 =	simm.s32 $0x10  }
0x92: {  	[smem:s4], [sflag:s15] =	dma.local [hbm:s2], $0x1  }
0x93: {  	_ =	swait.eq [sflag:s15], $0x1  }
0x94: {  	[sflag:s15] =	ssyncset.done $0x0  }
0x95: {  	[sflag:s15] =	ssyncadd.s32 $0xFFFFFFFF  }
0x96: {  	s16 =	sld [smem:$0x12];
	(tm) =	ssettm $0x1  }
0x97: {  	s17 =	sld [smem:$0x3FFB];
	_ =	sdelay $0x3  }
0x98: {  	_ =	strace s17  }
0x99: {  	s3 =	sld [smem:$0x3FFC];
	_ =	sdelay $0x3  }
0x9a: {  	_ =	strace s3  }
0x9b: {  	s3 =	sld [smem:$0x3FFD];
	_ =	sdelay $0x3  }
0x9c: {  	_ =	strace s3  }
0x9d: {  	_ =	strace $0x8FFFFFFF  }
0x9e: {  	s18 =	sld [smem:$0x3FDB];
	_ =	sdelay $0x1  }
0x9f: {  	s19 =	simm.s32 $_scs_section_size  }
0xa0: {  	s5 =	simm.s32 $_size__tile_overlayer_lowered;
	s6 =	simm.s32 $_tile_overlayer_lowered  }
0xa1: {  	s22 =	simm.s32 $0x1BFF;
	s21 =	sshll.u32 s6, $0x1;
	s3 =	sadd.s32 s19, s18  }
0xa2: {  	s7 =	simm.s32 $0x0;
	s20 =	sshll.u32 s5, $0x1;
	s5 =	sadd.s32 s21, s3  }
0xa3: {  	[timem:s7], [sflag:s22] =	dma.local [hbm:s5], s20  }
0xa4: {  	_ =	swait.ge [sflag:s22], s20  }
0xa5: {  	s4 =	ssub.s32 $0x0, s20;
	[sflag:s22] =	ssyncset.done $0x0  }
0xa6: {  	[sflag:s22] =	ssyncadd.s32 s4;
	_ =	sdelay $0x1  }
0xa7: {  	s23 =	simm.s32 $0x1B8B  }
0xa8: {  	_ =	swait.ge [sflag:s23], $0x1  }
0xa9: {  	[sflag:s23] =	ssyncset.done $0x0  }
0xaa: {  	s25 =	simm.s32 $0x1B8E;
	s24 =	sld [smem:$0x3FFE];
	[sflag:s23] =	ssyncadd.s32 $0xFFFFFFFF  }
0xab: {  	s26 =	simm.s32 $execute0_lowered;
	[smem:$0x3FD2] =	sst s25  }
0xac: {  	s5 =	sshll.u32 s26, $0x1;
	_ =	strace $0x80000061;
	[dreg:$0x1] =	wrdreg $0xFFFFFFFF  }
0xad: {  	s28 =	simm.s32 $_size_execute0_lowered;
	s3 =	sadd.s32 s3, s5;
	[dreg:$0x0] =	wrdreg $0x0  }
0xae: {  	s5 =	sshll.u32 s28, $0x1;
	[dreg:$0x2] =	wrdreg s3  }
0xaf: {  	[dreg:$0x3] =	wrdreg s5  }
0xb0: {  	[dreg:$0x4] =	wrdreg $0xC0  }
0xb1: {  	_ =	task [dreg:s7], $0x5FFFF  }
0xb2: {  	[dreg:$0x1] =	wrdreg $0xFFFFFFFF  }
0xb3: {  	[dreg:$0x0] =	wrdreg $0x60  }
0xb4: {  	[dreg:$0x2] =	wrdreg s24  }
0xb5: {  	[dreg:$0x3] =	wrdreg s16  }
0xb6: {  	[dreg:$0x4] =	wrdreg $0x140000  }
0xb7: {  	[dreg:$0x5] =	wrdreg $0x9  }
0xb8: {  	_ =	task.clear_ibuf [dreg:s7], $0x6FFFF;
	_ =	strace $0x90000061  }
0xb9: {  	s29 =	simm.s32 $0x9;
	_ =	strace $0x80000063  }
0xba: {  	_ =	swait.ge [sflag:s29], $0x1  }
0xbb: {  	[sflag:s29] =	ssyncadd.s32 $0xFFFFFFFF  }
0xbc: {  	_ =	strace $0x90000063  }
0xbd: {  	_ =	sfence  }
0xbe: {  	s30 =	sld [smem:$0x0];
	_ =	sdelay $0x2  }
0xbf: {  	s31 =	sshll.u32 s1, $0xD;
	s1 =	sshrl.u32 s1, $0x2  }
0xc0: {  	s3 =	sand.u32 $0x4000, s31;
	s1 =	sadd.s32 s1, s30  }
0xc1: {  	s0 =	sor.u32 s3, s0;
	s1 =	sshll.u32 s1, $0x11  }
0xc2: {  	s0 =	sor.u32 s1, s0  }
0xc3: {  	s0 =	sadd.s32 $0x8F2B, s0  }
0xc4: {  	[sflag:s0] =	ssyncadd.remote.s32 $0x1  }
0xc5: {  	_ =	sfence.sel $0xFFFF  }
0xc6: {  	[dreg:$0x0] =	wrdreg $0xFFFFFFFF;
	(pc) =	sbr.abs _section_cstart, $3  }
0xc7: {  	[dreg:$0x1] =	wrdreg $0xFFFFFFFF  }
0xc8: {  	_ =	task.clear_ibuf [dreg:s7], $0x2FFFF;
	_ =	strace $0x9FFFFFFF  }
0xc9: {  	(tm) =	ssettm $0x7FFFFFFF  }
tec
execute0_lowered:
.L_overlay_start_1:
0x0: {  	(tag) =	ssettag $0x1  }
0x1: {  	s6 =	rddreg [dreg:$0x0]  }
0x2: {  	s7 =	rddreg [dreg:$0x1];
	s1 =	srdreg.scid  }
0x3: {  	s0 =	stileid.u32;
	s2 =	rddreg [dreg:$0x2];
	s3 =	simm.s32 $0x0  }
0x4: {  	s14 =	simm.s32 $0x80;
	s15 =	simm.s32 $0xC000;
	s16 =	simm.s32 $0x1  }
0x5: {  	s17 =	simm.s32 $0x10000;
	s18 =	simm.s32 $0x2;
	s19 =	simm.s32 $0x5F80  }
0x6: {  	s20 =	simm.s32 $0xBF00;
	s21 =	simm.s32 $0xBF80;
	s22 =	simm.s32 $0x0  }
0x7: {  	s5 =	sand.u32 $0x1, s1;
	s4 =	sshll.u32 s0, $0x1;
	s1 =	rddreg [dreg:$0x3]  }
0x8: {  	[smem:$0x7FF] =	sst s3;
	s12 =	smul.u32 $0x28000, s0;
	s31 =	sshll.u32 s0, $0x6  }
0x9: {  	s8 =	sor.u32 s5, s4;
	_ =	strace $0x80000062;
	s4 =	sadd.s32 $0x25600, s6  }
0xa: {  	s11 =	ssub.s32 $0x2, s5;
	s5 =	sadd.s32 $0x2A00, s6;
	s9 =	smul.u32 $0xC00, s8  }
0xb: {  	s8 =	smul.u32 $0x1400, s8;
	s29 =	sshrl.u32 s11, $0x1;
	s30 =	sshrl.u32 s12, $0x2  }
0xc: {  	s12 =	sor.u32 $0x1C03, s31;
	s11 =	ssub.s32 s11, s29;
	s13 =	sadd.s32 s30, s2  }
0xd: {  	s10 =	sadd.s32 s9, s6;
	s8 =	sadd.s32 s8, s6;
	s6 =	sadd.s32 s7, s9  }
0xe: {  	s9 =	smax.u32 s11, $0x1;
	s11 =	simm.s32 $0x6000;
	s13 =	sshrl.u32 s13, $0x3  }
0xf: {  	s7 =	sadd.s32 $0xD600, s10;
	s8 =	sadd.s32 $0x4D000, s8;
	s10 =	simm.s32 $0x3  }
.LBB2_1:
0x10: {  	[tilespmem:s3], [sflag:$0x3] =	stream.linear.gather [hbm4b:s6+s3], $0x6000, $0x38;
	[tilespmem:$0x1E800] =	vst v63  }
0x11: {  	_ =	swait.ge [sflag:s10], $0x6000  }
0x12: {  	[sflag:s10] =	ssyncset.done $0x0  }
0x13: {  	[sflag:s10] =	ssyncadd.s32 $0xFFFFA000  }
0x14: {  	[tilespmem:s11], [sflag:$0x3] =	stream.linear.gather [hbm4b:s7+s3], $0x6000, $0x38;
	[tilespmem:$0x1E800] =	vst v63  }
0x15: {  	_ =	swait.ge [sflag:s10], $0x6000  }
0x16: {  	[sflag:s10] =	ssyncset.done $0x0  }
0x17: {  	[sflag:s10] =	ssyncadd.s32 $0xFFFFA000  }
0x18: {  	[spmem:s13], [sflag:s12] =	dma.local [hbm:s5], $0x1400  }
0x19: {  	_ =	swait.ge [sflag:s10], $0x1400  }
0x1a: {  	[sflag:s10] =	ssyncset.done $0x0  }
0x1b: {  	[sflag:s10] =	ssyncadd.s32 $0xFFFFEC00  }
0x1c: {  	[tilespmem:s15], [sflag:$0x1] =	stream.indirect.gather [hbm4b:s4+s14], $0x80, s3, s14, $0xb8;
	[tilespmem:$0x1E800] =	vst v63  }
0x1d: {  	_ =	swait.ge [sflag:s16], $0x4000  }
0x1e: {  	[sflag:s16] =	ssyncset.done $0x0  }
0x1f: {  	s23 =	simm.s32 $0x80;
	[sflag:s16] =	ssyncadd.s32 $0xFFFFC000  }
0x20: {  	[tilespmem:s17], [sflag:$0x2] =	stream.indirect.gather [hbm4b:s4+s14], $0x80, s23, s14, $0xb8;
	[tilespmem:$0x1E800] =	vst v63  }
0x21: {  	s29 =	simm.s32 $0x6000  }
0x22: {  	[spmem:s2] =	stream.indirect.scatter.add.f32 [tilespmem:s15], [sflag:$0x3], $0x80, s29, s14, $0xb8;
	[tilespmem:$0x1E800] =	vst v63  }
0x23: {  	_ =	swait.ge [sflag:s10], $0x4000  }
0x24: {  	[sflag:s10] =	ssyncset.done $0x0  }
0x25: {  	[sflag:s10] =	ssyncadd.s32 $0xFFFFC000  }
0x26: {  	_ =	swait.ge [sflag:s18], $0x4000  }
0x27: {  	[sflag:s18] =	ssyncset.done $0x0  }
0x28: {  	s30 =	simm.s32 $0x100;
	[sflag:s18] =	ssyncadd.s32 $0xFFFFC000  }
0x29: {  	[tilespmem:s15], [sflag:$0x1] =	stream.indirect.gather [hbm4b:s4+s14], $0x80, s30, s14, $0xb8;
	[tilespmem:$0x1E800] =	vst v63  }
0x2a: {  	s31 =	simm.s32 $0x6080  }
0x2b: {  	[spmem:s2] =	stream.indirect.scatter.add.f32 [tilespmem:s17], [sflag:$0x3], $0x80, s31, s14, $0xb8;
	[tilespmem:$0x1E800] =	vst v63  }
0x2c: {  	_ =	swait.ge [sflag:s10], $0x4000  }
0x2d: {  	s23 =	simm.s32 $0x400;
	[sflag:s10] =	ssyncset.done $0x0  }
.LBB2_2:
0x2e: {  	p0 =	sne.s32 s23, $0x17800  }
0x2f: {  	[sflag:s10] =	ssyncadd.s32 $0xFFFFC000;
	s24 =	smov.u32 s23;
	s23 =	sadd.s32 $0x400, s23  }
0x30: {  	_ = 	snop  }
0x31: {  	_ =	swait.ge [sflag:s16], $0x4000  }
0x32: {  	s24 =	sshra.s32 s24, $0x2;
	[sflag:s16] =	ssyncset.done $0x0  }
0x33: {  	s25 =	sadd.s32 $0x80, s24;
	[sflag:s16] =	ssyncadd.s32 $0xFFFFC000  }
0x34: {  	[tilespmem:s17], [sflag:$0x2] =	stream.indirect.gather [hbm4b:s4+s14], $0x80, s25, s14, $0xb8;
	[tilespmem:$0x1E800] =	vst v63  }
0x35: {  	s25 =	sadd.s32 $0x6000, s24  }
0x36: {  	[spmem:s2] =	stream.indirect.scatter.add.f32 [tilespmem:s15], [sflag:$0x3], $0x80, s25, s14, $0xb8;
	[tilespmem:$0x1E800] =	vst v63  }
0x37: {  	_ =	swait.ge [sflag:s10], $0x4000  }
0x38: {  	[sflag:s10] =	ssyncset.done $0x0  }
0x39: {  	[sflag:s10] =	ssyncadd.s32 $0xFFFFC000  }
0x3a: {  	_ =	swait.ge [sflag:s18], $0x4000  }
0x3b: {  	[sflag:s18] =	ssyncset.done $0x0  }
0x3c: {  	s25 =	sadd.s32 $0x100, s24;
	[sflag:s18] =	ssyncadd.s32 $0xFFFFC000  }
0x3d: {  	[tilespmem:s15], [sflag:$0x1] =	stream.indirect.gather [hbm4b:s4+s14], $0x80, s25, s14, $0xb8;
	[tilespmem:$0x1E800] =	vst v63  }
.Ltmp0:
0x3e: {  	_ = 	snop;
	(pc) =	sbr.rel @p0 .LBB2_2-.Ltmp0, $4  }
0x3f: {  	s24 =	sadd.s32 $0x6080, s24  }
0x40: {  	[spmem:s2] =	stream.indirect.scatter.add.f32 [tilespmem:s17], [sflag:$0x3], $0x80, s24, s14, $0xb8;
	[tilespmem:$0x1E800] =	vst v63  }
0x41: {  	_ =	swait.ge [sflag:s10], $0x4000  }
0x42: {  	[sflag:s10] =	ssyncset.done $0x0  }
0x43: {  	[sflag:s10] =	ssyncadd.s32 $0xFFFFC000  }
0x44: {  	_ =	swait.ge [sflag:s16], $0x4000  }
0x45: {  	[sflag:s16] =	ssyncset.done $0x0  }
0x46: {  	[sflag:s16] =	ssyncadd.s32 $0xFFFFC000  }
0x47: {  	[tilespmem:s17], [sflag:$0x2] =	stream.indirect.gather [hbm4b:s4+s14], $0x80, s19, s14, $0xb8;
	[tilespmem:$0x1E800] =	vst v63  }
0x48: {  	_ = 	snop  }
0x49: {  	[spmem:s2] =	stream.indirect.scatter.add.f32 [tilespmem:s15], [sflag:$0x3], $0x80, s20, s14, $0xb8;
	[tilespmem:$0x1E800] =	vst v63  }
0x4a: {  	_ =	swait.ge [sflag:s10], $0x4000  }
0x4b: {  	[sflag:s10] =	ssyncset.done $0x0  }
0x4c: {  	[sflag:s10] =	ssyncadd.s32 $0xFFFFC000  }
0x4d: {  	_ =	swait.ge [sflag:s18], $0x4000  }
0x4e: {  	[sflag:s18] =	ssyncset.done $0x0  }
0x4f: {  	[sflag:s18] =	ssyncadd.s32 $0xFFFFC000  }
0x50: {  	[tilespmem:s15], [sflag:$0x1] =	stream.indirect.gather [hbm4b:s4+s14], $0x80, s19, s14, $0xb8;
	[tilespmem:$0x1E800] =	vst v63  }
0x51: {  	_ = 	snop  }
0x52: {  	[spmem:s2] =	stream.indirect.scatter.add.f32 [tilespmem:s17], [sflag:$0x3], $0x80, s21, s14, $0xb8;
	[tilespmem:$0x1E800] =	vst v63  }
0x53: {  	_ =	swait.ge [sflag:s10], $0x4000  }
0x54: {  	[sflag:s10] =	ssyncset.done $0x0  }
0x55: {  	[sflag:s10] =	ssyncadd.s32 $0xFFFFC000  }
0x56: {  	s22 =	sadd.s32 $0x1, s22;
	_ =	swait.ge [sflag:s16], $0x4000  }
0x57: {  	p0 =	sne.s32 s22, s9;
	[sflag:s16] =	ssyncset.done $0x0  }
.Ltmp1:
0x58: {  	[sflag:s16] =	ssyncadd.s32 $0xFFFFC000;
	(pc) =	sbr.rel @p0 .LBB2_1-.Ltmp1, $4  }
0x59: {  	[hbm:s8], [sflag:s12] =	dma.local [spmem:s13], $0x1400  }
0x5a: {  	_ =	swait.ge [sflag:s10], $0x1400  }
0x5b: {  	[sflag:s10] =	ssyncset.done $0x0  }
0x5c: {  	[sflag:s10] =	ssyncadd.s32 $0xFFFFEC00  }
0x5d: {  	_ =	sfence.sel $0x180000  }
0x5e: {  	[bflag:$0x0] =	sbarrier.arrive $0xFFFF  }
0x5f: {  	p0 =	sne.s32 s0, $0x0;
	_ =	strace $0x90000062  }
0x60: {  	s0 =	sadd.s32 @!p0 $0x100000, s1;
	[bflag:$0x2] =	sbarrier.arrive $0xFFFF  }
0x61: {  	[sflag:s0] =	ssyncadd.tile.s32 @!p0 $0x1;
	_ =	shalt  }
.Lfunc_end2:
_tile_overlayer_lowered:
.L_overlay_start_2:
0x62: {  	(tag) =	ssettag $0x2  }
0x63: {  	s0 =	rddreg [dreg:$0x0];
	s2 =	stileid.u32  }
0x64: {  	s1 =	rddreg [dreg:$0x1];
	p0 =	sne.s32 s2, $0x0  }
0x65: {  	s3 =	rddreg [dreg:$0x2];
	[bflag:$0x3] =	sbarrier.arrive $0xFFFF;
	s2 =	simm.s32 @!p0 $0x1C03  }
0x66: {  	[timem:s3], [sflag:s2] =	dma.local @!p0 [hbm:s0], s1  }
0x67: {  	s0 =	simm.s32 @!p0 $0x3  }
0x68: {  	_ =	swait.ge @!p0 [sflag:s0], s1  }
0x69: {  	s1 =	ssub.s32 @!p0 $0x0, s1;
	[sflag:s0] =	ssyncset.done @!p0 $0x0  }
0x6a: {  	[sflag:s0] =	ssyncadd.s32 @!p0 s1  }
0x6b: {  	[bflag:$0x3] =	sbarrier.arrive $0xFFFF  }
0x6c: {  	_ =	shalt  }

// kernel: scatter_offload_async_start
scs
__scs_entry_jumppad:
0x0: {  	(pc) =	sbr.rel $0x88, $3  }
0x1: {  	(tag) =	ssettag $0x0;
	lr =	simm.s32 $0x1  }
0x2: {  	[smem:$0x3F93] =	sst lr;
	_ =	strace $0xD0000000  }
0x3: {  	_ = 	snop  }
0x4: {  	_ = 	snop  }
0x5: {  	_ = 	snop  }
0x6: {  	_ = 	snop  }
0x7: {  	_ = 	snop  }
__scs_overlays_trampoline_lowered:
0x8: {  	[smem:$0x3FA2] =	sst s0  }
0x9: {  	[smem:$0x3FA3] =	sst s1  }
0xa: {  	[smem:$0x3FA4] =	sst s2  }
0xb: {  	[smem:$0x3FA5] =	sst s3  }
0xc: {  	[smem:$0x3FA6] =	sst s4  }
0xd: {  	[smem:$0x3FA7] =	sst s5  }
0xe: {  	[smem:$0x3FA8] =	sst s6  }
0xf: {  	[smem:$0x3FA9] =	sst s7  }
0x10: {  	[smem:$0x3FAA] =	sst s8  }
0x11: {  	[smem:$0x3FAB] =	sst s9;
	s0 =	simm.s32 @!p0 $0x0  }
0x12: {  	s1 =	sld [smem:$0x3F91];
	s0 =	simm.s32 @p0 $0x1  }
0x13: {  	[smem:$0x3FAC] =	sst s0;
	s0 =	simm.s32 @!p1 $0x0  }
0x14: {  	s2 =	sld [smem:$0x3F90];
	s0 =	simm.s32 @p1 $0x1  }
0x15: {  	[smem:$0x3FAD] =	sst s0;
	s0 =	simm.s32 @!p2 $0x0  }
0x16: {  	s3 =	sld [smem:$0x3FDB];
	s0 =	simm.s32 @p2 $0x1  }
0x17: {  	s4 =	simm.s32 $0x1BF5;
	[smem:$0x3FAF] =	sst s0  }
0x18: {  	s0 =	sld [smem:$0x3F92];
	_ =	swait.ge [sflag:s4], $0x0  }
0x19: {  	s7 =	sld [smem:$0x3F93]  }
0x1a: {  	s8 =	sadd.s32 $0xFFFFE003, lr  }
0x1b: {  	s9 =	sadd.s32 $0xFFFFFEF7, lr;
	s5 =	simm.s32 $0xFFFFFFFF;
	p2 =	slt.u32 s8, $0xFFFFF086  }
0x1c: {  	p1 =	slt.u32 s9, $0xF7A;
	s5 =	simm.s32 @!p2 $0x0  }
0x1d: {  	s5 =	simm.s32 @p1 $0x1;
	p0 =	seq.s32 s7, s2  }
0x1e: {  	s7 =	smul.u32 @!p0 $0xF7A, s2;
	p2 =	seq.s32 @!p0 s5, $0x0  }
0x1f: {  	s9 =	smul.u32 $0xF7A, s1;
	s8 =	simm.s32 @!p0 $0x1BF5;
	p2 =	por !p2, p0  }
0x20: {  	[sflag:s8] =	ssyncset.s32 @!p0 $0xFFFFF086;
	s6 =	sadd.s32 @!p0 s3, s7;
	s7 =	simm.s32 @!p0 $0x108  }
0x21: {  	s3 =	sadd.s32 s3, s9;
	s6 =	sadd.s32 @!p0 $0x88, s6;
	s7 =	simm.s32 @p2 $0x1082  }
0x22: {  	[simem:s7], [sflag:s8] =	dma.local @!p0 [hbm:s6], $0xF7A  }
0x23: {  	s9 =	sor.u32 $0xD0000000, s2;
	s6 =	simm.s32 $0x108;
	_ =	swait.ge @!p0 [sflag:s8], $0x0  }
0x24: {  	s3 =	sadd.s32 $0x88, s3;
	s6 =	simm.s32 @!p1 $0x1082;
	[sflag:s4] =	ssyncset.s32 $0xFFFFF086  }
0x25: {  	[simem:s6], [sflag:s4] =	dma.local [hbm:s3], $0xF7A  }
0x26: {  	[smem:$0x3F93] =	sst s1;
	(tag) =	ssettag s2;
	_ =	strace s9  }
0x27: {  	s1 =	sld [smem:$0x3FA3]  }
0x28: {  	s2 =	sld [smem:$0x3FA4]  }
0x29: {  	s4 =	sld [smem:$0x3FA6]  }
0x2a: {  	p0 =	seq.s32 s5, $0x0;
	s5 =	sld [smem:$0x3FA7]  }
0x2b: {  	s6 =	sld [smem:$0x3FA8]  }
0x2c: {  	s7 =	sld [smem:$0x3FA9]  }
0x2d: {  	s3 =	simm.s32 $0x108;
	s8 =	sld [smem:$0x3FAA]  }
0x2e: {  	s3 =	simm.s32 @!p0 $0x1082;
	s9 =	sld [smem:$0x3FAB]  }
0x2f: {  	lr =	sadd.s32 s0, s3;
	s0 =	sld [smem:$0x3FA2]  }
0x30: {  	s3 =	sld [smem:$0x3FA5]  }
0x31: {  	[smem:$0x3FAE] =	sst s10  }
0x32: {  	s10 =	sld [smem:$0x3FAC];
	_ =	sdelay $0x3  }
0x33: {  	p0 =	seq.s32 s10, $0x1;
	s10 =	sld [smem:$0x3FAE];
	_ =	sdelay $0x3  }
0x34: {  	[smem:$0x3FAE] =	sst s10  }
0x35: {  	s10 =	sld [smem:$0x3FAD];
	_ =	sdelay $0x3  }
0x36: {  	p1 =	seq.s32 s10, $0x1;
	s10 =	sld [smem:$0x3FAE];
	_ =	sdelay $0x3  }
0x37: {  	[smem:$0x3FAE] =	sst s10  }
0x38: {  	s10 =	sld [smem:$0x3FAF]  }
0x39: {  	_ = 	snop;
	(pc) =	sbr.ind lr, $3  }
0x3a: {  	_ = 	snop  }
0x3b: {  	_ = 	snop  }
0x3c: {  	p2 =	seq.s32 s10, $0x1;
	s10 =	sld [smem:$0x3FAE]  }
0x3d: {  	_ =	shalt  }
0x3e: {  	_ =	shalt  }
0x3f: {  	_ =	shalt  }
0x40: {  	_ =	shalt  }
0x41: {  	_ =	shalt  }
0x42: {  	_ =	shalt  }
0x43: {  	_ =	shalt  }
0x44: {  	_ =	shalt  }
0x45: {  	_ =	shalt  }
0x46: {  	_ =	shalt  }
0x47: {  	_ =	shalt  }
0x48: {  	_ =	shalt  }
0x49: {  	_ =	shalt  }
0x4a: {  	_ =	shalt  }
0x4b: {  	_ =	shalt  }
0x4c: {  	_ =	shalt  }
0x4d: {  	_ =	shalt  }
0x4e: {  	_ =	shalt  }
0x4f: {  	_ =	shalt  }
0x50: {  	_ =	shalt  }
0x51: {  	_ =	shalt  }
0x52: {  	_ =	shalt  }
0x53: {  	_ =	shalt  }
0x54: {  	_ =	shalt  }
0x55: {  	_ =	shalt  }
0x56: {  	_ =	shalt  }
0x57: {  	_ =	shalt  }
0x58: {  	_ =	shalt  }
0x59: {  	_ =	shalt  }
0x5a: {  	_ =	shalt  }
0x5b: {  	_ =	shalt  }
0x5c: {  	_ =	shalt  }
0x5d: {  	_ =	shalt  }
0x5e: {  	_ =	shalt  }
0x5f: {  	_ =	shalt  }
0x60: {  	_ =	shalt  }
0x61: {  	_ =	shalt  }
0x62: {  	_ =	shalt  }
0x63: {  	_ =	shalt  }
0x64: {  	_ =	shalt  }
0x65: {  	_ =	shalt  }
0x66: {  	_ =	shalt  }
0x67: {  	_ =	shalt  }
0x68: {  	_ =	shalt  }
0x69: {  	_ =	shalt  }
0x6a: {  	_ =	shalt  }
0x6b: {  	_ =	shalt  }
0x6c: {  	_ =	shalt  }
0x6d: {  	_ =	shalt  }
0x6e: {  	_ =	shalt  }
0x6f: {  	_ =	shalt  }
0x70: {  	_ =	shalt  }
0x71: {  	_ =	shalt  }
0x72: {  	_ =	shalt  }
0x73: {  	_ =	shalt  }
0x74: {  	_ =	shalt  }
0x75: {  	_ =	shalt  }
0x76: {  	_ =	shalt  }
0x77: {  	_ =	shalt  }
0x78: {  	_ =	shalt  }
0x79: {  	_ =	shalt  }
0x7a: {  	_ =	shalt  }
0x7b: {  	_ =	shalt  }
0x7c: {  	_ =	shalt  }
0x7d: {  	_ =	shalt  }
0x7e: {  	_ =	shalt  }
0x7f: {  	_ =	shalt  }
0x80: {  	_ =	shalt  }
0x81: {  	_ =	shalt  }
0x82: {  	_ =	shalt  }
0x83: {  	_ =	shalt  }
0x84: {  	_ =	shalt  }
0x85: {  	_ =	shalt  }
0x86: {  	_ =	shalt  }
0x87: {  	_ =	shalt  }
.Lfunc_end0:
.L_simem_size_0:
called_computation_lowered:
.L_overlay_start_0:
0x88: {  	s0 =	sld [smem:$0x3FD9]  }
0x89: {  	s1 =	sld [smem:$0x3FFE];
	_ =	sdelay $0x3  }
0x8a: {  	s0 =	sadd.s32 s1, s0  }
0x8b: {  	[smem:$0x3FBA] =	sst s0  }
0x8c: {  	_ = 	snop  }
0x8d: {  	(tm) =	ssettm $0x1  }
0x8e: {  	s15 =	sld [smem:$0x3FFB];
	_ =	sdelay $0x3  }
0x8f: {  	_ =	strace s15  }
0x90: {  	s0 =	sld [smem:$0x3FFC];
	_ =	sdelay $0x3  }
0x91: {  	_ =	strace s0  }
0x92: {  	s0 =	sld [smem:$0x3FFD];
	_ =	sdelay $0x3  }
0x93: {  	_ =	strace s0  }
0x94: {  	_ =	strace $0x8FFFFFFF  }
0x95: {  	s16 =	sld [smem:$0x3FDB];
	_ =	sdelay $0x1  }
0x96: {  	s17 =	simm.s32 $_scs_section_size  }
0x97: {  	s2 =	simm.s32 $_size__tile_overlayer_lowered;
	s3 =	simm.s32 $_tile_overlayer_lowered  }
0x98: {  	s20 =	simm.s32 $0x1BFF;
	s19 =	sshll.u32 s3, $0x1;
	s0 =	sadd.s32 s17, s16  }
0x99: {  	s4 =	simm.s32 $0x0;
	s18 =	sshll.u32 s2, $0x1;
	s2 =	sadd.s32 s19, s0  }
0x9a: {  	[timem:s4], [sflag:s20] =	dma.local [hbm:s2], s18  }
0x9b: {  	_ =	swait.ge [sflag:s20], s18  }
0x9c: {  	s1 =	ssub.s32 $0x0, s18;
	[sflag:s20] =	ssyncset.done $0x0  }
0x9d: {  	[sflag:s20] =	ssyncadd.s32 s1;
	_ =	sdelay $0x1  }
0x9e: {  	s21 =	simm.s32 $0x1B8B  }
0x9f: {  	_ =	swait.ge [sflag:s21], $0x1  }
0xa0: {  	[sflag:s21] =	ssyncset.done $0x0  }
0xa1: {  	s23 =	simm.s32 $0x1B8E;
	s22 =	sld [smem:$0x3FFE];
	[sflag:s21] =	ssyncadd.s32 $0xFFFFFFFF  }
0xa2: {  	s24 =	simm.s32 $execute0_lowered;
	[smem:$0x3FD2] =	sst s23  }
0xa3: {  	s2 =	sshll.u32 s24, $0x1;
	_ =	strace $0x8000004C;
	[dreg:$0x1] =	wrdreg $0xFFFFFFFF  }
0xa4: {  	s25 =	simm.s32 $_size_execute0_lowered;
	s0 =	sadd.s32 s0, s2;
	[dreg:$0x0] =	wrdreg $0x0  }
0xa5: {  	s2 =	sshll.u32 s25, $0x1;
	[dreg:$0x2] =	wrdreg s0  }
0xa6: {  	[dreg:$0x3] =	wrdreg s2  }
0xa7: {  	[dreg:$0x4] =	wrdreg $0xC0  }
0xa8: {  	_ =	task [dreg:s4], $0x5FFFF  }
0xa9: {  	[dreg:$0x1] =	wrdreg $0xFFFFFFFF  }
0xaa: {  	[dreg:$0x0] =	wrdreg $0x60  }
0xab: {  	[dreg:$0x2] =	wrdreg s22  }
0xac: {  	[dreg:$0x3] =	wrdreg $0x9  }
0xad: {  	_ =	task.clear_ibuf [dreg:s4], $0x4FFFF;
	_ =	strace $0x9000004C  }
0xae: {  	s26 =	simm.s32 $0x9;
	_ =	strace $0x8000004E  }
0xaf: {  	_ =	swait.ge [sflag:s26], $0x1  }
0xb0: {  	[sflag:s26] =	ssyncadd.s32 $0xFFFFFFFF  }
0xb1: {  	_ =	strace $0x9000004E  }
0xb2: {  	_ =	sfence  }
0xb3: {  	s28 =	sld [smem:$0x0];
	_ =	sdelay $0x1  }
0xb4: {  	s29 =	srdreg.scid  }
0xb5: {  	s30 =	sshll.u32 s29, $0xD;
	s31 =	sshrl.u32 s29, $0x2  }
0xb6: {  	s1 =	sand.u32 $0x1, s29;
	s2 =	sand.u32 $0x4000, s30;
	s0 =	sadd.s32 s31, s28  }
0xb7: {  	s1 =	sor.u32 s2, s1;
	s0 =	sshll.u32 s0, $0x11  }
0xb8: {  	s0 =	sor.u32 s0, s1  }
0xb9: {  	s0 =	sadd.s32 $0x8F2B, s0  }
0xba: {  	[sflag:s0] =	ssyncadd.remote.s32 $0x1  }
0xbb: {  	_ =	sfence.sel $0xFFFF  }
0xbc: {  	[dreg:$0x0] =	wrdreg $0xFFFFFFFF;
	(pc) =	sbr.abs _section_cstart, $3  }
0xbd: {  	[dreg:$0x1] =	wrdreg $0xFFFFFFFF  }
0xbe: {  	_ =	task.clear_ibuf [dreg:s4], $0x2FFFF;
	_ =	strace $0x9FFFFFFF  }
0xbf: {  	(tm) =	ssettm $0x7FFFFFFF  }
tec
execute0_lowered:
.L_overlay_start_1:
0x0: {  	(tag) =	ssettag $0x1  }
0x1: {  	s7 =	rddreg [dreg:$0x0]  }
0x2: {  	s0 =	rddreg [dreg:$0x1];
	_ =	strace $0x8000004D  }
0x3: {  	s3 =	stileid.u32;
	s4 =	simm.s32 $0x3E;
	s1 =	sadd.s32 $0xC800, s7  }
0x4: {  	p0 =	sne.s32 s3, $0x0;
	[sflag:s4] =	ssyncpa.u1 $0x0;
	s29 =	smin.u32 s3, $0x8  }
0x5: {  	s30 =	sshll.u32 s3, $0x1;
	s2 =	simm.s32 @!p0 $0x1C3E;
	s5 =	simm.s32 @!p0 $0x0  }
0x6: {  	[spmem:s5], [sflag:s2] =	dma.local @!p0 [hbm:s1], $0x180  }
0x7: {  	s2 =	sadd.s32 s29, s30  }
0x8: {  	p1 =	slt.u32 s3, $0x8;
	s3 =	simm.s32 $0x5DC0;
	s2 =	smul.u32 $0x1F40, s2  }
0x9: {  	s3 =	simm.s32 @!p1 $0x3E80  }
0xa: {  	s3 =	sadd.s32 s3, s2  }
0xb: {  	s3 =	smin.u32 s3, $0x4E200  }
0xc: {  	s8 =	ssub.s32 s3, s2  }
0xd: {  	p1 =	sgt.s32 s8, $0x0  }
0xe: {  	s8 =	simm.s32 @!p1 $0x0  }
0xf: {  	s5 =	simm.s32 @!p0 $0x3E;
	s31 =	smulhi.u32 $0x10624DD3, s8  }
0x10: {  	_ =	swait.ge @!p0 [sflag:s5], $0x180  }
0x11: {  	s6 =	simm.s32 $0x2;
	[sflag:s5] =	ssyncset.done @!p0 $0x0;
	s9 =	sshrl.u32 s31, $0x9  }
0x12: {  	s11 =	simm.s32 $0x0;
	[sflag:s5] =	ssyncadd.s32 @!p0 $0xFFFFFE80;
	s10 =	smul.u32 $0x1F40, s9  }
.Ltmp0:
0x13: {  	s5 =	sadd.s32 $0x48200, s7;
	[bflag:$0x0] =	sbarrier.arrive $0xFFFF;
	(pc) =	sbr.rel .LBB2_1-.Ltmp0, $4  }
0x14: {  	s7 =	sadd.s32 $0x5BE00, s7;
	[sflag:s4] =	ssyncpa.u1 $0x1;
	s4 =	simm.s32 $0x1  }
0x15: {  	[sflag:s4] =	ssyncpa.u1 $0x0;
	p1 =	sne.s32 s8, s10;
	s8 =	simm.s32 $0x1  }
0x16: {  	(ifvalue) =	ssetifvalue $0xC00;
	[sflag:s6] =	ssyncpa.u1 $0x0;
	s8 =	simm.s32 @!p1 $0x0  }
0x17: {  	vm0 =	vmmov $0xffff;
	s10 =	smov.u32 s2;
	s8 =	sadd.s32 s8, s9;
	s9 =	simm.s32 $0x0  }
.LBB2_5:
0x18: {  	p2 =	sne.s32 s11, s8  }
.Ltmp1:
0x19: {  	_ = 	snop;
	(pc) =	sbr.rel @!p2 .LBB2_6-.Ltmp1, $4  }
0x1a: {  	_ = 	snop  }
0x1b: {  	s12 =	sadd.s32 $0x1F40, s10  }
0x1c: {  	s10 =	smov.u32 s2;
	s13 =	sadd.s32 $0x1, s11;
	p1 =	slt.s32 s12, s3  }
0x1d: {  	s11 =	smov.u32 s13;
	s10 =	smov.u32 @p1 s12  }
.LBB2_1:
0x1e: {  	p1 =	sge.u32 s11, s8  }
0x1f: {  	s12 =	sxor.u32 @!p1 $0xFFFFFFFF, s11  }
0x20: {  	s12 =	sand.u32 @!p1 $0x1, s12  }
0x21: {  	s12 =	smul.u32 @!p1 $0x1F40, s12  }
0x22: {  	s13 =	sshrl.u32 @!p1 s10, $0x3  }
0x23: {  	s16 =	sand.u32 @!p1 $0x7, s10;
	s14 =	sadd.s32 @!p1 s5, s13;
	s15 =	sadd.s32 @!p1 $0xC0, s12  }
0x24: {  	[tilespmem:s15], [sflag:$0x2] =	stream.linear.gather @!p1 [hbm4b:s14+s16], $0x1F40, $0x38;
	[tilespmem:$0x7DC0] =	vst v63  }
0x25: {  	s13 =	sadd.s32 @!p1 s7, s13;
	s12 =	sadd.s32 @!p1 $0x3F40, s12  }
0x26: {  	[tilespmem:s12], [sflag:$0x2] =	stream.linear.gather @!p1 [hbm4b:s13+s16], $0x1F40, $0x38;
	[tilespmem:$0x7DC0] =	vst v63  }
0x27: {  	p1 =	seq.s32 s11, $0x0  }
.Ltmp2:
0x28: {  	_ = 	snop;
	(pc) =	sbr.rel @p1 .LBB2_5-.Ltmp2, $1  }
0x29: {  	_ =	sdelay $0x3  }
0x2a: {  	s12 =	sand.u32 $0x1, s11  }
0x2b: {  	_ =	swait.ge [sflag:s6], $0x3E80;
	p1 =	seq.s32 s12, $0x1;
	s12 =	simm.s32 $0x1F40  }
0x2c: {  	[sflag:s6] =	ssyncset.done $0x0;
	s12 =	simm.s32 @!p1 $0x0  }
0x2d: {  	[sflag:s6] =	ssyncadd.s32 $0xFFFFC180;
	s14 =	sadd.s32 $0xC0, s12  }
0x2e: {  	v0 =	vld.msk [tilespmem:s14+$0x0 ss:$0x1], $0xffff;
	_ =	sdelay $0x4  }
0x2f: {  	v0 =	vmin.u32 v0, $0xC00;
	_ =	sdelay $0x3  }
0x30: {  	s13 =	simm.s32 $0x0;
	s12 =	sadd.s32 $0x3F40, s12;
	s14 =	sadd.s32 $0x10, s14  }
0x31: {  	[spmem:s9] =	stream.indirect_vreg.scatter.add.s32 [tilespmem:s12], [sflag:$0x1], $0x1, v0, vm0, $0x4038;
	[tilespmem:$0x7DC0] =	vst v63  }
.LBB2_3:
0x32: {  	v0 =	vld.msk [tilespmem:s14+$0x0 ss:$0x1], $0xffff;
	s13 =	sadd.s32 $0x10, s13  }
0x33: {  	p1 =	slt.u32 s13, $0x1F30;
	_ =	sdelay $0x4  }
0x34: {  	v0 =	vmin.u32 v0, $0xC00  }
.Ltmp3:
0x35: {  	(pc) =	sbr.rel @p1 .LBB2_3-.Ltmp3, $3  }
0x36: {  	_ =	sdelay $0x1  }
0x37: {  	s14 =	sadd.s32 $0x10, s14;
	s12 =	sadd.s32 $0x10, s12  }
0x38: {  	[spmem:s9] =	stream.indirect_vreg.scatter.add.s32 [tilespmem:s12], [sflag:$0x1], $0x1, v0, vm0, $0x4038;
	[tilespmem:$0x7DC0] =	vst v63  }
.Ltmp4:
0x39: {  	(pc) =	sbr.rel .LBB2_5-.Ltmp4, $4  }
0x3a: {  	_ = 	snop  }
0x3b: {  	_ =	swait.ge [sflag:s4], $0x1F40  }
0x3c: {  	[sflag:s4] =	ssyncset.done $0x0  }
0x3d: {  	[sflag:s4] =	ssyncadd.s32 $0xFFFFE0C0  }
.LBB2_6:
0x3e: {  	_ =	sfence.sel $0x180000  }
0x3f: {  	s2 =	simm.s32 $0x2;
	[bflag:$0x0] =	sbarrier.arrive $0xFFFF  }
0x40: {  	s30 =	simm.s32 $0x1;
	[sflag:s2] =	ssyncpa.u1 $0x1  }
0x41: {  	[sflag:s30] =	ssyncpa.u1 $0x1  }
0x42: {  	_ =	sfence.stream.spmem  }
0x43: {  	s31 =	simm.s32 $0x3D;
	[bflag:$0x0] =	sbarrier.arrive $0xFFFF  }
0x44: {  	s2 =	simm.s32 @p0 $0x3D;
	[sflag:s31] =	ssyncpa.u1 $0x0  }
0x45: {  	[sflag:s2] =	ssyncpa.u1 @p0 $0x1  }
0x46: {  	[bflag:$0x0] =	sbarrier.arrive @p0 $0xFFFF  }
0x47: {  	_ =	strace @p0 $0x9000004D  }
0x48: {  	s3 =	simm.s32 @!p0 $0x1C3D;
	s2 =	simm.s32 @!p0 $0x0;
	[bflag:$0x2] =	sbarrier.arrive @p0 $0xFFFF  }
0x49: {  	[hbm:s1], [sflag:s3] =	dma.local @!p0 [spmem:s2], $0x180  }
0x4a: {  	s1 =	simm.s32 @!p0 $0x3D  }
0x4b: {  	_ =	swait.ge @!p0 [sflag:s1], $0x180  }
0x4c: {  	[sflag:s1] =	ssyncset.done @!p0 $0x0  }
0x4d: {  	[sflag:s1] =	ssyncadd.s32 @!p0 $0xFFFFFE80  }
0x4e: {  	[sflag:s1] =	ssyncpa.u1 @!p0 $0x1  }
0x4f: {  	[bflag:$0x0] =	sbarrier.arrive @!p0 $0xFFFF  }
0x50: {  	_ =	strace @!p0 $0x9000004D  }
0x51: {  	s0 =	sadd.s32 @!p0 $0x100000, s0;
	[bflag:$0x2] =	sbarrier.arrive @!p0 $0xFFFF  }
0x52: {  	[sflag:s0] =	ssyncadd.tile.s32 @!p0 $0x1;
	_ =	shalt  }
.Lfunc_end2:
_tile_overlayer_lowered:
.L_overlay_start_2:
0x53: {  	(tag) =	ssettag $0x2  }
0x54: {  	s0 =	rddreg [dreg:$0x0];
	s2 =	stileid.u32  }
0x55: {  	s1 =	rddreg [dreg:$0x1];
	p0 =	sne.s32 s2, $0x0  }
0x56: {  	s3 =	rddreg [dreg:$0x2];
	[bflag:$0x3] =	sbarrier.arrive $0xFFFF;
	s2 =	simm.s32 @!p0 $0x1C01  }
0x57: {  	[timem:s3], [sflag:s2] =	dma.local @!p0 [hbm:s0], s1  }
0x58: {  	s0 =	simm.s32 @!p0 $0x1  }
0x59: {  	_ =	swait.ge @!p0 [sflag:s0], s1  }
0x5a: {  	s1 =	ssub.s32 @!p0 $0x0, s1;
	[sflag:s0] =	ssyncset.done @!p0 $0x0  }
0x5b: {  	[sflag:s0] =	ssyncadd.s32 @!p0 s1  }
0x5c: {  	[bflag:$0x3] =	sbarrier.arrive $0xFFFF  }
0x5d: {  	_ =	shalt  }

</sc_bundles>
